<compile_context>
chip_gen: v7x
topology: tpu7x:2x2x1
jax: 0.10.2.dev20260603
libtpu: 0.0.44.dev20260713+nightly
codegen_flags: <defaults>
</compile_context>

<pallas_src>
import jax
import jax.numpy as jnp
from jax import lax
from jax.experimental import pallas as pl
from jax.experimental.pallas import tpu as pltpu
from jax.experimental.pallas import tpu_sc as plsc

B = 16384
D = 64
DP = 128
CH = 128
HT = 256
NIDX = 6
NREL = 5
NHALF = NIDX * 2

NC, NS, L = 2, 16, 16
NW = NC * NS
BPW = B // NW


def _body(uid, wro, cit, coa, ven, aff,
          author_t, venue_t, affil_t, rel_t, doc_t,
          o_user, o_wrote, o_cited, o_coauth, o_venue, o_affil,
          o_r0, o_r1, o_r2, o_r3, o_r4,
          idx_all, rel_vmem, rel_blk, buf0, buf1, isem, gsem, wsem, rsem):
    wid = lax.axis_index("s") * NC + lax.axis_index("c")
    base = wid * BPW

    idx_srcs = (uid, wro, cit, coa, ven, aff)
    tables = (author_t, doc_t, doc_t, author_t, venue_t, affil_t)
    outs = (o_user, o_wrote, o_cited, o_coauth, o_venue, o_affil)
    rel_outs = (o_r0, o_r1, o_r2, o_r3, o_r4)
    bufs = (buf0, buf1)

    idx_cps = [pltpu.async_copy(idx_srcs[g].at[pl.ds(base, BPW)],
                                idx_all.at[g], isem)
               for g in range(NIDX)]

    pltpu.sync_copy(rel_t, rel_vmem)
    rel_cps = []
    for r in range(NREL):
        rows = [rel_vmem[r, pl.ds(c * L, L)] for c in range(DP // L)]

        def rep(i, _, rows=rows):
            for c in range(DP // L):
                rel_blk[i, pl.ds(c * L, L)] = rows[c]
            return 0

        lax.fori_loop(0, CH, rep, 0)
        cps = [
            pltpu.async_copy(rel_blk,
                             rel_outs[r].at[pl.ds(base + j * CH, CH), :],
                             rsem)
            for j in range(BPW // CH)
        ]
        for c in cps:
            c.wait()
        rel_cps += cps

    for c in idx_cps:
        c.wait()

    wcps = [None] * NHALF
    for h in range(NHALF):
        g, half = divmod(h, 2)
        slot = h % 2
        if h >= 2:
            wcps[h - 2].wait()
        cps = [pltpu.async_copy(
                   tables[g].at[idx_all.at[g, pl.ds(half * HT + j * CH, CH)]],
                   bufs[slot].at[pl.ds(j * CH, CH)], gsem)
               for j in range(HT // CH)]
        for c in cps:
            c.wait()
        wcps[h] = pltpu.async_copy(
            bufs[slot], outs[g].at[pl.ds(base + half * HT, HT), :], wsem)
    wcps[NHALF - 2].wait()
    wcps[NHALF - 1].wait()


@jax.jit
def _run(uid, wro, cit, coa, ven, aff, author_t, venue_t, affil_t, rel_t, doc_t):
    out = jax.ShapeDtypeStruct((B, DP), jnp.float32)
    k = pl.kernel(
        _body,
        out_type=[out] * 11,
        mesh=plsc.VectorSubcoreMesh(core_axis_name="c", subcore_axis_name="s",
                                    num_cores=NC, num_subcores=NS),
        scratch_types=[
            pltpu.VMEM((NIDX, BPW), jnp.int32),
            pltpu.VMEM((NREL, DP), jnp.float32),
            pltpu.VMEM((CH, DP), jnp.float32),
            pltpu.VMEM((HT, DP), jnp.float32),
            pltpu.VMEM((HT, DP), jnp.float32),
            pltpu.SemaphoreType.DMA,
            pltpu.SemaphoreType.DMA,
            pltpu.SemaphoreType.DMA,
            pltpu.SemaphoreType.DMA,
        ],
        compiler_params=pltpu.CompilerParams(use_tc_tiling_on_sc=True),
    )
    res = k(uid, wro, cit, coa, ven, aff,
            author_t, venue_t, affil_t, rel_t, doc_t)
    return tuple(o[:, :D] for o in res)


def _pad(t):
    return jnp.pad(t, ((0, 0), (0, DP - D)))


def kernel(user_id, wrote, cited, coauthor, venue, affiliation,
           author_table, venue_table, affiliation_table, relation_table,
           doc_embs):
    return _run(user_id.astype(jnp.int32), wrote.astype(jnp.int32),
                cited.astype(jnp.int32), coauthor.astype(jnp.int32),
                venue.astype(jnp.int32), affiliation.astype(jnp.int32),
                _pad(author_table), _pad(venue_table),
                _pad(affiliation_table), _pad(relation_table),
                _pad(doc_embs))

# --- scband reference (transcript-rebuilt; emitter-appended) ---
"""Pipeline reference for scband-graph-trans-h-17987323036332 (READ-ONLY COPY).

The authoritative reference and input builder live on the scoring server;
editing this copy changes nothing except your own understanding.
"""

import jax, jax.numpy as jnp
import numpy as np

B = 16384
D = 64
N_AUTH = 1_000_000
N_DOC = 1_000_000
N_VEN = 100_000
N_AFF = 100_000
N_REL = 5


def setup_inputs(seed: int = 0) -> dict:
    key = jax.random.key(seed)
    ks = jax.random.split(key, 11)
    user_id = jax.random.randint(ks[0], (B,), 0, N_AUTH)
    wrote = jax.random.randint(ks[1], (B,), 0, N_DOC)
    cited = jax.random.randint(ks[2], (B,), 0, N_DOC)
    coauthor = jax.random.randint(ks[3], (B,), 0, N_AUTH)
    venue = jax.random.randint(ks[4], (B,), 0, N_VEN)
    affiliation = jax.random.randint(ks[5], (B,), 0, N_AFF)
    scale = float(np.sqrt(6.0 / (N_AUTH + D)))  # xavier_uniform-like scale (approx)
    author_table = jax.random.uniform(ks[6], (N_AUTH, D), jnp.float32, -scale, scale)
    venue_table = jax.random.uniform(ks[7], (N_VEN, D), jnp.float32, -scale, scale)
    venue_table = venue_table.at[0].set(0.0)  # padding_idx=0
    affiliation_table = jax.random.uniform(ks[8], (N_AFF, D), jnp.float32, -scale, scale)
    affiliation_table = affiliation_table.at[0].set(0.0)  # padding_idx=0
    relation_table = jax.random.uniform(ks[9], (N_REL, D), jnp.float32, -scale, scale)
    doc_embs = jax.random.normal(ks[10], (N_DOC, D), jnp.float32)
    return {
        "user_id": user_id,
        "wrote": wrote,
        "cited": cited,
        "coauthor": coauthor,
        "venue": venue,
        "affiliation": affiliation,
        "author_table": author_table,
        "venue_table": venue_table,
        "affiliation_table": affiliation_table,
        "relation_table": relation_table,
        "doc_embs": doc_embs,
    }


def reference(user_id, wrote, cited, coauthor, venue, affiliation,
              author_table, venue_table, affiliation_table, relation_table, doc_embs):
    # mode='transe', normalize=False -> pure embedding gathers + relation broadcast
    user_embs = jnp.take(author_table, user_id, axis=0)
    wrote_embs = jnp.take(doc_embs, wrote, axis=0)
    cited_embs = jnp.take(doc_embs, cited, axis=0)
    coauthor_embs = jnp.take(author_table, coauthor, axis=0)
    venue_embs = jnp.take(venue_table, venue, axis=0)
    affiliation_embs = jnp.take(affiliation_table, affiliation, axis=0)
    wrote_rel = jnp.broadcast_to(relation_table[0][None, :], wrote_embs.shape)
    cited_rel = jnp.broadcast_to(relation_table[1][None, :], cited_embs.shape)
    co_author_rel = jnp.broadcast_to(relation_table[2][None, :], coauthor_embs.shape)
    venue_rel = jnp.broadcast_to(relation_table[3][None, :], venue_embs.shape)
    affiliation_rel = jnp.broadcast_to(relation_table[4][None, :], affiliation_embs.shape)
    return (user_embs, wrote_embs, cited_embs, coauthor_embs, venue_embs,
            affiliation_embs, wrote_rel, cited_rel, co_author_rel, venue_rel,
            affiliation_rel)

if __name__ == "__main__":
    import jax
    _d = setup_inputs()
    print(jax.jit(kernel)(*tuple(_d.values())))

</pallas_src>

<mosaic_0001>
#map = affine_map<(d0, d1) -> (0)>
#map1 = affine_map<(d0, d1) -> (0, 0)>
module attributes {stable_mosaic.version = 14 : i64} {
  func.func @_body(%arg0: i32, %arg1: i32, %arg2: memref<16384xi32, #tpu.memory_space<hbm>>, %arg3: memref<16384xi32, #tpu.memory_space<hbm>>, %arg4: memref<16384xi32, #tpu.memory_space<hbm>>, %arg5: memref<16384xi32, #tpu.memory_space<hbm>>, %arg6: memref<16384xi32, #tpu.memory_space<hbm>>, %arg7: memref<16384xi32, #tpu.memory_space<hbm>>, %arg8: memref<1000000x128xf32, #tpu.memory_space<hbm>>, %arg9: memref<100000x128xf32, #tpu.memory_space<hbm>>, %arg10: memref<100000x128xf32, #tpu.memory_space<hbm>>, %arg11: memref<5x128xf32, #tpu.memory_space<hbm>>, %arg12: memref<1000000x128xf32, #tpu.memory_space<hbm>>, %arg13: memref<16384x128xf32, #tpu.memory_space<hbm>>, %arg14: memref<16384x128xf32, #tpu.memory_space<hbm>>, %arg15: memref<16384x128xf32, #tpu.memory_space<hbm>>, %arg16: memref<16384x128xf32, #tpu.memory_space<hbm>>, %arg17: memref<16384x128xf32, #tpu.memory_space<hbm>>, %arg18: memref<16384x128xf32, #tpu.memory_space<hbm>>, %arg19: memref<16384x128xf32, #tpu.memory_space<hbm>>, %arg20: memref<16384x128xf32, #tpu.memory_space<hbm>>, %arg21: memref<16384x128xf32, #tpu.memory_space<hbm>>, %arg22: memref<16384x128xf32, #tpu.memory_space<hbm>>, %arg23: memref<16384x128xf32, #tpu.memory_space<hbm>>, %arg24: memref<6x512xi32, #tpu.memory_space<vmem>>, %arg25: memref<5x128xf32, #tpu.memory_space<vmem>>, %arg26: memref<128x128xf32, #tpu.memory_space<vmem>>, %arg27: memref<256x128xf32, #tpu.memory_space<vmem>>, %arg28: memref<256x128xf32, #tpu.memory_space<vmem>>, %arg29: memref<!tpu.dma_semaphore, #tpu.memory_space<semaphore_mem>>, %arg30: memref<!tpu.dma_semaphore, #tpu.memory_space<semaphore_mem>>, %arg31: memref<!tpu.dma_semaphore, #tpu.memory_space<semaphore_mem>>, %arg32: memref<!tpu.dma_semaphore, #tpu.memory_space<semaphore_mem>>) attributes {dimension_semantics = [#tpu.dimension_semantics<core_parallel>, #tpu.dimension_semantics<subcore_parallel>], iteration_bounds = array<i64: 2, 16>, scalar_prefetch = 0 : i64, scratch_operands = 9 : i64, tpu.core_type = #tpu.core_type<sc_vector_subcore>, window_params = [{transform_indices = #map}, {transform_indices = #map}, {transform_indices = #map}, {transform_indices = #map}, {transform_indices = #map}, {transform_indices = #map}, {transform_indices = #map1}, {transform_indices = #map1}, {transform_indices = #map1}, {transform_indices = #map1}, {transform_indices = #map1}, {transform_indices = #map1}, {transform_indices = #map1}, {transform_indices = #map1}, {transform_indices = #map1}, {transform_indices = #map1}, {transform_indices = #map1}, {transform_indices = #map1}, {transform_indices = #map1}, {transform_indices = #map1}, {transform_indices = #map1}, {transform_indices = #map1}]} {
    %mul3A = arith.constant 2 : i32
    %mul3A_0 = arith.muli %arg1, %mul3A : i32
    %add3A = arith.addi %mul3A_0, %arg0 : i32
    %mul3A_1 = arith.constant 512 : i32
    %mul3A_2 = arith.muli %add3A, %mul3A_1 : i32
    %dma_start3A = arith.constant 0 : i32
    %dma_start3A_3 = arith.constant 0 : i32
    %dma_start3A_4 = tpu.memref_slice %arg24[%dma_start3A, %dma_start3A_3] : memref<6x512xi32, #tpu.memory_space<vmem>> -> memref<1x512xi32, #tpu.memory_space<vmem>>
    %dma_start3A_5 = tpu.memref_squeeze %dma_start3A_4 : memref<1x512xi32, #tpu.memory_space<vmem>> -> memref<512xi32, #tpu.memory_space<vmem>>
    %dma_start3A_6 = tpu.memref_slice %arg2[%mul3A_2] : memref<16384xi32, #tpu.memory_space<hbm>> -> memref<512xi32, #tpu.memory_space<hbm>>
    %dma_start3A_7 = arith.constant 0 : i32
    %dma_start3A_8 = tpu.memref_slice %arg24[%dma_start3A, %dma_start3A_7] : memref<6x512xi32, #tpu.memory_space<vmem>> -> memref<1x512xi32, #tpu.memory_space<vmem>>
    %dma_start3A_9 = tpu.memref_squeeze %dma_start3A_8 : memref<1x512xi32, #tpu.memory_space<vmem>> -> memref<512xi32, #tpu.memory_space<vmem>>
    %dma_start3A_10 = tpu.memref_slice %arg2[%mul3A_2] : memref<16384xi32, #tpu.memory_space<hbm>> -> memref<512xi32, #tpu.memory_space<hbm>>
    tpu.enqueue_dma source(%dma_start3A_10 : memref<512xi32, #tpu.memory_space<hbm>>) target(%dma_start3A_9 : memref<512xi32, #tpu.memory_space<vmem>>) target_semaphore(%arg29 : memref<!tpu.dma_semaphore, #tpu.memory_space<semaphore_mem>>)
    %dma_start3A_11 = arith.constant 1 : i32
    %dma_start3A_12 = arith.constant 0 : i32
    %dma_start3A_13 = tpu.memref_slice %arg24[%dma_start3A_11, %dma_start3A_12] : memref<6x512xi32, #tpu.memory_space<vmem>> -> memref<1x512xi32, #tpu.memory_space<vmem>>
    %dma_start3A_14 = tpu.memref_squeeze %dma_start3A_13 : memref<1x512xi32, #tpu.memory_space<vmem>> -> memref<512xi32, #tpu.memory_space<vmem>>
    %dma_start3A_15 = tpu.memref_slice %arg3[%mul3A_2] : memref<16384xi32, #tpu.memory_space<hbm>> -> memref<512xi32, #tpu.memory_space<hbm>>
    %dma_start3A_16 = arith.constant 0 : i32
    %dma_start3A_17 = tpu.memref_slice %arg24[%dma_start3A_11, %dma_start3A_16] : memref<6x512xi32, #tpu.memory_space<vmem>> -> memref<1x512xi32, #tpu.memory_space<vmem>>
    %dma_start3A_18 = tpu.memref_squeeze %dma_start3A_17 : memref<1x512xi32, #tpu.memory_space<vmem>> -> memref<512xi32, #tpu.memory_space<vmem>>
    %dma_start3A_19 = tpu.memref_slice %arg3[%mul3A_2] : memref<16384xi32, #tpu.memory_space<hbm>> -> memref<512xi32, #tpu.memory_space<hbm>>
    tpu.enqueue_dma source(%dma_start3A_19 : memref<512xi32, #tpu.memory_space<hbm>>) target(%dma_start3A_18 : memref<512xi32, #tpu.memory_space<vmem>>) target_semaphore(%arg29 : memref<!tpu.dma_semaphore, #tpu.memory_space<semaphore_mem>>)
    %dma_start3A_20 = arith.constant 2 : i32
    %dma_start3A_21 = arith.constant 0 : i32
    %dma_start3A_22 = tpu.memref_slice %arg24[%dma_start3A_20, %dma_start3A_21] : memref<6x512xi32, #tpu.memory_space<vmem>> -> memref<1x512xi32, #tpu.memory_space<vmem>>
    %dma_start3A_23 = tpu.memref_squeeze %dma_start3A_22 : memref<1x512xi32, #tpu.memory_space<vmem>> -> memref<512xi32, #tpu.memory_space<vmem>>
    %dma_start3A_24 = tpu.memref_slice %arg4[%mul3A_2] : memref<16384xi32, #tpu.memory_space<hbm>> -> memref<512xi32, #tpu.memory_space<hbm>>
    %dma_start3A_25 = arith.constant 0 : i32
    %dma_start3A_26 = tpu.memref_slice %arg24[%dma_start3A_20, %dma_start3A_25] : memref<6x512xi32, #tpu.memory_space<vmem>> -> memref<1x512xi32, #tpu.memory_space<vmem>>
    %dma_start3A_27 = tpu.memref_squeeze %dma_start3A_26 : memref<1x512xi32, #tpu.memory_space<vmem>> -> memref<512xi32, #tpu.memory_space<vmem>>
    %dma_start3A_28 = tpu.memref_slice %arg4[%mul3A_2] : memref<16384xi32, #tpu.memory_space<hbm>> -> memref<512xi32, #tpu.memory_space<hbm>>
    tpu.enqueue_dma source(%dma_start3A_28 : memref<512xi32, #tpu.memory_space<hbm>>) target(%dma_start3A_27 : memref<512xi32, #tpu.memory_space<vmem>>) target_semaphore(%arg29 : memref<!tpu.dma_semaphore, #tpu.memory_space<semaphore_mem>>)
    %dma_start3A_29 = arith.constant 3 : i32
    %dma_start3A_30 = arith.constant 0 : i32
    %dma_start3A_31 = tpu.memref_slice %arg24[%dma_start3A_29, %dma_start3A_30] : memref<6x512xi32, #tpu.memory_space<vmem>> -> memref<1x512xi32, #tpu.memory_space<vmem>>
    %dma_start3A_32 = tpu.memref_squeeze %dma_start3A_31 : memref<1x512xi32, #tpu.memory_space<vmem>> -> memref<512xi32, #tpu.memory_space<vmem>>
    %dma_start3A_33 = tpu.memref_slice %arg5[%mul3A_2] : memref<16384xi32, #tpu.memory_space<hbm>> -> memref<512xi32, #tpu.memory_space<hbm>>
    %dma_start3A_34 = arith.constant 0 : i32
    %dma_start3A_35 = tpu.memref_slice %arg24[%dma_start3A_29, %dma_start3A_34] : memref<6x512xi32, #tpu.memory_space<vmem>> -> memref<1x512xi32, #tpu.memory_space<vmem>>
    %dma_start3A_36 = tpu.memref_squeeze %dma_start3A_35 : memref<1x512xi32, #tpu.memory_space<vmem>> -> memref<512xi32, #tpu.memory_space<vmem>>
    %dma_start3A_37 = tpu.memref_slice %arg5[%mul3A_2] : memref<16384xi32, #tpu.memory_space<hbm>> -> memref<512xi32, #tpu.memory_space<hbm>>
    tpu.enqueue_dma source(%dma_start3A_37 : memref<512xi32, #tpu.memory_space<hbm>>) target(%dma_start3A_36 : memref<512xi32, #tpu.memory_space<vmem>>) target_semaphore(%arg29 : memref<!tpu.dma_semaphore, #tpu.memory_space<semaphore_mem>>)
    %dma_start3A_38 = arith.constant 4 : i32
    %dma_start3A_39 = arith.constant 0 : i32
    %dma_start3A_40 = tpu.memref_slice %arg24[%dma_start3A_38, %dma_start3A_39] : memref<6x512xi32, #tpu.memory_space<vmem>> -> memref<1x512xi32, #tpu.memory_space<vmem>>
    %dma_start3A_41 = tpu.memref_squeeze %dma_start3A_40 : memref<1x512xi32, #tpu.memory_space<vmem>> -> memref<512xi32, #tpu.memory_space<vmem>>
    %dma_start3A_42 = tpu.memref_slice %arg6[%mul3A_2] : memref<16384xi32, #tpu.memory_space<hbm>> -> memref<512xi32, #tpu.memory_space<hbm>>
    %dma_start3A_43 = arith.constant 0 : i32
    %dma_start3A_44 = tpu.memref_slice %arg24[%dma_start3A_38, %dma_start3A_43] : memref<6x512xi32, #tpu.memory_space<vmem>> -> memref<1x512xi32, #tpu.memory_space<vmem>>
    %dma_start3A_45 = tpu.memref_squeeze %dma_start3A_44 : memref<1x512xi32, #tpu.memory_space<vmem>> -> memref<512xi32, #tpu.memory_space<vmem>>
    %dma_start3A_46 = tpu.memref_slice %arg6[%mul3A_2] : memref<16384xi32, #tpu.memory_space<hbm>> -> memref<512xi32, #tpu.memory_space<hbm>>
    tpu.enqueue_dma source(%dma_start3A_46 : memref<512xi32, #tpu.memory_space<hbm>>) target(%dma_start3A_45 : memref<512xi32, #tpu.memory_space<vmem>>) target_semaphore(%arg29 : memref<!tpu.dma_semaphore, #tpu.memory_space<semaphore_mem>>)
    %dma_start3A_47 = arith.constant 5 : i32
    %dma_start3A_48 = arith.constant 0 : i32
    %dma_start3A_49 = tpu.memref_slice %arg24[%dma_start3A_47, %dma_start3A_48] : memref<6x512xi32, #tpu.memory_space<vmem>> -> memref<1x512xi32, #tpu.memory_space<vmem>>
    %dma_start3A_50 = tpu.memref_squeeze %dma_start3A_49 : memref<1x512xi32, #tpu.memory_space<vmem>> -> memref<512xi32, #tpu.memory_space<vmem>>
    %dma_start3A_51 = tpu.memref_slice %arg7[%mul3A_2] : memref<16384xi32, #tpu.memory_space<hbm>> -> memref<512xi32, #tpu.memory_space<hbm>>
    %dma_start3A_52 = arith.constant 0 : i32
    %dma_start3A_53 = tpu.memref_slice %arg24[%dma_start3A_47, %dma_start3A_52] : memref<6x512xi32, #tpu.memory_space<vmem>> -> memref<1x512xi32, #tpu.memory_space<vmem>>
    %dma_start3A_54 = tpu.memref_squeeze %dma_start3A_53 : memref<1x512xi32, #tpu.memory_space<vmem>> -> memref<512xi32, #tpu.memory_space<vmem>>
    %dma_start3A_55 = tpu.memref_slice %arg7[%mul3A_2] : memref<16384xi32, #tpu.memory_space<hbm>> -> memref<512xi32, #tpu.memory_space<hbm>>
    tpu.enqueue_dma source(%dma_start3A_55 : memref<512xi32, #tpu.memory_space<hbm>>) target(%dma_start3A_54 : memref<512xi32, #tpu.memory_space<vmem>>) target_semaphore(%arg29 : memref<!tpu.dma_semaphore, #tpu.memory_space<semaphore_mem>>)
    "tpu.region"() ({
      %run_scoped3A = tpu.sem_alloc : memref<!tpu.dma_semaphore, #tpu.memory_space<semaphore_mem>>
      tpu.enqueue_dma source(%arg11 : memref<5x128xf32, #tpu.memory_space<hbm>>) target(%arg25 : memref<5x128xf32, #tpu.memory_space<vmem>>) target_semaphore(%run_scoped3A : memref<!tpu.dma_semaphore, #tpu.memory_space<semaphore_mem>>)
      tpu.wait_dma2 semaphore(%run_scoped3A : memref<!tpu.dma_semaphore, #tpu.memory_space<semaphore_mem>>) src(%arg11 : memref<5x128xf32, #tpu.memory_space<hbm>>) dst(%arg25 : memref<5x128xf32, #tpu.memory_space<vmem>>)
      tpu.yield
    }) : () -> ()
    %get3A = arith.constant 0 : i32
    %get3A_56 = arith.index_cast %get3A : i32 to index
    %get3A_57 = arith.constant 0 : index
    %get3A_58 = tpu.vector_load %arg25[%get3A_56, %get3A_57] {strides = array<i32>} : memref<5x128xf32, #tpu.memory_space<vmem>>, vector<1x16xf32>,
    %get3A_59 = vector.shape_cast %get3A_58 : vector<1x16xf32> to vector<16xf32>
    %get3A_60 = arith.constant 0 : i32
    %get3A_61 = arith.index_cast %get3A_60 : i32 to index
    %get3A_62 = arith.constant 16 : index
    %get3A_63 = tpu.vector_load %arg25[%get3A_61, %get3A_62] {strides = array<i32>} : memref<5x128xf32, #tpu.memory_space<vmem>>, vector<1x16xf32>,
    %get3A_64 = vector.shape_cast %get3A_63 : vector<1x16xf32> to vector<16xf32>
    %get3A_65 = arith.constant 0 : i32
    %get3A_66 = arith.index_cast %get3A_65 : i32 to index
    %get3A_67 = arith.constant 32 : index
    %get3A_68 = tpu.vector_load %arg25[%get3A_66, %get3A_67] {strides = array<i32>} : memref<5x128xf32, #tpu.memory_space<vmem>>, vector<1x16xf32>,
    %get3A_69 = vector.shape_cast %get3A_68 : vector<1x16xf32> to vector<16xf32>
    %get3A_70 = arith.constant 0 : i32
    %get3A_71 = arith.index_cast %get3A_70 : i32 to index
    %get3A_72 = arith.constant 48 : index
    %get3A_73 = tpu.vector_load %arg25[%get3A_71, %get3A_72] {strides = array<i32>} : memref<5x128xf32, #tpu.memory_space<vmem>>, vector<1x16xf32>,
    %get3A_74 = vector.shape_cast %get3A_73 : vector<1x16xf32> to vector<16xf32>
    %get3A_75 = arith.constant 0 : i32
    %get3A_76 = arith.index_cast %get3A_75 : i32 to index
    %get3A_77 = arith.constant 64 : index
    %get3A_78 = tpu.vector_load %arg25[%get3A_76, %get3A_77] {strides = array<i32>} : memref<5x128xf32, #tpu.memory_space<vmem>>, vector<1x16xf32>,
    %get3A_79 = vector.shape_cast %get3A_78 : vector<1x16xf32> to vector<16xf32>
    %get3A_80 = arith.constant 0 : i32
    %get3A_81 = arith.index_cast %get3A_80 : i32 to index
    %get3A_82 = arith.constant 80 : index
    %get3A_83 = tpu.vector_load %arg25[%get3A_81, %get3A_82] {strides = array<i32>} : memref<5x128xf32, #tpu.memory_space<vmem>>, vector<1x16xf32>,
    %get3A_84 = vector.shape_cast %get3A_83 : vector<1x16xf32> to vector<16xf32>
    %get3A_85 = arith.constant 0 : i32
    %get3A_86 = arith.index_cast %get3A_85 : i32 to index
    %get3A_87 = arith.constant 96 : index
    %get3A_88 = tpu.vector_load %arg25[%get3A_86, %get3A_87] {strides = array<i32>} : memref<5x128xf32, #tpu.memory_space<vmem>>, vector<1x16xf32>,
    %get3A_89 = vector.shape_cast %get3A_88 : vector<1x16xf32> to vector<16xf32>
    %get3A_90 = arith.constant 0 : i32
    %get3A_91 = arith.index_cast %get3A_90 : i32 to index
    %get3A_92 = arith.constant 112 : index
    %get3A_93 = tpu.vector_load %arg25[%get3A_91, %get3A_92] {strides = array<i32>} : memref<5x128xf32, #tpu.memory_space<vmem>>, vector<1x16xf32>,
    %get3A_94 = vector.shape_cast %get3A_93 : vector<1x16xf32> to vector<16xf32>
    %scan3A = arith.constant 0 : i32
    %scan3A_95 = arith.constant 0 : i32
    %scan3A_96 = arith.constant 128 : i32
    %scan3A_97 = arith.addi %scan3A_95, %scan3A_96 : i32
    %scan3A_98 = arith.constant 1 : i32
    %scan3A_99 = scf.for %scan3A_1142 = %scan3A_95 to %scan3A_97 step %scan3A_98 iter_args(%scan3A_1143 = %scan3A) -> (i32)  : i32 {
      %swap3A = arith.index_cast %scan3A_1142 : i32 to index
      %swap3A_1144 = arith.constant 0 : index
      %swap3A_1145 = tpu.vector_load %arg26[%swap3A, %swap3A_1144] {strides = array<i32>} : memref<128x128xf32, #tpu.memory_space<vmem>>, vector<1x16xf32>,
      %swap3A_1146 = vector.shape_cast %swap3A_1145 : vector<1x16xf32> to vector<16xf32>
      %swap3A_1147 = vector.shape_cast %get3A_59 : vector<16xf32> to vector<1x16xf32>
      tpu.vector_store %arg26[%swap3A, %swap3A_1144], %swap3A_1147 {strides = array<i32>} : memref<128x128xf32, #tpu.memory_space<vmem>>, vector<1x16xf32>,
      %swap3A_1148 = arith.index_cast %scan3A_1142 : i32 to index
      %swap3A_1149 = arith.constant 16 : index
      %swap3A_1150 = tpu.vector_load %arg26[%swap3A_1148, %swap3A_1149] {strides = array<i32>} : memref<128x128xf32, #tpu.memory_space<vmem>>, vector<1x16xf32>,
      %swap3A_1151 = vector.shape_cast %swap3A_1150 : vector<1x16xf32> to vector<16xf32>
      %swap3A_1152 = vector.shape_cast %get3A_64 : vector<16xf32> to vector<1x16xf32>
      tpu.vector_store %arg26[%swap3A_1148, %swap3A_1149], %swap3A_1152 {strides = array<i32>} : memref<128x128xf32, #tpu.memory_space<vmem>>, vector<1x16xf32>,
      %swap3A_1153 = arith.index_cast %scan3A_1142 : i32 to index
      %swap3A_1154 = arith.constant 32 : index
      %swap3A_1155 = tpu.vector_load %arg26[%swap3A_1153, %swap3A_1154] {strides = array<i32>} : memref<128x128xf32, #tpu.memory_space<vmem>>, vector<1x16xf32>,
      %swap3A_1156 = vector.shape_cast %swap3A_1155 : vector<1x16xf32> to vector<16xf32>
      %swap3A_1157 = vector.shape_cast %get3A_69 : vector<16xf32> to vector<1x16xf32>
      tpu.vector_store %arg26[%swap3A_1153, %swap3A_1154], %swap3A_1157 {strides = array<i32>} : memref<128x128xf32, #tpu.memory_space<vmem>>, vector<1x16xf32>,
      %swap3A_1158 = arith.index_cast %scan3A_1142 : i32 to index
      %swap3A_1159 = arith.constant 48 : index
      %swap3A_1160 = tpu.vector_load %arg26[%swap3A_1158, %swap3A_1159] {strides = array<i32>} : memref<128x128xf32, #tpu.memory_space<vmem>>, vector<1x16xf32>,
      %swap3A_1161 = vector.shape_cast %swap3A_1160 : vector<1x16xf32> to vector<16xf32>
      %swap3A_1162 = vector.shape_cast %get3A_74 : vector<16xf32> to vector<1x16xf32>
      tpu.vector_store %arg26[%swap3A_1158, %swap3A_1159], %swap3A_1162 {strides = array<i32>} : memref<128x128xf32, #tpu.memory_space<vmem>>, vector<1x16xf32>,
      %swap3A_1163 = arith.index_cast %scan3A_1142 : i32 to index
      %swap3A_1164 = arith.constant 64 : index
      %swap3A_1165 = tpu.vector_load %arg26[%swap3A_1163, %swap3A_1164] {strides = array<i32>} : memref<128x128xf32, #tpu.memory_space<vmem>>, vector<1x16xf32>,
      %swap3A_1166 = vector.shape_cast %swap3A_1165 : vector<1x16xf32> to vector<16xf32>
      %swap3A_1167 = vector.shape_cast %get3A_79 : vector<16xf32> to vector<1x16xf32>
      tpu.vector_store %arg26[%swap3A_1163, %swap3A_1164], %swap3A_1167 {strides = array<i32>} : memref<128x128xf32, #tpu.memory_space<vmem>>, vector<1x16xf32>,
      %swap3A_1168 = arith.index_cast %scan3A_1142 : i32 to index
      %swap3A_1169 = arith.constant 80 : index
      %swap3A_1170 = tpu.vector_load %arg26[%swap3A_1168, %swap3A_1169] {strides = array<i32>} : memref<128x128xf32, #tpu.memory_space<vmem>>, vector<1x16xf32>,
      %swap3A_1171 = vector.shape_cast %swap3A_1170 : vector<1x16xf32> to vector<16xf32>
      %swap3A_1172 = vector.shape_cast %get3A_84 : vector<16xf32> to vector<1x16xf32>
      tpu.vector_store %arg26[%swap3A_1168, %swap3A_1169], %swap3A_1172 {strides = array<i32>} : memref<128x128xf32, #tpu.memory_space<vmem>>, vector<1x16xf32>,
      %swap3A_1173 = arith.index_cast %scan3A_1142 : i32 to index
      %swap3A_1174 = arith.constant 96 : index
      %swap3A_1175 = tpu.vector_load %arg26[%swap3A_1173, %swap3A_1174] {strides = array<i32>} : memref<128x128xf32, #tpu.memory_space<vmem>>, vector<1x16xf32>,
      %swap3A_1176 = vector.shape_cast %swap3A_1175 : vector<1x16xf32> to vector<16xf32>
      %swap3A_1177 = vector.shape_cast %get3A_89 : vector<16xf32> to vector<1x16xf32>
      tpu.vector_store %arg26[%swap3A_1173, %swap3A_1174], %swap3A_1177 {strides = array<i32>} : memref<128x128xf32, #tpu.memory_space<vmem>>, vector<1x16xf32>,
      %swap3A_1178 = arith.index_cast %scan3A_1142 : i32 to index
      %swap3A_1179 = arith.constant 112 : index
      %swap3A_1180 = tpu.vector_load %arg26[%swap3A_1178, %swap3A_1179] {strides = array<i32>} : memref<128x128xf32, #tpu.memory_space<vmem>>, vector<1x16xf32>,
      %swap3A_1181 = vector.shape_cast %swap3A_1180 : vector<1x16xf32> to vector<16xf32>
      %swap3A_1182 = vector.shape_cast %get3A_94 : vector<16xf32> to vector<1x16xf32>
      tpu.vector_store %arg26[%swap3A_1178, %swap3A_1179], %swap3A_1182 {strides = array<i32>} : memref<128x128xf32, #tpu.memory_space<vmem>>, vector<1x16xf32>,
      %scan3A_1183 = arith.constant 0 : i32
      scf.yield %scan3A_1183 : i32
    }
    %scan3A_100 = arith.constant 128 : i32
    %add3A_101 = arith.constant 0 : i32
    %add3A_102 = arith.addi %mul3A_2, %add3A_101 : i32
    %dma_start3A_103 = arith.constant 0 : i32
    %dma_start3A_104 = tpu.memref_slice %arg19[%add3A_102, %dma_start3A_103] : memref<16384x128xf32, #tpu.memory_space<hbm>> -> memref<128x128xf32, #tpu.memory_space<hbm>>
    %dma_start3A_105 = arith.constant 0 : i32
    %dma_start3A_106 = tpu.memref_slice %arg19[%add3A_102, %dma_start3A_105] : memref<16384x128xf32, #tpu.memory_space<hbm>> -> memref<128x128xf32, #tpu.memory_space<hbm>>
    tpu.enqueue_dma source(%arg26 : memref<128x128xf32, #tpu.memory_space<vmem>>) target(%dma_start3A_106 : memref<128x128xf32, #tpu.memory_space<hbm>>) target_semaphore(%arg32 : memref<!tpu.dma_semaphore, #tpu.memory_space<semaphore_mem>>)
    %add3A_107 = arith.constant 128 : i32
    %add3A_108 = arith.addi %mul3A_2, %add3A_107 : i32
    %dma_start3A_109 = arith.constant 0 : i32
    %dma_start3A_110 = tpu.memref_slice %arg19[%add3A_108, %dma_start3A_109] : memref<16384x128xf32, #tpu.memory_space<hbm>> -> memref<128x128xf32, #tpu.memory_space<hbm>>
    %dma_start3A_111 = arith.constant 0 : i32
    %dma_start3A_112 = tpu.memref_slice %arg19[%add3A_108, %dma_start3A_111] : memref<16384x128xf32, #tpu.memory_space<hbm>> -> memref<128x128xf32, #tpu.memory_space<hbm>>
    tpu.enqueue_dma source(%arg26 : memref<128x128xf32, #tpu.memory_space<vmem>>) target(%dma_start3A_112 : memref<128x128xf32, #tpu.memory_space<hbm>>) target_semaphore(%arg32 : memref<!tpu.dma_semaphore, #tpu.memory_space<semaphore_mem>>)
    %add3A_113 = arith.constant 256 : i32
    %add3A_114 = arith.addi %mul3A_2, %add3A_113 : i32
    %dma_start3A_115 = arith.constant 0 : i32
    %dma_start3A_116 = tpu.memref_slice %arg19[%add3A_114, %dma_start3A_115] : memref<16384x128xf32, #tpu.memory_space<hbm>> -> memref<128x128xf32, #tpu.memory_space<hbm>>
    %dma_start3A_117 = arith.constant 0 : i32
    %dma_start3A_118 = tpu.memref_slice %arg19[%add3A_114, %dma_start3A_117] : memref<16384x128xf32, #tpu.memory_space<hbm>> -> memref<128x128xf32, #tpu.memory_space<hbm>>
    tpu.enqueue_dma source(%arg26 : memref<128x128xf32, #tpu.memory_space<vmem>>) target(%dma_start3A_118 : memref<128x128xf32, #tpu.memory_space<hbm>>) target_semaphore(%arg32 : memref<!tpu.dma_semaphore, #tpu.memory_space<semaphore_mem>>)
    %add3A_119 = arith.constant 384 : i32
    %add3A_120 = arith.addi %mul3A_2, %add3A_119 : i32
    %dma_start3A_121 = arith.constant 0 : i32
    %dma_start3A_122 = tpu.memref_slice %arg19[%add3A_120, %dma_start3A_121] : memref<16384x128xf32, #tpu.memory_space<hbm>> -> memref<128x128xf32, #tpu.memory_space<hbm>>
    %dma_start3A_123 = arith.constant 0 : i32
    %dma_start3A_124 = tpu.memref_slice %arg19[%add3A_120, %dma_start3A_123] : memref<16384x128xf32, #tpu.memory_space<hbm>> -> memref<128x128xf32, #tpu.memory_space<hbm>>
    tpu.enqueue_dma source(%arg26 : memref<128x128xf32, #tpu.memory_space<vmem>>) target(%dma_start3A_124 : memref<128x128xf32, #tpu.memory_space<hbm>>) target_semaphore(%arg32 : memref<!tpu.dma_semaphore, #tpu.memory_space<semaphore_mem>>)
    %dma_wait3A = arith.constant 0 : i32
    %dma_wait3A_125 = tpu.memref_slice %arg19[%add3A_102, %dma_wait3A] : memref<16384x128xf32, #tpu.memory_space<hbm>> -> memref<128x128xf32, #tpu.memory_space<hbm>>
    %dma_wait3A_126 = arith.constant 0 : i32
    %dma_wait3A_127 = tpu.memref_slice %arg19[%add3A_102, %dma_wait3A_126] : memref<16384x128xf32, #tpu.memory_space<hbm>> -> memref<128x128xf32, #tpu.memory_space<hbm>>
    tpu.wait_dma2 semaphore(%arg32 : memref<!tpu.dma_semaphore, #tpu.memory_space<semaphore_mem>>) src(%arg26 : memref<128x128xf32, #tpu.memory_space<vmem>>) dst(%dma_wait3A_127 : memref<128x128xf32, #tpu.memory_space<hbm>>)
    %dma_wait3A_128 = arith.constant 0 : i32
    %dma_wait3A_129 = tpu.memref_slice %arg19[%add3A_108, %dma_wait3A_128] : memref<16384x128xf32, #tpu.memory_space<hbm>> -> memref<128x128xf32, #tpu.memory_space<hbm>>
    %dma_wait3A_130 = arith.constant 0 : i32
    %dma_wait3A_131 = tpu.memref_slice %arg19[%add3A_108, %dma_wait3A_130] : memref<16384x128xf32, #tpu.memory_space<hbm>> -> memref<128x128xf32, #tpu.memory_space<hbm>>
    tpu.wait_dma2 semaphore(%arg32 : memref<!tpu.dma_semaphore, #tpu.memory_space<semaphore_mem>>) src(%arg26 : memref<128x128xf32, #tpu.memory_space<vmem>>) dst(%dma_wait3A_131 : memref<128x128xf32, #tpu.memory_space<hbm>>)
    %dma_wait3A_132 = arith.constant 0 : i32
    %dma_wait3A_133 = tpu.memref_slice %arg19[%add3A_114, %dma_wait3A_132] : memref<16384x128xf32, #tpu.memory_space<hbm>> -> memref<128x128xf32, #tpu.memory_space<hbm>>
    %dma_wait3A_134 = arith.constant 0 : i32
    %dma_wait3A_135 = tpu.memref_slice %arg19[%add3A_114, %dma_wait3A_134] : memref<16384x128xf32, #tpu.memory_space<hbm>> -> memref<128x128xf32, #tpu.memory_space<hbm>>
    tpu.wait_dma2 semaphore(%arg32 : memref<!tpu.dma_semaphore, #tpu.memory_space<semaphore_mem>>) src(%arg26 : memref<128x128xf32, #tpu.memory_space<vmem>>) dst(%dma_wait3A_135 : memref<128x128xf32, #tpu.memory_space<hbm>>)
    %dma_wait3A_136 = arith.constant 0 : i32
    %dma_wait3A_137 = tpu.memref_slice %arg19[%add3A_120, %dma_wait3A_136] : memref<16384x128xf32, #tpu.memory_space<hbm>> -> memref<128x128xf32, #tpu.memory_space<hbm>>
    %dma_wait3A_138 = arith.constant 0 : i32
    %dma_wait3A_139 = tpu.memref_slice %arg19[%add3A_120, %dma_wait3A_138] : memref<16384x128xf32, #tpu.memory_space<hbm>> -> memref<128x128xf32, #tpu.memory_space<hbm>>
    tpu.wait_dma2 semaphore(%arg32 : memref<!tpu.dma_semaphore, #tpu.memory_space<semaphore_mem>>) src(%arg26 : memref<128x128xf32, #tpu.memory_space<vmem>>) dst(%dma_wait3A_139 : memref<128x128xf32, #tpu.memory_space<hbm>>)
    %get3A_140 = arith.constant 1 : i32
    %get3A_141 = arith.index_cast %get3A_140 : i32 to index
    %get3A_142 = arith.constant 0 : index
    %get3A_143 = tpu.vector_load %arg25[%get3A_141, %get3A_142] {strides = array<i32>} : memref<5x128xf32, #tpu.memory_space<vmem>>, vector<1x16xf32>,
    %get3A_144 = vector.shape_cast %get3A_143 : vector<1x16xf32> to vector<16xf32>
    %get3A_145 = arith.constant 1 : i32
    %get3A_146 = arith.index_cast %get3A_145 : i32 to index
    %get3A_147 = arith.constant 16 : index
    %get3A_148 = tpu.vector_load %arg25[%get3A_146, %get3A_147] {strides = array<i32>} : memref<5x128xf32, #tpu.memory_space<vmem>>, vector<1x16xf32>,
    %get3A_149 = vector.shape_cast %get3A_148 : vector<1x16xf32> to vector<16xf32>
    %get3A_150 = arith.constant 1 : i32
    %get3A_151 = arith.index_cast %get3A_150 : i32 to index
    %get3A_152 = arith.constant 32 : index
    %get3A_153 = tpu.vector_load %arg25[%get3A_151, %get3A_152] {strides = array<i32>} : memref<5x128xf32, #tpu.memory_space<vmem>>, vector<1x16xf32>,
    %get3A_154 = vector.shape_cast %get3A_153 : vector<1x16xf32> to vector<16xf32>
    %get3A_155 = arith.constant 1 : i32
    %get3A_156 = arith.index_cast %get3A_155 : i32 to index
    %get3A_157 = arith.constant 48 : index
    %get3A_158 = tpu.vector_load %arg25[%get3A_156, %get3A_157] {strides = array<i32>} : memref<5x128xf32, #tpu.memory_space<vmem>>, vector<1x16xf32>,
    %get3A_159 = vector.shape_cast %get3A_158 : vector<1x16xf32> to vector<16xf32>
    %get3A_160 = arith.constant 1 : i32
    %get3A_161 = arith.index_cast %get3A_160 : i32 to index
    %get3A_162 = arith.constant 64 : index
    %get3A_163 = tpu.vector_load %arg25[%get3A_161, %get3A_162] {strides = array<i32>} : memref<5x128xf32, #tpu.memory_space<vmem>>, vector<1x16xf32>,
    %get3A_164 = vector.shape_cast %get3A_163 : vector<1x16xf32> to vector<16xf32>
    %get3A_165 = arith.constant 1 : i32
    %get3A_166 = arith.index_cast %get3A_165 : i32 to index
    %get3A_167 = arith.constant 80 : index
    %get3A_168 = tpu.vector_load %arg25[%get3A_166, %get3A_167] {strides = array<i32>} : memref<5x128xf32, #tpu.memory_space<vmem>>, vector<1x16xf32>,
    %get3A_169 = vector.shape_cast %get3A_168 : vector<1x16xf32> to vector<16xf32>
    %get3A_170 = arith.constant 1 : i32
    %get3A_171 = arith.index_cast %get3A_170 : i32 to index
    %get3A_172 = arith.constant 96 : index
    %get3A_173 = tpu.vector_load %arg25[%get3A_171, %get3A_172] {strides = array<i32>} : memref<5x128xf32, #tpu.memory_space<vmem>>, vector<1x16xf32>,
    %get3A_174 = vector.shape_cast %get3A_173 : vector<1x16xf32> to vector<16xf32>
    %get3A_175 = arith.constant 1 : i32
    %get3A_176 = arith.index_cast %get3A_175 : i32 to index
    %get3A_177 = arith.constant 112 : index
    %get3A_178 = tpu.vector_load %arg25[%get3A_176, %get3A_177] {strides = array<i32>} : memref<5x128xf32, #tpu.memory_space<vmem>>, vector<1x16xf32>,
    %get3A_179 = vector.shape_cast %get3A_178 : vector<1x16xf32> to vector<16xf32>
    %scan3A_180 = arith.constant 0 : i32
    %scan3A_181 = arith.constant 0 : i32
    %scan3A_182 = arith.constant 128 : i32
    %scan3A_183 = arith.addi %scan3A_181, %scan3A_182 : i32
    %scan3A_184 = arith.constant 1 : i32
    %scan3A_185 = scf.for %scan3A_1142 = %scan3A_181 to %scan3A_183 step %scan3A_184 iter_args(%scan3A_1143 = %scan3A_180) -> (i32)  : i32 {
      %swap3A = arith.index_cast %scan3A_1142 : i32 to index
      %swap3A_1144 = arith.constant 0 : index
      %swap3A_1145 = tpu.vector_load %arg26[%swap3A, %swap3A_1144] {strides = array<i32>} : memref<128x128xf32, #tpu.memory_space<vmem>>, vector<1x16xf32>,
      %swap3A_1146 = vector.shape_cast %swap3A_1145 : vector<1x16xf32> to vector<16xf32>
      %swap3A_1147 = vector.shape_cast %get3A_144 : vector<16xf32> to vector<1x16xf32>
      tpu.vector_store %arg26[%swap3A, %swap3A_1144], %swap3A_1147 {strides = array<i32>} : memref<128x128xf32, #tpu.memory_space<vmem>>, vector<1x16xf32>,
      %swap3A_1148 = arith.index_cast %scan3A_1142 : i32 to index
      %swap3A_1149 = arith.constant 16 : index
      %swap3A_1150 = tpu.vector_load %arg26[%swap3A_1148, %swap3A_1149] {strides = array<i32>} : memref<128x128xf32, #tpu.memory_space<vmem>>, vector<1x16xf32>,
      %swap3A_1151 = vector.shape_cast %swap3A_1150 : vector<1x16xf32> to vector<16xf32>
      %swap3A_1152 = vector.shape_cast %get3A_149 : vector<16xf32> to vector<1x16xf32>
      tpu.vector_store %arg26[%swap3A_1148, %swap3A_1149], %swap3A_1152 {strides = array<i32>} : memref<128x128xf32, #tpu.memory_space<vmem>>, vector<1x16xf32>,
      %swap3A_1153 = arith.index_cast %scan3A_1142 : i32 to index
      %swap3A_1154 = arith.constant 32 : index
      %swap3A_1155 = tpu.vector_load %arg26[%swap3A_1153, %swap3A_1154] {strides = array<i32>} : memref<128x128xf32, #tpu.memory_space<vmem>>, vector<1x16xf32>,
      %swap3A_1156 = vector.shape_cast %swap3A_1155 : vector<1x16xf32> to vector<16xf32>
      %swap3A_1157 = vector.shape_cast %get3A_154 : vector<16xf32> to vector<1x16xf32>
      tpu.vector_store %arg26[%swap3A_1153, %swap3A_1154], %swap3A_1157 {strides = array<i32>} : memref<128x128xf32, #tpu.memory_space<vmem>>, vector<1x16xf32>,
      %swap3A_1158 = arith.index_cast %scan3A_1142 : i32 to index
      %swap3A_1159 = arith.constant 48 : index
      %swap3A_1160 = tpu.vector_load %arg26[%swap3A_1158, %swap3A_1159] {strides = array<i32>} : memref<128x128xf32, #tpu.memory_space<vmem>>, vector<1x16xf32>,
      %swap3A_1161 = vector.shape_cast %swap3A_1160 : vector<1x16xf32> to vector<16xf32>
      %swap3A_1162 = vector.shape_cast %get3A_159 : vector<16xf32> to vector<1x16xf32>
      tpu.vector_store %arg26[%swap3A_1158, %swap3A_1159], %swap3A_1162 {strides = array<i32>} : memref<128x128xf32, #tpu.memory_space<vmem>>, vector<1x16xf32>,
      %swap3A_1163 = arith.index_cast %scan3A_1142 : i32 to index
      %swap3A_1164 = arith.constant 64 : index
      %swap3A_1165 = tpu.vector_load %arg26[%swap3A_1163, %swap3A_1164] {strides = array<i32>} : memref<128x128xf32, #tpu.memory_space<vmem>>, vector<1x16xf32>,
      %swap3A_1166 = vector.shape_cast %swap3A_1165 : vector<1x16xf32> to vector<16xf32>
      %swap3A_1167 = vector.shape_cast %get3A_164 : vector<16xf32> to vector<1x16xf32>
      tpu.vector_store %arg26[%swap3A_1163, %swap3A_1164], %swap3A_1167 {strides = array<i32>} : memref<128x128xf32, #tpu.memory_space<vmem>>, vector<1x16xf32>,
      %swap3A_1168 = arith.index_cast %scan3A_1142 : i32 to index
      %swap3A_1169 = arith.constant 80 : index
      %swap3A_1170 = tpu.vector_load %arg26[%swap3A_1168, %swap3A_1169] {strides = array<i32>} : memref<128x128xf32, #tpu.memory_space<vmem>>, vector<1x16xf32>,
      %swap3A_1171 = vector.shape_cast %swap3A_1170 : vector<1x16xf32> to vector<16xf32>
      %swap3A_1172 = vector.shape_cast %get3A_169 : vector<16xf32> to vector<1x16xf32>
      tpu.vector_store %arg26[%swap3A_1168, %swap3A_1169], %swap3A_1172 {strides = array<i32>} : memref<128x128xf32, #tpu.memory_space<vmem>>, vector<1x16xf32>,
      %swap3A_1173 = arith.index_cast %scan3A_1142 : i32 to index
      %swap3A_1174 = arith.constant 96 : index
      %swap3A_1175 = tpu.vector_load %arg26[%swap3A_1173, %swap3A_1174] {strides = array<i32>} : memref<128x128xf32, #tpu.memory_space<vmem>>, vector<1x16xf32>,
      %swap3A_1176 = vector.shape_cast %swap3A_1175 : vector<1x16xf32> to vector<16xf32>
      %swap3A_1177 = vector.shape_cast %get3A_174 : vector<16xf32> to vector<1x16xf32>
      tpu.vector_store %arg26[%swap3A_1173, %swap3A_1174], %swap3A_1177 {strides = array<i32>} : memref<128x128xf32, #tpu.memory_space<vmem>>, vector<1x16xf32>,
      %swap3A_1178 = arith.index_cast %scan3A_1142 : i32 to index
      %swap3A_1179 = arith.constant 112 : index
      %swap3A_1180 = tpu.vector_load %arg26[%swap3A_1178, %swap3A_1179] {strides = array<i32>} : memref<128x128xf32, #tpu.memory_space<vmem>>, vector<1x16xf32>,
      %swap3A_1181 = vector.shape_cast %swap3A_1180 : vector<1x16xf32> to vector<16xf32>
      %swap3A_1182 = vector.shape_cast %get3A_179 : vector<16xf32> to vector<1x16xf32>
      tpu.vector_store %arg26[%swap3A_1178, %swap3A_1179], %swap3A_1182 {strides = array<i32>} : memref<128x128xf32, #tpu.memory_space<vmem>>, vector<1x16xf32>,
      %scan3A_1183 = arith.constant 0 : i32
      scf.yield %scan3A_1183 : i32
    }
    %scan3A_186 = arith.constant 128 : i32
    %add3A_187 = arith.constant 0 : i32
    %add3A_188 = arith.addi %mul3A_2, %add3A_187 : i32
    %dma_start3A_189 = arith.constant 0 : i32
    %dma_start3A_190 = tpu.memref_slice %arg20[%add3A_188, %dma_start3A_189] : memref<16384x128xf32, #tpu.memory_space<hbm>> -> memref<128x128xf32, #tpu.memory_space<hbm>>
    %dma_start3A_191 = arith.constant 0 : i32
    %dma_start3A_192 = tpu.memref_slice %arg20[%add3A_188, %dma_start3A_191] : memref<16384x128xf32, #tpu.memory_space<hbm>> -> memref<128x128xf32, #tpu.memory_space<hbm>>
    tpu.enqueue_dma source(%arg26 : memref<128x128xf32, #tpu.memory_space<vmem>>) target(%dma_start3A_192 : memref<128x128xf32, #tpu.memory_space<hbm>>) target_semaphore(%arg32 : memref<!tpu.dma_semaphore, #tpu.memory_space<semaphore_mem>>)
    %add3A_193 = arith.constant 128 : i32
    %add3A_194 = arith.addi %mul3A_2, %add3A_193 : i32
    %dma_start3A_195 = arith.constant 0 : i32
    %dma_start3A_196 = tpu.memref_slice %arg20[%add3A_194, %dma_start3A_195] : memref<16384x128xf32, #tpu.memory_space<hbm>> -> memref<128x128xf32, #tpu.memory_space<hbm>>
    %dma_start3A_197 = arith.constant 0 : i32
    %dma_start3A_198 = tpu.memref_slice %arg20[%add3A_194, %dma_start3A_197] : memref<16384x128xf32, #tpu.memory_space<hbm>> -> memref<128x128xf32, #tpu.memory_space<hbm>>
    tpu.enqueue_dma source(%arg26 : memref<128x128xf32, #tpu.memory_space<vmem>>) target(%dma_start3A_198 : memref<128x128xf32, #tpu.memory_space<hbm>>) target_semaphore(%arg32 : memref<!tpu.dma_semaphore, #tpu.memory_space<semaphore_mem>>)
    %add3A_199 = arith.constant 256 : i32
    %add3A_200 = arith.addi %mul3A_2, %add3A_199 : i32
    %dma_start3A_201 = arith.constant 0 : i32
    %dma_start3A_202 = tpu.memref_slice %arg20[%add3A_200, %dma_start3A_201] : memref<16384x128xf32, #tpu.memory_space<hbm>> -> memref<128x128xf32, #tpu.memory_space<hbm>>
    %dma_start3A_203 = arith.constant 0 : i32
    %dma_start3A_204 = tpu.memref_slice %arg20[%add3A_200, %dma_start3A_203] : memref<16384x128xf32, #tpu.memory_space<hbm>> -> memref<128x128xf32, #tpu.memory_space<hbm>>
    tpu.enqueue_dma source(%arg26 : memref<128x128xf32, #tpu.memory_space<vmem>>) target(%dma_start3A_204 : memref<128x128xf32, #tpu.memory_space<hbm>>) target_semaphore(%arg32 : memref<!tpu.dma_semaphore, #tpu.memory_space<semaphore_mem>>)
    %add3A_205 = arith.constant 384 : i32
    %add3A_206 = arith.addi %mul3A_2, %add3A_205 : i32
    %dma_start3A_207 = arith.constant 0 : i32
    %dma_start3A_208 = tpu.memref_slice %arg20[%add3A_206, %dma_start3A_207] : memref<16384x128xf32, #tpu.memory_space<hbm>> -> memref<128x128xf32, #tpu.memory_space<hbm>>
    %dma_start3A_209 = arith.constant 0 : i32
    %dma_start3A_210 = tpu.memref_slice %arg20[%add3A_206, %dma_start3A_209] : memref<16384x128xf32, #tpu.memory_space<hbm>> -> memref<128x128xf32, #tpu.memory_space<hbm>>
    tpu.enqueue_dma source(%arg26 : memref<128x128xf32, #tpu.memory_space<vmem>>) target(%dma_start3A_210 : memref<128x128xf32, #tpu.memory_space<hbm>>) target_semaphore(%arg32 : memref<!tpu.dma_semaphore, #tpu.memory_space<semaphore_mem>>)
    %dma_wait3A_211 = arith.constant 0 : i32
    %dma_wait3A_212 = tpu.memref_slice %arg20[%add3A_188, %dma_wait3A_211] : memref<16384x128xf32, #tpu.memory_space<hbm>> -> memref<128x128xf32, #tpu.memory_space<hbm>>
    %dma_wait3A_213 = arith.constant 0 : i32
    %dma_wait3A_214 = tpu.memref_slice %arg20[%add3A_188, %dma_wait3A_213] : memref<16384x128xf32, #tpu.memory_space<hbm>> -> memref<128x128xf32, #tpu.memory_space<hbm>>
    tpu.wait_dma2 semaphore(%arg32 : memref<!tpu.dma_semaphore, #tpu.memory_space<semaphore_mem>>) src(%arg26 : memref<128x128xf32, #tpu.memory_space<vmem>>) dst(%dma_wait3A_214 : memref<128x128xf32, #tpu.memory_space<hbm>>)
    %dma_wait3A_215 = arith.constant 0 : i32
    %dma_wait3A_216 = tpu.memref_slice %arg20[%add3A_194, %dma_wait3A_215] : memref<16384x128xf32, #tpu.memory_space<hbm>> -> memref<128x128xf32, #tpu.memory_space<hbm>>
    %dma_wait3A_217 = arith.constant 0 : i32
    %dma_wait3A_218 = tpu.memref_slice %arg20[%add3A_194, %dma_wait3A_217] : memref<16384x128xf32, #tpu.memory_space<hbm>> -> memref<128x128xf32, #tpu.memory_space<hbm>>
    tpu.wait_dma2 semaphore(%arg32 : memref<!tpu.dma_semaphore, #tpu.memory_space<semaphore_mem>>) src(%arg26 : memref<128x128xf32, #tpu.memory_space<vmem>>) dst(%dma_wait3A_218 : memref<128x128xf32, #tpu.memory_space<hbm>>)
    %dma_wait3A_219 = arith.constant 0 : i32
    %dma_wait3A_220 = tpu.memref_slice %arg20[%add3A_200, %dma_wait3A_219] : memref<16384x128xf32, #tpu.memory_space<hbm>> -> memref<128x128xf32, #tpu.memory_space<hbm>>
    %dma_wait3A_221 = arith.constant 0 : i32
    %dma_wait3A_222 = tpu.memref_slice %arg20[%add3A_200, %dma_wait3A_221] : memref<16384x128xf32, #tpu.memory_space<hbm>> -> memref<128x128xf32, #tpu.memory_space<hbm>>
    tpu.wait_dma2 semaphore(%arg32 : memref<!tpu.dma_semaphore, #tpu.memory_space<semaphore_mem>>) src(%arg26 : memref<128x128xf32, #tpu.memory_space<vmem>>) dst(%dma_wait3A_222 : memref<128x128xf32, #tpu.memory_space<hbm>>)
    %dma_wait3A_223 = arith.constant 0 : i32
    %dma_wait3A_224 = tpu.memref_slice %arg20[%add3A_206, %dma_wait3A_223] : memref<16384x128xf32, #tpu.memory_space<hbm>> -> memref<128x128xf32, #tpu.memory_space<hbm>>
    %dma_wait3A_225 = arith.constant 0 : i32
    %dma_wait3A_226 = tpu.memref_slice %arg20[%add3A_206, %dma_wait3A_225] : memref<16384x128xf32, #tpu.memory_space<hbm>> -> memref<128x128xf32, #tpu.memory_space<hbm>>
    tpu.wait_dma2 semaphore(%arg32 : memref<!tpu.dma_semaphore, #tpu.memory_space<semaphore_mem>>) src(%arg26 : memref<128x128xf32, #tpu.memory_space<vmem>>) dst(%dma_wait3A_226 : memref<128x128xf32, #tpu.memory_space<hbm>>)
    %get3A_227 = arith.constant 2 : i32
    %get3A_228 = arith.index_cast %get3A_227 : i32 to index
    %get3A_229 = arith.constant 0 : index
    %get3A_230 = tpu.vector_load %arg25[%get3A_228, %get3A_229] {strides = array<i32>} : memref<5x128xf32, #tpu.memory_space<vmem>>, vector<1x16xf32>,
    %get3A_231 = vector.shape_cast %get3A_230 : vector<1x16xf32> to vector<16xf32>
    %get3A_232 = arith.constant 2 : i32
    %get3A_233 = arith.index_cast %get3A_232 : i32 to index
    %get3A_234 = arith.constant 16 : index
    %get3A_235 = tpu.vector_load %arg25[%get3A_233, %get3A_234] {strides = array<i32>} : memref<5x128xf32, #tpu.memory_space<vmem>>, vector<1x16xf32>,
    %get3A_236 = vector.shape_cast %get3A_235 : vector<1x16xf32> to vector<16xf32>
    %get3A_237 = arith.constant 2 : i32
    %get3A_238 = arith.index_cast %get3A_237 : i32 to index
    %get3A_239 = arith.constant 32 : index
    %get3A_240 = tpu.vector_load %arg25[%get3A_238, %get3A_239] {strides = array<i32>} : memref<5x128xf32, #tpu.memory_space<vmem>>, vector<1x16xf32>,
    %get3A_241 = vector.shape_cast %get3A_240 : vector<1x16xf32> to vector<16xf32>
    %get3A_242 = arith.constant 2 : i32
    %get3A_243 = arith.index_cast %get3A_242 : i32 to index
    %get3A_244 = arith.constant 48 : index
    %get3A_245 = tpu.vector_load %arg25[%get3A_243, %get3A_244] {strides = array<i32>} : memref<5x128xf32, #tpu.memory_space<vmem>>, vector<1x16xf32>,
    %get3A_246 = vector.shape_cast %get3A_245 : vector<1x16xf32> to vector<16xf32>
    %get3A_247 = arith.constant 2 : i32
    %get3A_248 = arith.index_cast %get3A_247 : i32 to index
    %get3A_249 = arith.constant 64 : index
    %get3A_250 = tpu.vector_load %arg25[%get3A_248, %get3A_249] {strides = array<i32>} : memref<5x128xf32, #tpu.memory_space<vmem>>, vector<1x16xf32>,
    %get3A_251 = vector.shape_cast %get3A_250 : vector<1x16xf32> to vector<16xf32>
    %get3A_252 = arith.constant 2 : i32
    %get3A_253 = arith.index_cast %get3A_252 : i32 to index
    %get3A_254 = arith.constant 80 : index
    %get3A_255 = tpu.vector_load %arg25[%get3A_253, %get3A_254] {strides = array<i32>} : memref<5x128xf32, #tpu.memory_space<vmem>>, vector<1x16xf32>,
    %get3A_256 = vector.shape_cast %get3A_255 : vector<1x16xf32> to vector<16xf32>
    %get3A_257 = arith.constant 2 : i32
    %get3A_258 = arith.index_cast %get3A_257 : i32 to index
    %get3A_259 = arith.constant 96 : index
    %get3A_260 = tpu.vector_load %arg25[%get3A_258, %get3A_259] {strides = array<i32>} : memref<5x128xf32, #tpu.memory_space<vmem>>, vector<1x16xf32>,
    %get3A_261 = vector.shape_cast %get3A_260 : vector<1x16xf32> to vector<16xf32>
    %get3A_262 = arith.constant 2 : i32
    %get3A_263 = arith.index_cast %get3A_262 : i32 to index
    %get3A_264 = arith.constant 112 : index
    %get3A_265 = tpu.vector_load %arg25[%get3A_263, %get3A_264] {strides = array<i32>} : memref<5x128xf32, #tpu.memory_space<vmem>>, vector<1x16xf32>,
    %get3A_266 = vector.shape_cast %get3A_265 : vector<1x16xf32> to vector<16xf32>
    %scan3A_267 = arith.constant 0 : i32
    %scan3A_268 = arith.constant 0 : i32
    %scan3A_269 = arith.constant 128 : i32
    %scan3A_270 = arith.addi %scan3A_268, %scan3A_269 : i32
    %scan3A_271 = arith.constant 1 : i32
    %scan3A_272 = scf.for %scan3A_1142 = %scan3A_268 to %scan3A_270 step %scan3A_271 iter_args(%scan3A_1143 = %scan3A_267) -> (i32)  : i32 {
      %swap3A = arith.index_cast %scan3A_1142 : i32 to index
      %swap3A_1144 = arith.constant 0 : index
      %swap3A_1145 = tpu.vector_load %arg26[%swap3A, %swap3A_1144] {strides = array<i32>} : memref<128x128xf32, #tpu.memory_space<vmem>>, vector<1x16xf32>,
      %swap3A_1146 = vector.shape_cast %swap3A_1145 : vector<1x16xf32> to vector<16xf32>
      %swap3A_1147 = vector.shape_cast %get3A_231 : vector<16xf32> to vector<1x16xf32>
      tpu.vector_store %arg26[%swap3A, %swap3A_1144], %swap3A_1147 {strides = array<i32>} : memref<128x128xf32, #tpu.memory_space<vmem>>, vector<1x16xf32>,
      %swap3A_1148 = arith.index_cast %scan3A_1142 : i32 to index
      %swap3A_1149 = arith.constant 16 : index
      %swap3A_1150 = tpu.vector_load %arg26[%swap3A_1148, %swap3A_1149] {strides = array<i32>} : memref<128x128xf32, #tpu.memory_space<vmem>>, vector<1x16xf32>,
      %swap3A_1151 = vector.shape_cast %swap3A_1150 : vector<1x16xf32> to vector<16xf32>
      %swap3A_1152 = vector.shape_cast %get3A_236 : vector<16xf32> to vector<1x16xf32>
      tpu.vector_store %arg26[%swap3A_1148, %swap3A_1149], %swap3A_1152 {strides = array<i32>} : memref<128x128xf32, #tpu.memory_space<vmem>>, vector<1x16xf32>,
      %swap3A_1153 = arith.index_cast %scan3A_1142 : i32 to index
      %swap3A_1154 = arith.constant 32 : index
      %swap3A_1155 = tpu.vector_load %arg26[%swap3A_1153, %swap3A_1154] {strides = array<i32>} : memref<128x128xf32, #tpu.memory_space<vmem>>, vector<1x16xf32>,
      %swap3A_1156 = vector.shape_cast %swap3A_1155 : vector<1x16xf32> to vector<16xf32>
      %swap3A_1157 = vector.shape_cast %get3A_241 : vector<16xf32> to vector<1x16xf32>
      tpu.vector_store %arg26[%swap3A_1153, %swap3A_1154], %swap3A_1157 {strides = array<i32>} : memref<128x128xf32, #tpu.memory_space<vmem>>, vector<1x16xf32>,
      %swap3A_1158 = arith.index_cast %scan3A_1142 : i32 to index
      %swap3A_1159 = arith.constant 48 : index
      %swap3A_1160 = tpu.vector_load %arg26[%swap3A_1158, %swap3A_1159] {strides = array<i32>} : memref<128x128xf32, #tpu.memory_space<vmem>>, vector<1x16xf32>,
      %swap3A_1161 = vector.shape_cast %swap3A_1160 : vector<1x16xf32> to vector<16xf32>
      %swap3A_1162 = vector.shape_cast %get3A_246 : vector<16xf32> to vector<1x16xf32>
      tpu.vector_store %arg26[%swap3A_1158, %swap3A_1159], %swap3A_1162 {strides = array<i32>} : memref<128x128xf32, #tpu.memory_space<vmem>>, vector<1x16xf32>,
      %swap3A_1163 = arith.index_cast %scan3A_1142 : i32 to index
      %swap3A_1164 = arith.constant 64 : index
      %swap3A_1165 = tpu.vector_load %arg26[%swap3A_1163, %swap3A_1164] {strides = array<i32>} : memref<128x128xf32, #tpu.memory_space<vmem>>, vector<1x16xf32>,
      %swap3A_1166 = vector.shape_cast %swap3A_1165 : vector<1x16xf32> to vector<16xf32>
      %swap3A_1167 = vector.shape_cast %get3A_251 : vector<16xf32> to vector<1x16xf32>
      tpu.vector_store %arg26[%swap3A_1163, %swap3A_1164], %swap3A_1167 {strides = array<i32>} : memref<128x128xf32, #tpu.memory_space<vmem>>, vector<1x16xf32>,
      %swap3A_1168 = arith.index_cast %scan3A_1142 : i32 to index
      %swap3A_1169 = arith.constant 80 : index
      %swap3A_1170 = tpu.vector_load %arg26[%swap3A_1168, %swap3A_1169] {strides = array<i32>} : memref<128x128xf32, #tpu.memory_space<vmem>>, vector<1x16xf32>,
      %swap3A_1171 = vector.shape_cast %swap3A_1170 : vector<1x16xf32> to vector<16xf32>
      %swap3A_1172 = vector.shape_cast %get3A_256 : vector<16xf32> to vector<1x16xf32>
      tpu.vector_store %arg26[%swap3A_1168, %swap3A_1169], %swap3A_1172 {strides = array<i32>} : memref<128x128xf32, #tpu.memory_space<vmem>>, vector<1x16xf32>,
      %swap3A_1173 = arith.index_cast %scan3A_1142 : i32 to index
      %swap3A_1174 = arith.constant 96 : index
      %swap3A_1175 = tpu.vector_load %arg26[%swap3A_1173, %swap3A_1174] {strides = array<i32>} : memref<128x128xf32, #tpu.memory_space<vmem>>, vector<1x16xf32>,
      %swap3A_1176 = vector.shape_cast %swap3A_1175 : vector<1x16xf32> to vector<16xf32>
      %swap3A_1177 = vector.shape_cast %get3A_261 : vector<16xf32> to vector<1x16xf32>
      tpu.vector_store %arg26[%swap3A_1173, %swap3A_1174], %swap3A_1177 {strides = array<i32>} : memref<128x128xf32, #tpu.memory_space<vmem>>, vector<1x16xf32>,
      %swap3A_1178 = arith.index_cast %scan3A_1142 : i32 to index
      %swap3A_1179 = arith.constant 112 : index
      %swap3A_1180 = tpu.vector_load %arg26[%swap3A_1178, %swap3A_1179] {strides = array<i32>} : memref<128x128xf32, #tpu.memory_space<vmem>>, vector<1x16xf32>,
      %swap3A_1181 = vector.shape_cast %swap3A_1180 : vector<1x16xf32> to vector<16xf32>
      %swap3A_1182 = vector.shape_cast %get3A_266 : vector<16xf32> to vector<1x16xf32>
      tpu.vector_store %arg26[%swap3A_1178, %swap3A_1179], %swap3A_1182 {strides = array<i32>} : memref<128x128xf32, #tpu.memory_space<vmem>>, vector<1x16xf32>,
      %scan3A_1183 = arith.constant 0 : i32
      scf.yield %scan3A_1183 : i32
    }
    %scan3A_273 = arith.constant 128 : i32
    %add3A_274 = arith.constant 0 : i32
    %add3A_275 = arith.addi %mul3A_2, %add3A_274 : i32
    %dma_start3A_276 = arith.constant 0 : i32
    %dma_start3A_277 = tpu.memref_slice %arg21[%add3A_275, %dma_start3A_276] : memref<16384x128xf32, #tpu.memory_space<hbm>> -> memref<128x128xf32, #tpu.memory_space<hbm>>
    %dma_start3A_278 = arith.constant 0 : i32
    %dma_start3A_279 = tpu.memref_slice %arg21[%add3A_275, %dma_start3A_278] : memref<16384x128xf32, #tpu.memory_space<hbm>> -> memref<128x128xf32, #tpu.memory_space<hbm>>
    tpu.enqueue_dma source(%arg26 : memref<128x128xf32, #tpu.memory_space<vmem>>) target(%dma_start3A_279 : memref<128x128xf32, #tpu.memory_space<hbm>>) target_semaphore(%arg32 : memref<!tpu.dma_semaphore, #tpu.memory_space<semaphore_mem>>)
    %add3A_280 = arith.constant 128 : i32
    %add3A_281 = arith.addi %mul3A_2, %add3A_280 : i32
    %dma_start3A_282 = arith.constant 0 : i32
    %dma_start3A_283 = tpu.memref_slice %arg21[%add3A_281, %dma_start3A_282] : memref<16384x128xf32, #tpu.memory_space<hbm>> -> memref<128x128xf32, #tpu.memory_space<hbm>>
    %dma_start3A_284 = arith.constant 0 : i32
    %dma_start3A_285 = tpu.memref_slice %arg21[%add3A_281, %dma_start3A_284] : memref<16384x128xf32, #tpu.memory_space<hbm>> -> memref<128x128xf32, #tpu.memory_space<hbm>>
    tpu.enqueue_dma source(%arg26 : memref<128x128xf32, #tpu.memory_space<vmem>>) target(%dma_start3A_285 : memref<128x128xf32, #tpu.memory_space<hbm>>) target_semaphore(%arg32 : memref<!tpu.dma_semaphore, #tpu.memory_space<semaphore_mem>>)
    %add3A_286 = arith.constant 256 : i32
    %add3A_287 = arith.addi %mul3A_2, %add3A_286 : i32
    %dma_start3A_288 = arith.constant 0 : i32
    %dma_start3A_289 = tpu.memref_slice %arg21[%add3A_287, %dma_start3A_288] : memref<16384x128xf32, #tpu.memory_space<hbm>> -> memref<128x128xf32, #tpu.memory_space<hbm>>
    %dma_start3A_290 = arith.constant 0 : i32
    %dma_start3A_291 = tpu.memref_slice %arg21[%add3A_287, %dma_start3A_290] : memref<16384x128xf32, #tpu.memory_space<hbm>> -> memref<128x128xf32, #tpu.memory_space<hbm>>
    tpu.enqueue_dma source(%arg26 : memref<128x128xf32, #tpu.memory_space<vmem>>) target(%dma_start3A_291 : memref<128x128xf32, #tpu.memory_space<hbm>>) target_semaphore(%arg32 : memref<!tpu.dma_semaphore, #tpu.memory_space<semaphore_mem>>)
    %add3A_292 = arith.constant 384 : i32
    %add3A_293 = arith.addi %mul3A_2, %add3A_292 : i32
    %dma_start3A_294 = arith.constant 0 : i32
    %dma_start3A_295 = tpu.memref_slice %arg21[%add3A_293, %dma_start3A_294] : memref<16384x128xf32, #tpu.memory_space<hbm>> -> memref<128x128xf32, #tpu.memory_space<hbm>>
    %dma_start3A_296 = arith.constant 0 : i32
    %dma_start3A_297 = tpu.memref_slice %arg21[%add3A_293, %dma_start3A_296] : memref<16384x128xf32, #tpu.memory_space<hbm>> -> memref<128x128xf32, #tpu.memory_space<hbm>>
    tpu.enqueue_dma source(%arg26 : memref<128x128xf32, #tpu.memory_space<vmem>>) target(%dma_start3A_297 : memref<128x128xf32, #tpu.memory_space<hbm>>) target_semaphore(%arg32 : memref<!tpu.dma_semaphore, #tpu.memory_space<semaphore_mem>>)
    %dma_wait3A_298 = arith.constant 0 : i32
    %dma_wait3A_299 = tpu.memref_slice %arg21[%add3A_275, %dma_wait3A_298] : memref<16384x128xf32, #tpu.memory_space<hbm>> -> memref<128x128xf32, #tpu.memory_space<hbm>>
    %dma_wait3A_300 = arith.constant 0 : i32
    %dma_wait3A_301 = tpu.memref_slice %arg21[%add3A_275, %dma_wait3A_300] : memref<16384x128xf32, #tpu.memory_space<hbm>> -> memref<128x128xf32, #tpu.memory_space<hbm>>
    tpu.wait_dma2 semaphore(%arg32 : memref<!tpu.dma_semaphore, #tpu.memory_space<semaphore_mem>>) src(%arg26 : memref<128x128xf32, #tpu.memory_space<vmem>>) dst(%dma_wait3A_301 : memref<128x128xf32, #tpu.memory_space<hbm>>)
    %dma_wait3A_302 = arith.constant 0 : i32
    %dma_wait3A_303 = tpu.memref_slice %arg21[%add3A_281, %dma_wait3A_302] : memref<16384x128xf32, #tpu.memory_space<hbm>> -> memref<128x128xf32, #tpu.memory_space<hbm>>
    %dma_wait3A_304 = arith.constant 0 : i32
    %dma_wait3A_305 = tpu.memref_slice %arg21[%add3A_281, %dma_wait3A_304] : memref<16384x128xf32, #tpu.memory_space<hbm>> -> memref<128x128xf32, #tpu.memory_space<hbm>>
    tpu.wait_dma2 semaphore(%arg32 : memref<!tpu.dma_semaphore, #tpu.memory_space<semaphore_mem>>) src(%arg26 : memref<128x128xf32, #tpu.memory_space<vmem>>) dst(%dma_wait3A_305 : memref<128x128xf32, #tpu.memory_space<hbm>>)
    %dma_wait3A_306 = arith.constant 0 : i32
    %dma_wait3A_307 = tpu.memref_slice %arg21[%add3A_287, %dma_wait3A_306] : memref<16384x128xf32, #tpu.memory_space<hbm>> -> memref<128x128xf32, #tpu.memory_space<hbm>>
    %dma_wait3A_308 = arith.constant 0 : i32
    %dma_wait3A_309 = tpu.memref_slice %arg21[%add3A_287, %dma_wait3A_308] : memref<16384x128xf32, #tpu.memory_space<hbm>> -> memref<128x128xf32, #tpu.memory_space<hbm>>
    tpu.wait_dma2 semaphore(%arg32 : memref<!tpu.dma_semaphore, #tpu.memory_space<semaphore_mem>>) src(%arg26 : memref<128x128xf32, #tpu.memory_space<vmem>>) dst(%dma_wait3A_309 : memref<128x128xf32, #tpu.memory_space<hbm>>)
    %dma_wait3A_310 = arith.constant 0 : i32
    %dma_wait3A_311 = tpu.memref_slice %arg21[%add3A_293, %dma_wait3A_310] : memref<16384x128xf32, #tpu.memory_space<hbm>> -> memref<128x128xf32, #tpu.memory_space<hbm>>
    %dma_wait3A_312 = arith.constant 0 : i32
    %dma_wait3A_313 = tpu.memref_slice %arg21[%add3A_293, %dma_wait3A_312] : memref<16384x128xf32, #tpu.memory_space<hbm>> -> memref<128x128xf32, #tpu.memory_space<hbm>>
    tpu.wait_dma2 semaphore(%arg32 : memref<!tpu.dma_semaphore, #tpu.memory_space<semaphore_mem>>) src(%arg26 : memref<128x128xf32, #tpu.memory_space<vmem>>) dst(%dma_wait3A_313 : memref<128x128xf32, #tpu.memory_space<hbm>>)
    %get3A_314 = arith.constant 3 : i32
    %get3A_315 = arith.index_cast %get3A_314 : i32 to index
    %get3A_316 = arith.constant 0 : index
    %get3A_317 = tpu.vector_load %arg25[%get3A_315, %get3A_316] {strides = array<i32>} : memref<5x128xf32, #tpu.memory_space<vmem>>, vector<1x16xf32>,
    %get3A_318 = vector.shape_cast %get3A_317 : vector<1x16xf32> to vector<16xf32>
    %get3A_319 = arith.constant 3 : i32
    %get3A_320 = arith.index_cast %get3A_319 : i32 to index
    %get3A_321 = arith.constant 16 : index
    %get3A_322 = tpu.vector_load %arg25[%get3A_320, %get3A_321] {strides = array<i32>} : memref<5x128xf32, #tpu.memory_space<vmem>>, vector<1x16xf32>,
    %get3A_323 = vector.shape_cast %get3A_322 : vector<1x16xf32> to vector<16xf32>
    %get3A_324 = arith.constant 3 : i32
    %get3A_325 = arith.index_cast %get3A_324 : i32 to index
    %get3A_326 = arith.constant 32 : index
    %get3A_327 = tpu.vector_load %arg25[%get3A_325, %get3A_326] {strides = array<i32>} : memref<5x128xf32, #tpu.memory_space<vmem>>, vector<1x16xf32>,
    %get3A_328 = vector.shape_cast %get3A_327 : vector<1x16xf32> to vector<16xf32>
    %get3A_329 = arith.constant 3 : i32
    %get3A_330 = arith.index_cast %get3A_329 : i32 to index
    %get3A_331 = arith.constant 48 : index
    %get3A_332 = tpu.vector_load %arg25[%get3A_330, %get3A_331] {strides = array<i32>} : memref<5x128xf32, #tpu.memory_space<vmem>>, vector<1x16xf32>,
    %get3A_333 = vector.shape_cast %get3A_332 : vector<1x16xf32> to vector<16xf32>
    %get3A_334 = arith.constant 3 : i32
    %get3A_335 = arith.index_cast %get3A_334 : i32 to index
    %get3A_336 = arith.constant 64 : index
    %get3A_337 = tpu.vector_load %arg25[%get3A_335, %get3A_336] {strides = array<i32>} : memref<5x128xf32, #tpu.memory_space<vmem>>, vector<1x16xf32>,
    %get3A_338 = vector.shape_cast %get3A_337 : vector<1x16xf32> to vector<16xf32>
    %get3A_339 = arith.constant 3 : i32
    %get3A_340 = arith.index_cast %get3A_339 : i32 to index
    %get3A_341 = arith.constant 80 : index
    %get3A_342 = tpu.vector_load %arg25[%get3A_340, %get3A_341] {strides = array<i32>} : memref<5x128xf32, #tpu.memory_space<vmem>>, vector<1x16xf32>,
    %get3A_343 = vector.shape_cast %get3A_342 : vector<1x16xf32> to vector<16xf32>
    %get3A_344 = arith.constant 3 : i32
    %get3A_345 = arith.index_cast %get3A_344 : i32 to index
    %get3A_346 = arith.constant 96 : index
    %get3A_347 = tpu.vector_load %arg25[%get3A_345, %get3A_346] {strides = array<i32>} : memref<5x128xf32, #tpu.memory_space<vmem>>, vector<1x16xf32>,
    %get3A_348 = vector.shape_cast %get3A_347 : vector<1x16xf32> to vector<16xf32>
    %get3A_349 = arith.constant 3 : i32
    %get3A_350 = arith.index_cast %get3A_349 : i32 to index
    %get3A_351 = arith.constant 112 : index
    %get3A_352 = tpu.vector_load %arg25[%get3A_350, %get3A_351] {strides = array<i32>} : memref<5x128xf32, #tpu.memory_space<vmem>>, vector<1x16xf32>,
    %get3A_353 = vector.shape_cast %get3A_352 : vector<1x16xf32> to vector<16xf32>
    %scan3A_354 = arith.constant 0 : i32
    %scan3A_355 = arith.constant 0 : i32
    %scan3A_356 = arith.constant 128 : i32
    %scan3A_357 = arith.addi %scan3A_355, %scan3A_356 : i32
    %scan3A_358 = arith.constant 1 : i32
    %scan3A_359 = scf.for %scan3A_1142 = %scan3A_355 to %scan3A_357 step %scan3A_358 iter_args(%scan3A_1143 = %scan3A_354) -> (i32)  : i32 {
      %swap3A = arith.index_cast %scan3A_1142 : i32 to index
      %swap3A_1144 = arith.constant 0 : index
      %swap3A_1145 = tpu.vector_load %arg26[%swap3A, %swap3A_1144] {strides = array<i32>} : memref<128x128xf32, #tpu.memory_space<vmem>>, vector<1x16xf32>,
      %swap3A_1146 = vector.shape_cast %swap3A_1145 : vector<1x16xf32> to vector<16xf32>
      %swap3A_1147 = vector.shape_cast %get3A_318 : vector<16xf32> to vector<1x16xf32>
      tpu.vector_store %arg26[%swap3A, %swap3A_1144], %swap3A_1147 {strides = array<i32>} : memref<128x128xf32, #tpu.memory_space<vmem>>, vector<1x16xf32>,
      %swap3A_1148 = arith.index_cast %scan3A_1142 : i32 to index
      %swap3A_1149 = arith.constant 16 : index
      %swap3A_1150 = tpu.vector_load %arg26[%swap3A_1148, %swap3A_1149] {strides = array<i32>} : memref<128x128xf32, #tpu.memory_space<vmem>>, vector<1x16xf32>,
      %swap3A_1151 = vector.shape_cast %swap3A_1150 : vector<1x16xf32> to vector<16xf32>
      %swap3A_1152 = vector.shape_cast %get3A_323 : vector<16xf32> to vector<1x16xf32>
      tpu.vector_store %arg26[%swap3A_1148, %swap3A_1149], %swap3A_1152 {strides = array<i32>} : memref<128x128xf32, #tpu.memory_space<vmem>>, vector<1x16xf32>,
      %swap3A_1153 = arith.index_cast %scan3A_1142 : i32 to index
      %swap3A_1154 = arith.constant 32 : index
      %swap3A_1155 = tpu.vector_load %arg26[%swap3A_1153, %swap3A_1154] {strides = array<i32>} : memref<128x128xf32, #tpu.memory_space<vmem>>, vector<1x16xf32>,
      %swap3A_1156 = vector.shape_cast %swap3A_1155 : vector<1x16xf32> to vector<16xf32>
      %swap3A_1157 = vector.shape_cast %get3A_328 : vector<16xf32> to vector<1x16xf32>
      tpu.vector_store %arg26[%swap3A_1153, %swap3A_1154], %swap3A_1157 {strides = array<i32>} : memref<128x128xf32, #tpu.memory_space<vmem>>, vector<1x16xf32>,
      %swap3A_1158 = arith.index_cast %scan3A_1142 : i32 to index
      %swap3A_1159 = arith.constant 48 : index
      %swap3A_1160 = tpu.vector_load %arg26[%swap3A_1158, %swap3A_1159] {strides = array<i32>} : memref<128x128xf32, #tpu.memory_space<vmem>>, vector<1x16xf32>,
      %swap3A_1161 = vector.shape_cast %swap3A_1160 : vector<1x16xf32> to vector<16xf32>
      %swap3A_1162 = vector.shape_cast %get3A_333 : vector<16xf32> to vector<1x16xf32>
      tpu.vector_store %arg26[%swap3A_1158, %swap3A_1159], %swap3A_1162 {strides = array<i32>} : memref<128x128xf32, #tpu.memory_space<vmem>>, vector<1x16xf32>,
      %swap3A_1163 = arith.index_cast %scan3A_1142 : i32 to index
      %swap3A_1164 = arith.constant 64 : index
      %swap3A_1165 = tpu.vector_load %arg26[%swap3A_1163, %swap3A_1164] {strides = array<i32>} : memref<128x128xf32, #tpu.memory_space<vmem>>, vector<1x16xf32>,
      %swap3A_1166 = vector.shape_cast %swap3A_1165 : vector<1x16xf32> to vector<16xf32>
      %swap3A_1167 = vector.shape_cast %get3A_338 : vector<16xf32> to vector<1x16xf32>
      tpu.vector_store %arg26[%swap3A_1163, %swap3A_1164], %swap3A_1167 {strides = array<i32>} : memref<128x128xf32, #tpu.memory_space<vmem>>, vector<1x16xf32>,
      %swap3A_1168 = arith.index_cast %scan3A_1142 : i32 to index
      %swap3A_1169 = arith.constant 80 : index
      %swap3A_1170 = tpu.vector_load %arg26[%swap3A_1168, %swap3A_1169] {strides = array<i32>} : memref<128x128xf32, #tpu.memory_space<vmem>>, vector<1x16xf32>,
      %swap3A_1171 = vector.shape_cast %swap3A_1170 : vector<1x16xf32> to vector<16xf32>
      %swap3A_1172 = vector.shape_cast %get3A_343 : vector<16xf32> to vector<1x16xf32>
      tpu.vector_store %arg26[%swap3A_1168, %swap3A_1169], %swap3A_1172 {strides = array<i32>} : memref<128x128xf32, #tpu.memory_space<vmem>>, vector<1x16xf32>,
      %swap3A_1173 = arith.index_cast %scan3A_1142 : i32 to index
      %swap3A_1174 = arith.constant 96 : index
      %swap3A_1175 = tpu.vector_load %arg26[%swap3A_1173, %swap3A_1174] {strides = array<i32>} : memref<128x128xf32, #tpu.memory_space<vmem>>, vector<1x16xf32>,
      %swap3A_1176 = vector.shape_cast %swap3A_1175 : vector<1x16xf32> to vector<16xf32>
      %swap3A_1177 = vector.shape_cast %get3A_348 : vector<16xf32> to vector<1x16xf32>
      tpu.vector_store %arg26[%swap3A_1173, %swap3A_1174], %swap3A_1177 {strides = array<i32>} : memref<128x128xf32, #tpu.memory_space<vmem>>, vector<1x16xf32>,
      %swap3A_1178 = arith.index_cast %scan3A_1142 : i32 to index
      %swap3A_1179 = arith.constant 112 : index
      %swap3A_1180 = tpu.vector_load %arg26[%swap3A_1178, %swap3A_1179] {strides = array<i32>} : memref<128x128xf32, #tpu.memory_space<vmem>>, vector<1x16xf32>,
      %swap3A_1181 = vector.shape_cast %swap3A_1180 : vector<1x16xf32> to vector<16xf32>
      %swap3A_1182 = vector.shape_cast %get3A_353 : vector<16xf32> to vector<1x16xf32>
      tpu.vector_store %arg26[%swap3A_1178, %swap3A_1179], %swap3A_1182 {strides = array<i32>} : memref<128x128xf32, #tpu.memory_space<vmem>>, vector<1x16xf32>,
      %scan3A_1183 = arith.constant 0 : i32
      scf.yield %scan3A_1183 : i32
    }
    %scan3A_360 = arith.constant 128 : i32
    %add3A_361 = arith.constant 0 : i32
    %add3A_362 = arith.addi %mul3A_2, %add3A_361 : i32
    %dma_start3A_363 = arith.constant 0 : i32
    %dma_start3A_364 = tpu.memref_slice %arg22[%add3A_362, %dma_start3A_363] : memref<16384x128xf32, #tpu.memory_space<hbm>> -> memref<128x128xf32, #tpu.memory_space<hbm>>
    %dma_start3A_365 = arith.constant 0 : i32
    %dma_start3A_366 = tpu.memref_slice %arg22[%add3A_362, %dma_start3A_365] : memref<16384x128xf32, #tpu.memory_space<hbm>> -> memref<128x128xf32, #tpu.memory_space<hbm>>
    tpu.enqueue_dma source(%arg26 : memref<128x128xf32, #tpu.memory_space<vmem>>) target(%dma_start3A_366 : memref<128x128xf32, #tpu.memory_space<hbm>>) target_semaphore(%arg32 : memref<!tpu.dma_semaphore, #tpu.memory_space<semaphore_mem>>)
    %add3A_367 = arith.constant 128 : i32
    %add3A_368 = arith.addi %mul3A_2, %add3A_367 : i32
    %dma_start3A_369 = arith.constant 0 : i32
    %dma_start3A_370 = tpu.memref_slice %arg22[%add3A_368, %dma_start3A_369] : memref<16384x128xf32, #tpu.memory_space<hbm>> -> memref<128x128xf32, #tpu.memory_space<hbm>>
    %dma_start3A_371 = arith.constant 0 : i32
    %dma_start3A_372 = tpu.memref_slice %arg22[%add3A_368, %dma_start3A_371] : memref<16384x128xf32, #tpu.memory_space<hbm>> -> memref<128x128xf32, #tpu.memory_space<hbm>>
    tpu.enqueue_dma source(%arg26 : memref<128x128xf32, #tpu.memory_space<vmem>>) target(%dma_start3A_372 : memref<128x128xf32, #tpu.memory_space<hbm>>) target_semaphore(%arg32 : memref<!tpu.dma_semaphore, #tpu.memory_space<semaphore_mem>>)
    %add3A_373 = arith.constant 256 : i32
    %add3A_374 = arith.addi %mul3A_2, %add3A_373 : i32
    %dma_start3A_375 = arith.constant 0 : i32
    %dma_start3A_376 = tpu.memref_slice %arg22[%add3A_374, %dma_start3A_375] : memref<16384x128xf32, #tpu.memory_space<hbm>> -> memref<128x128xf32, #tpu.memory_space<hbm>>
    %dma_start3A_377 = arith.constant 0 : i32
    %dma_start3A_378 = tpu.memref_slice %arg22[%add3A_374, %dma_start3A_377] : memref<16384x128xf32, #tpu.memory_space<hbm>> -> memref<128x128xf32, #tpu.memory_space<hbm>>
    tpu.enqueue_dma source(%arg26 : memref<128x128xf32, #tpu.memory_space<vmem>>) target(%dma_start3A_378 : memref<128x128xf32, #tpu.memory_space<hbm>>) target_semaphore(%arg32 : memref<!tpu.dma_semaphore, #tpu.memory_space<semaphore_mem>>)
    %add3A_379 = arith.constant 384 : i32
    %add3A_380 = arith.addi %mul3A_2, %add3A_379 : i32
    %dma_start3A_381 = arith.constant 0 : i32
    %dma_start3A_382 = tpu.memref_slice %arg22[%add3A_380, %dma_start3A_381] : memref<16384x128xf32, #tpu.memory_space<hbm>> -> memref<128x128xf32, #tpu.memory_space<hbm>>
    %dma_start3A_383 = arith.constant 0 : i32
    %dma_start3A_384 = tpu.memref_slice %arg22[%add3A_380, %dma_start3A_383] : memref<16384x128xf32, #tpu.memory_space<hbm>> -> memref<128x128xf32, #tpu.memory_space<hbm>>
    tpu.enqueue_dma source(%arg26 : memref<128x128xf32, #tpu.memory_space<vmem>>) target(%dma_start3A_384 : memref<128x128xf32, #tpu.memory_space<hbm>>) target_semaphore(%arg32 : memref<!tpu.dma_semaphore, #tpu.memory_space<semaphore_mem>>)
    %dma_wait3A_385 = arith.constant 0 : i32
    %dma_wait3A_386 = tpu.memref_slice %arg22[%add3A_362, %dma_wait3A_385] : memref<16384x128xf32, #tpu.memory_space<hbm>> -> memref<128x128xf32, #tpu.memory_space<hbm>>
    %dma_wait3A_387 = arith.constant 0 : i32
    %dma_wait3A_388 = tpu.memref_slice %arg22[%add3A_362, %dma_wait3A_387] : memref<16384x128xf32, #tpu.memory_space<hbm>> -> memref<128x128xf32, #tpu.memory_space<hbm>>
    tpu.wait_dma2 semaphore(%arg32 : memref<!tpu.dma_semaphore, #tpu.memory_space<semaphore_mem>>) src(%arg26 : memref<128x128xf32, #tpu.memory_space<vmem>>) dst(%dma_wait3A_388 : memref<128x128xf32, #tpu.memory_space<hbm>>)
    %dma_wait3A_389 = arith.constant 0 : i32
    %dma_wait3A_390 = tpu.memref_slice %arg22[%add3A_368, %dma_wait3A_389] : memref<16384x128xf32, #tpu.memory_space<hbm>> -> memref<128x128xf32, #tpu.memory_space<hbm>>
    %dma_wait3A_391 = arith.constant 0 : i32
    %dma_wait3A_392 = tpu.memref_slice %arg22[%add3A_368, %dma_wait3A_391] : memref<16384x128xf32, #tpu.memory_space<hbm>> -> memref<128x128xf32, #tpu.memory_space<hbm>>
    tpu.wait_dma2 semaphore(%arg32 : memref<!tpu.dma_semaphore, #tpu.memory_space<semaphore_mem>>) src(%arg26 : memref<128x128xf32, #tpu.memory_space<vmem>>) dst(%dma_wait3A_392 : memref<128x128xf32, #tpu.memory_space<hbm>>)
    %dma_wait3A_393 = arith.constant 0 : i32
    %dma_wait3A_394 = tpu.memref_slice %arg22[%add3A_374, %dma_wait3A_393] : memref<16384x128xf32, #tpu.memory_space<hbm>> -> memref<128x128xf32, #tpu.memory_space<hbm>>
    %dma_wait3A_395 = arith.constant 0 : i32
    %dma_wait3A_396 = tpu.memref_slice %arg22[%add3A_374, %dma_wait3A_395] : memref<16384x128xf32, #tpu.memory_space<hbm>> -> memref<128x128xf32, #tpu.memory_space<hbm>>
    tpu.wait_dma2 semaphore(%arg32 : memref<!tpu.dma_semaphore, #tpu.memory_space<semaphore_mem>>) src(%arg26 : memref<128x128xf32, #tpu.memory_space<vmem>>) dst(%dma_wait3A_396 : memref<128x128xf32, #tpu.memory_space<hbm>>)
    %dma_wait3A_397 = arith.constant 0 : i32
    %dma_wait3A_398 = tpu.memref_slice %arg22[%add3A_380, %dma_wait3A_397] : memref<16384x128xf32, #tpu.memory_space<hbm>> -> memref<128x128xf32, #tpu.memory_space<hbm>>
    %dma_wait3A_399 = arith.constant 0 : i32
    %dma_wait3A_400 = tpu.memref_slice %arg22[%add3A_380, %dma_wait3A_399] : memref<16384x128xf32, #tpu.memory_space<hbm>> -> memref<128x128xf32, #tpu.memory_space<hbm>>
    tpu.wait_dma2 semaphore(%arg32 : memref<!tpu.dma_semaphore, #tpu.memory_space<semaphore_mem>>) src(%arg26 : memref<128x128xf32, #tpu.memory_space<vmem>>) dst(%dma_wait3A_400 : memref<128x128xf32, #tpu.memory_space<hbm>>)
    %get3A_401 = arith.constant 4 : i32
    %get3A_402 = arith.index_cast %get3A_401 : i32 to index
    %get3A_403 = arith.constant 0 : index
    %get3A_404 = tpu.vector_load %arg25[%get3A_402, %get3A_403] {strides = array<i32>} : memref<5x128xf32, #tpu.memory_space<vmem>>, vector<1x16xf32>,
    %get3A_405 = vector.shape_cast %get3A_404 : vector<1x16xf32> to vector<16xf32>
    %get3A_406 = arith.constant 4 : i32
    %get3A_407 = arith.index_cast %get3A_406 : i32 to index
    %get3A_408 = arith.constant 16 : index
    %get3A_409 = tpu.vector_load %arg25[%get3A_407, %get3A_408] {strides = array<i32>} : memref<5x128xf32, #tpu.memory_space<vmem>>, vector<1x16xf32>,
    %get3A_410 = vector.shape_cast %get3A_409 : vector<1x16xf32> to vector<16xf32>
    %get3A_411 = arith.constant 4 : i32
    %get3A_412 = arith.index_cast %get3A_411 : i32 to index
    %get3A_413 = arith.constant 32 : index
    %get3A_414 = tpu.vector_load %arg25[%get3A_412, %get3A_413] {strides = array<i32>} : memref<5x128xf32, #tpu.memory_space<vmem>>, vector<1x16xf32>,
    %get3A_415 = vector.shape_cast %get3A_414 : vector<1x16xf32> to vector<16xf32>
    %get3A_416 = arith.constant 4 : i32
    %get3A_417 = arith.index_cast %get3A_416 : i32 to index
    %get3A_418 = arith.constant 48 : index
    %get3A_419 = tpu.vector_load %arg25[%get3A_417, %get3A_418] {strides = array<i32>} : memref<5x128xf32, #tpu.memory_space<vmem>>, vector<1x16xf32>,
    %get3A_420 = vector.shape_cast %get3A_419 : vector<1x16xf32> to vector<16xf32>
    %get3A_421 = arith.constant 4 : i32
    %get3A_422 = arith.index_cast %get3A_421 : i32 to index
    %get3A_423 = arith.constant 64 : index
    %get3A_424 = tpu.vector_load %arg25[%get3A_422, %get3A_423] {strides = array<i32>} : memref<5x128xf32, #tpu.memory_space<vmem>>, vector<1x16xf32>,
    %get3A_425 = vector.shape_cast %get3A_424 : vector<1x16xf32> to vector<16xf32>
    %get3A_426 = arith.constant 4 : i32
    %get3A_427 = arith.index_cast %get3A_426 : i32 to index
    %get3A_428 = arith.constant 80 : index
    %get3A_429 = tpu.vector_load %arg25[%get3A_427, %get3A_428] {strides = array<i32>} : memref<5x128xf32, #tpu.memory_space<vmem>>, vector<1x16xf32>,
    %get3A_430 = vector.shape_cast %get3A_429 : vector<1x16xf32> to vector<16xf32>
    %get3A_431 = arith.constant 4 : i32
    %get3A_432 = arith.index_cast %get3A_431 : i32 to index
    %get3A_433 = arith.constant 96 : index
    %get3A_434 = tpu.vector_load %arg25[%get3A_432, %get3A_433] {strides = array<i32>} : memref<5x128xf32, #tpu.memory_space<vmem>>, vector<1x16xf32>,
    %get3A_435 = vector.shape_cast %get3A_434 : vector<1x16xf32> to vector<16xf32>
    %get3A_436 = arith.constant 4 : i32
    %get3A_437 = arith.index_cast %get3A_436 : i32 to index
    %get3A_438 = arith.constant 112 : index
    %get3A_439 = tpu.vector_load %arg25[%get3A_437, %get3A_438] {strides = array<i32>} : memref<5x128xf32, #tpu.memory_space<vmem>>, vector<1x16xf32>,
    %get3A_440 = vector.shape_cast %get3A_439 : vector<1x16xf32> to vector<16xf32>
    %scan3A_441 = arith.constant 0 : i32
    %scan3A_442 = arith.constant 0 : i32
    %scan3A_443 = arith.constant 128 : i32
    %scan3A_444 = arith.addi %scan3A_442, %scan3A_443 : i32
    %scan3A_445 = arith.constant 1 : i32
    %scan3A_446 = scf.for %scan3A_1142 = %scan3A_442 to %scan3A_444 step %scan3A_445 iter_args(%scan3A_1143 = %scan3A_441) -> (i32)  : i32 {
      %swap3A = arith.index_cast %scan3A_1142 : i32 to index
      %swap3A_1144 = arith.constant 0 : index
      %swap3A_1145 = tpu.vector_load %arg26[%swap3A, %swap3A_1144] {strides = array<i32>} : memref<128x128xf32, #tpu.memory_space<vmem>>, vector<1x16xf32>,
      %swap3A_1146 = vector.shape_cast %swap3A_1145 : vector<1x16xf32> to vector<16xf32>
      %swap3A_1147 = vector.shape_cast %get3A_405 : vector<16xf32> to vector<1x16xf32>
      tpu.vector_store %arg26[%swap3A, %swap3A_1144], %swap3A_1147 {strides = array<i32>} : memref<128x128xf32, #tpu.memory_space<vmem>>, vector<1x16xf32>,
      %swap3A_1148 = arith.index_cast %scan3A_1142 : i32 to index
      %swap3A_1149 = arith.constant 16 : index
      %swap3A_1150 = tpu.vector_load %arg26[%swap3A_1148, %swap3A_1149] {strides = array<i32>} : memref<128x128xf32, #tpu.memory_space<vmem>>, vector<1x16xf32>,
      %swap3A_1151 = vector.shape_cast %swap3A_1150 : vector<1x16xf32> to vector<16xf32>
      %swap3A_1152 = vector.shape_cast %get3A_410 : vector<16xf32> to vector<1x16xf32>
      tpu.vector_store %arg26[%swap3A_1148, %swap3A_1149], %swap3A_1152 {strides = array<i32>} : memref<128x128xf32, #tpu.memory_space<vmem>>, vector<1x16xf32>,
      %swap3A_1153 = arith.index_cast %scan3A_1142 : i32 to index
      %swap3A_1154 = arith.constant 32 : index
      %swap3A_1155 = tpu.vector_load %arg26[%swap3A_1153, %swap3A_1154] {strides = array<i32>} : memref<128x128xf32, #tpu.memory_space<vmem>>, vector<1x16xf32>,
      %swap3A_1156 = vector.shape_cast %swap3A_1155 : vector<1x16xf32> to vector<16xf32>
      %swap3A_1157 = vector.shape_cast %get3A_415 : vector<16xf32> to vector<1x16xf32>
      tpu.vector_store %arg26[%swap3A_1153, %swap3A_1154], %swap3A_1157 {strides = array<i32>} : memref<128x128xf32, #tpu.memory_space<vmem>>, vector<1x16xf32>,
      %swap3A_1158 = arith.index_cast %scan3A_1142 : i32 to index
      %swap3A_1159 = arith.constant 48 : index
      %swap3A_1160 = tpu.vector_load %arg26[%swap3A_1158, %swap3A_1159] {strides = array<i32>} : memref<128x128xf32, #tpu.memory_space<vmem>>, vector<1x16xf32>,
      %swap3A_1161 = vector.shape_cast %swap3A_1160 : vector<1x16xf32> to vector<16xf32>
      %swap3A_1162 = vector.shape_cast %get3A_420 : vector<16xf32> to vector<1x16xf32>
      tpu.vector_store %arg26[%swap3A_1158, %swap3A_1159], %swap3A_1162 {strides = array<i32>} : memref<128x128xf32, #tpu.memory_space<vmem>>, vector<1x16xf32>,
      %swap3A_1163 = arith.index_cast %scan3A_1142 : i32 to index
      %swap3A_1164 = arith.constant 64 : index
      %swap3A_1165 = tpu.vector_load %arg26[%swap3A_1163, %swap3A_1164] {strides = array<i32>} : memref<128x128xf32, #tpu.memory_space<vmem>>, vector<1x16xf32>,
      %swap3A_1166 = vector.shape_cast %swap3A_1165 : vector<1x16xf32> to vector<16xf32>
      %swap3A_1167 = vector.shape_cast %get3A_425 : vector<16xf32> to vector<1x16xf32>
      tpu.vector_store %arg26[%swap3A_1163, %swap3A_1164], %swap3A_1167 {strides = array<i32>} : memref<128x128xf32, #tpu.memory_space<vmem>>, vector<1x16xf32>,
      %swap3A_1168 = arith.index_cast %scan3A_1142 : i32 to index
      %swap3A_1169 = arith.constant 80 : index
      %swap3A_1170 = tpu.vector_load %arg26[%swap3A_1168, %swap3A_1169] {strides = array<i32>} : memref<128x128xf32, #tpu.memory_space<vmem>>, vector<1x16xf32>,
      %swap3A_1171 = vector.shape_cast %swap3A_1170 : vector<1x16xf32> to vector<16xf32>
      %swap3A_1172 = vector.shape_cast %get3A_430 : vector<16xf32> to vector<1x16xf32>
      tpu.vector_store %arg26[%swap3A_1168, %swap3A_1169], %swap3A_1172 {strides = array<i32>} : memref<128x128xf32, #tpu.memory_space<vmem>>, vector<1x16xf32>,
      %swap3A_1173 = arith.index_cast %scan3A_1142 : i32 to index
      %swap3A_1174 = arith.constant 96 : index
      %swap3A_1175 = tpu.vector_load %arg26[%swap3A_1173, %swap3A_1174] {strides = array<i32>} : memref<128x128xf32, #tpu.memory_space<vmem>>, vector<1x16xf32>,
      %swap3A_1176 = vector.shape_cast %swap3A_1175 : vector<1x16xf32> to vector<16xf32>
      %swap3A_1177 = vector.shape_cast %get3A_435 : vector<16xf32> to vector<1x16xf32>
      tpu.vector_store %arg26[%swap3A_1173, %swap3A_1174], %swap3A_1177 {strides = array<i32>} : memref<128x128xf32, #tpu.memory_space<vmem>>, vector<1x16xf32>,
      %swap3A_1178 = arith.index_cast %scan3A_1142 : i32 to index
      %swap3A_1179 = arith.constant 112 : index
      %swap3A_1180 = tpu.vector_load %arg26[%swap3A_1178, %swap3A_1179] {strides = array<i32>} : memref<128x128xf32, #tpu.memory_space<vmem>>, vector<1x16xf32>,
      %swap3A_1181 = vector.shape_cast %swap3A_1180 : vector<1x16xf32> to vector<16xf32>
      %swap3A_1182 = vector.shape_cast %get3A_440 : vector<16xf32> to vector<1x16xf32>
      tpu.vector_store %arg26[%swap3A_1178, %swap3A_1179], %swap3A_1182 {strides = array<i32>} : memref<128x128xf32, #tpu.memory_space<vmem>>, vector<1x16xf32>,
      %scan3A_1183 = arith.constant 0 : i32
      scf.yield %scan3A_1183 : i32
    }
    %scan3A_447 = arith.constant 128 : i32
    %add3A_448 = arith.constant 0 : i32
    %add3A_449 = arith.addi %mul3A_2, %add3A_448 : i32
    %dma_start3A_450 = arith.constant 0 : i32
    %dma_start3A_451 = tpu.memref_slice %arg23[%add3A_449, %dma_start3A_450] : memref<16384x128xf32, #tpu.memory_space<hbm>> -> memref<128x128xf32, #tpu.memory_space<hbm>>
    %dma_start3A_452 = arith.constant 0 : i32
    %dma_start3A_453 = tpu.memref_slice %arg23[%add3A_449, %dma_start3A_452] : memref<16384x128xf32, #tpu.memory_space<hbm>> -> memref<128x128xf32, #tpu.memory_space<hbm>>
    tpu.enqueue_dma source(%arg26 : memref<128x128xf32, #tpu.memory_space<vmem>>) target(%dma_start3A_453 : memref<128x128xf32, #tpu.memory_space<hbm>>) target_semaphore(%arg32 : memref<!tpu.dma_semaphore, #tpu.memory_space<semaphore_mem>>)
    %add3A_454 = arith.constant 128 : i32
    %add3A_455 = arith.addi %mul3A_2, %add3A_454 : i32
    %dma_start3A_456 = arith.constant 0 : i32
    %dma_start3A_457 = tpu.memref_slice %arg23[%add3A_455, %dma_start3A_456] : memref<16384x128xf32, #tpu.memory_space<hbm>> -> memref<128x128xf32, #tpu.memory_space<hbm>>
    %dma_start3A_458 = arith.constant 0 : i32
    %dma_start3A_459 = tpu.memref_slice %arg23[%add3A_455, %dma_start3A_458] : memref<16384x128xf32, #tpu.memory_space<hbm>> -> memref<128x128xf32, #tpu.memory_space<hbm>>
    tpu.enqueue_dma source(%arg26 : memref<128x128xf32, #tpu.memory_space<vmem>>) target(%dma_start3A_459 : memref<128x128xf32, #tpu.memory_space<hbm>>) target_semaphore(%arg32 : memref<!tpu.dma_semaphore, #tpu.memory_space<semaphore_mem>>)
    %add3A_460 = arith.constant 256 : i32
    %add3A_461 = arith.addi %mul3A_2, %add3A_460 : i32
    %dma_start3A_462 = arith.constant 0 : i32
    %dma_start3A_463 = tpu.memref_slice %arg23[%add3A_461, %dma_start3A_462] : memref<16384x128xf32, #tpu.memory_space<hbm>> -> memref<128x128xf32, #tpu.memory_space<hbm>>
    %dma_start3A_464 = arith.constant 0 : i32
    %dma_start3A_465 = tpu.memref_slice %arg23[%add3A_461, %dma_start3A_464] : memref<16384x128xf32, #tpu.memory_space<hbm>> -> memref<128x128xf32, #tpu.memory_space<hbm>>
    tpu.enqueue_dma source(%arg26 : memref<128x128xf32, #tpu.memory_space<vmem>>) target(%dma_start3A_465 : memref<128x128xf32, #tpu.memory_space<hbm>>) target_semaphore(%arg32 : memref<!tpu.dma_semaphore, #tpu.memory_space<semaphore_mem>>)
    %add3A_466 = arith.constant 384 : i32
    %add3A_467 = arith.addi %mul3A_2, %add3A_466 : i32
    %dma_start3A_468 = arith.constant 0 : i32
    %dma_start3A_469 = tpu.memref_slice %arg23[%add3A_467, %dma_start3A_468] : memref<16384x128xf32, #tpu.memory_space<hbm>> -> memref<128x128xf32, #tpu.memory_space<hbm>>
    %dma_start3A_470 = arith.constant 0 : i32
    %dma_start3A_471 = tpu.memref_slice %arg23[%add3A_467, %dma_start3A_470] : memref<16384x128xf32, #tpu.memory_space<hbm>> -> memref<128x128xf32, #tpu.memory_space<hbm>>
    tpu.enqueue_dma source(%arg26 : memref<128x128xf32, #tpu.memory_space<vmem>>) target(%dma_start3A_471 : memref<128x128xf32, #tpu.memory_space<hbm>>) target_semaphore(%arg32 : memref<!tpu.dma_semaphore, #tpu.memory_space<semaphore_mem>>)
    %dma_wait3A_472 = arith.constant 0 : i32
    %dma_wait3A_473 = tpu.memref_slice %arg23[%add3A_449, %dma_wait3A_472] : memref<16384x128xf32, #tpu.memory_space<hbm>> -> memref<128x128xf32, #tpu.memory_space<hbm>>
    %dma_wait3A_474 = arith.constant 0 : i32
    %dma_wait3A_475 = tpu.memref_slice %arg23[%add3A_449, %dma_wait3A_474] : memref<16384x128xf32, #tpu.memory_space<hbm>> -> memref<128x128xf32, #tpu.memory_space<hbm>>
    tpu.wait_dma2 semaphore(%arg32 : memref<!tpu.dma_semaphore, #tpu.memory_space<semaphore_mem>>) src(%arg26 : memref<128x128xf32, #tpu.memory_space<vmem>>) dst(%dma_wait3A_475 : memref<128x128xf32, #tpu.memory_space<hbm>>)
    %dma_wait3A_476 = arith.constant 0 : i32
    %dma_wait3A_477 = tpu.memref_slice %arg23[%add3A_455, %dma_wait3A_476] : memref<16384x128xf32, #tpu.memory_space<hbm>> -> memref<128x128xf32, #tpu.memory_space<hbm>>
    %dma_wait3A_478 = arith.constant 0 : i32
    %dma_wait3A_479 = tpu.memref_slice %arg23[%add3A_455, %dma_wait3A_478] : memref<16384x128xf32, #tpu.memory_space<hbm>> -> memref<128x128xf32, #tpu.memory_space<hbm>>
    tpu.wait_dma2 semaphore(%arg32 : memref<!tpu.dma_semaphore, #tpu.memory_space<semaphore_mem>>) src(%arg26 : memref<128x128xf32, #tpu.memory_space<vmem>>) dst(%dma_wait3A_479 : memref<128x128xf32, #tpu.memory_space<hbm>>)
    %dma_wait3A_480 = arith.constant 0 : i32
    %dma_wait3A_481 = tpu.memref_slice %arg23[%add3A_461, %dma_wait3A_480] : memref<16384x128xf32, #tpu.memory_space<hbm>> -> memref<128x128xf32, #tpu.memory_space<hbm>>
    %dma_wait3A_482 = arith.constant 0 : i32
    %dma_wait3A_483 = tpu.memref_slice %arg23[%add3A_461, %dma_wait3A_482] : memref<16384x128xf32, #tpu.memory_space<hbm>> -> memref<128x128xf32, #tpu.memory_space<hbm>>
    tpu.wait_dma2 semaphore(%arg32 : memref<!tpu.dma_semaphore, #tpu.memory_space<semaphore_mem>>) src(%arg26 : memref<128x128xf32, #tpu.memory_space<vmem>>) dst(%dma_wait3A_483 : memref<128x128xf32, #tpu.memory_space<hbm>>)
    %dma_wait3A_484 = arith.constant 0 : i32
    %dma_wait3A_485 = tpu.memref_slice %arg23[%add3A_467, %dma_wait3A_484] : memref<16384x128xf32, #tpu.memory_space<hbm>> -> memref<128x128xf32, #tpu.memory_space<hbm>>
    %dma_wait3A_486 = arith.constant 0 : i32
    %dma_wait3A_487 = tpu.memref_slice %arg23[%add3A_467, %dma_wait3A_486] : memref<16384x128xf32, #tpu.memory_space<hbm>> -> memref<128x128xf32, #tpu.memory_space<hbm>>
    tpu.wait_dma2 semaphore(%arg32 : memref<!tpu.dma_semaphore, #tpu.memory_space<semaphore_mem>>) src(%arg26 : memref<128x128xf32, #tpu.memory_space<vmem>>) dst(%dma_wait3A_487 : memref<128x128xf32, #tpu.memory_space<hbm>>)
    %dma_wait3A_488 = arith.constant 0 : i32
    %dma_wait3A_489 = arith.constant 0 : i32
    %dma_wait3A_490 = tpu.memref_slice %arg24[%dma_wait3A_488, %dma_wait3A_489] : memref<6x512xi32, #tpu.memory_space<vmem>> -> memref<1x512xi32, #tpu.memory_space<vmem>>
    %dma_wait3A_491 = tpu.memref_squeeze %dma_wait3A_490 : memref<1x512xi32, #tpu.memory_space<vmem>> -> memref<512xi32, #tpu.memory_space<vmem>>
    %dma_wait3A_492 = tpu.memref_slice %arg2[%mul3A_2] : memref<16384xi32, #tpu.memory_space<hbm>> -> memref<512xi32, #tpu.memory_space<hbm>>
    %dma_wait3A_493 = arith.constant 0 : i32
    %dma_wait3A_494 = tpu.memref_slice %arg24[%dma_wait3A_488, %dma_wait3A_493] : memref<6x512xi32, #tpu.memory_space<vmem>> -> memref<1x512xi32, #tpu.memory_space<vmem>>
    %dma_wait3A_495 = tpu.memref_squeeze %dma_wait3A_494 : memref<1x512xi32, #tpu.memory_space<vmem>> -> memref<512xi32, #tpu.memory_space<vmem>>
    %dma_wait3A_496 = tpu.memref_slice %arg2[%mul3A_2] : memref<16384xi32, #tpu.memory_space<hbm>> -> memref<512xi32, #tpu.memory_space<hbm>>
    tpu.wait_dma2 semaphore(%arg29 : memref<!tpu.dma_semaphore, #tpu.memory_space<semaphore_mem>>) src(%dma_wait3A_496 : memref<512xi32, #tpu.memory_space<hbm>>) dst(%dma_wait3A_495 : memref<512xi32, #tpu.memory_space<vmem>>)
    %dma_wait3A_497 = arith.constant 1 : i32
    %dma_wait3A_498 = arith.constant 0 : i32
    %dma_wait3A_499 = tpu.memref_slice %arg24[%dma_wait3A_497, %dma_wait3A_498] : memref<6x512xi32, #tpu.memory_space<vmem>> -> memref<1x512xi32, #tpu.memory_space<vmem>>
    %dma_wait3A_500 = tpu.memref_squeeze %dma_wait3A_499 : memref<1x512xi32, #tpu.memory_space<vmem>> -> memref<512xi32, #tpu.memory_space<vmem>>
    %dma_wait3A_501 = tpu.memref_slice %arg3[%mul3A_2] : memref<16384xi32, #tpu.memory_space<hbm>> -> memref<512xi32, #tpu.memory_space<hbm>>
    %dma_wait3A_502 = arith.constant 0 : i32
    %dma_wait3A_503 = tpu.memref_slice %arg24[%dma_wait3A_497, %dma_wait3A_502] : memref<6x512xi32, #tpu.memory_space<vmem>> -> memref<1x512xi32, #tpu.memory_space<vmem>>
    %dma_wait3A_504 = tpu.memref_squeeze %dma_wait3A_503 : memref<1x512xi32, #tpu.memory_space<vmem>> -> memref<512xi32, #tpu.memory_space<vmem>>
    %dma_wait3A_505 = tpu.memref_slice %arg3[%mul3A_2] : memref<16384xi32, #tpu.memory_space<hbm>> -> memref<512xi32, #tpu.memory_space<hbm>>
    tpu.wait_dma2 semaphore(%arg29 : memref<!tpu.dma_semaphore, #tpu.memory_space<semaphore_mem>>) src(%dma_wait3A_505 : memref<512xi32, #tpu.memory_space<hbm>>) dst(%dma_wait3A_504 : memref<512xi32, #tpu.memory_space<vmem>>)
    %dma_wait3A_506 = arith.constant 2 : i32
    %dma_wait3A_507 = arith.constant 0 : i32
    %dma_wait3A_508 = tpu.memref_slice %arg24[%dma_wait3A_506, %dma_wait3A_507] : memref<6x512xi32, #tpu.memory_space<vmem>> -> memref<1x512xi32, #tpu.memory_space<vmem>>
    %dma_wait3A_509 = tpu.memref_squeeze %dma_wait3A_508 : memref<1x512xi32, #tpu.memory_space<vmem>> -> memref<512xi32, #tpu.memory_space<vmem>>
    %dma_wait3A_510 = tpu.memref_slice %arg4[%mul3A_2] : memref<16384xi32, #tpu.memory_space<hbm>> -> memref<512xi32, #tpu.memory_space<hbm>>
    %dma_wait3A_511 = arith.constant 0 : i32
    %dma_wait3A_512 = tpu.memref_slice %arg24[%dma_wait3A_506, %dma_wait3A_511] : memref<6x512xi32, #tpu.memory_space<vmem>> -> memref<1x512xi32, #tpu.memory_space<vmem>>
    %dma_wait3A_513 = tpu.memref_squeeze %dma_wait3A_512 : memref<1x512xi32, #tpu.memory_space<vmem>> -> memref<512xi32, #tpu.memory_space<vmem>>
    %dma_wait3A_514 = tpu.memref_slice %arg4[%mul3A_2] : memref<16384xi32, #tpu.memory_space<hbm>> -> memref<512xi32, #tpu.memory_space<hbm>>
    tpu.wait_dma2 semaphore(%arg29 : memref<!tpu.dma_semaphore, #tpu.memory_space<semaphore_mem>>) src(%dma_wait3A_514 : memref<512xi32, #tpu.memory_space<hbm>>) dst(%dma_wait3A_513 : memref<512xi32, #tpu.memory_space<vmem>>)
    %dma_wait3A_515 = arith.constant 3 : i32
    %dma_wait3A_516 = arith.constant 0 : i32
    %dma_wait3A_517 = tpu.memref_slice %arg24[%dma_wait3A_515, %dma_wait3A_516] : memref<6x512xi32, #tpu.memory_space<vmem>> -> memref<1x512xi32, #tpu.memory_space<vmem>>
    %dma_wait3A_518 = tpu.memref_squeeze %dma_wait3A_517 : memref<1x512xi32, #tpu.memory_space<vmem>> -> memref<512xi32, #tpu.memory_space<vmem>>
    %dma_wait3A_519 = tpu.memref_slice %arg5[%mul3A_2] : memref<16384xi32, #tpu.memory_space<hbm>> -> memref<512xi32, #tpu.memory_space<hbm>>
    %dma_wait3A_520 = arith.constant 0 : i32
    %dma_wait3A_521 = tpu.memref_slice %arg24[%dma_wait3A_515, %dma_wait3A_520] : memref<6x512xi32, #tpu.memory_space<vmem>> -> memref<1x512xi32, #tpu.memory_space<vmem>>
    %dma_wait3A_522 = tpu.memref_squeeze %dma_wait3A_521 : memref<1x512xi32, #tpu.memory_space<vmem>> -> memref<512xi32, #tpu.memory_space<vmem>>
    %dma_wait3A_523 = tpu.memref_slice %arg5[%mul3A_2] : memref<16384xi32, #tpu.memory_space<hbm>> -> memref<512xi32, #tpu.memory_space<hbm>>
    tpu.wait_dma2 semaphore(%arg29 : memref<!tpu.dma_semaphore, #tpu.memory_space<semaphore_mem>>) src(%dma_wait3A_523 : memref<512xi32, #tpu.memory_space<hbm>>) dst(%dma_wait3A_522 : memref<512xi32, #tpu.memory_space<vmem>>)
    %dma_wait3A_524 = arith.constant 4 : i32
    %dma_wait3A_525 = arith.constant 0 : i32
    %dma_wait3A_526 = tpu.memref_slice %arg24[%dma_wait3A_524, %dma_wait3A_525] : memref<6x512xi32, #tpu.memory_space<vmem>> -> memref<1x512xi32, #tpu.memory_space<vmem>>
    %dma_wait3A_527 = tpu.memref_squeeze %dma_wait3A_526 : memref<1x512xi32, #tpu.memory_space<vmem>> -> memref<512xi32, #tpu.memory_space<vmem>>
    %dma_wait3A_528 = tpu.memref_slice %arg6[%mul3A_2] : memref<16384xi32, #tpu.memory_space<hbm>> -> memref<512xi32, #tpu.memory_space<hbm>>
    %dma_wait3A_529 = arith.constant 0 : i32
    %dma_wait3A_530 = tpu.memref_slice %arg24[%dma_wait3A_524, %dma_wait3A_529] : memref<6x512xi32, #tpu.memory_space<vmem>> -> memref<1x512xi32, #tpu.memory_space<vmem>>
    %dma_wait3A_531 = tpu.memref_squeeze %dma_wait3A_530 : memref<1x512xi32, #tpu.memory_space<vmem>> -> memref<512xi32, #tpu.memory_space<vmem>>
    %dma_wait3A_532 = tpu.memref_slice %arg6[%mul3A_2] : memref<16384xi32, #tpu.memory_space<hbm>> -> memref<512xi32, #tpu.memory_space<hbm>>
    tpu.wait_dma2 semaphore(%arg29 : memref<!tpu.dma_semaphore, #tpu.memory_space<semaphore_mem>>) src(%dma_wait3A_532 : memref<512xi32, #tpu.memory_space<hbm>>) dst(%dma_wait3A_531 : memref<512xi32, #tpu.memory_space<vmem>>)
    %dma_wait3A_533 = arith.constant 5 : i32
    %dma_wait3A_534 = arith.constant 0 : i32
    %dma_wait3A_535 = tpu.memref_slice %arg24[%dma_wait3A_533, %dma_wait3A_534] : memref<6x512xi32, #tpu.memory_space<vmem>> -> memref<1x512xi32, #tpu.memory_space<vmem>>
    %dma_wait3A_536 = tpu.memref_squeeze %dma_wait3A_535 : memref<1x512xi32, #tpu.memory_space<vmem>> -> memref<512xi32, #tpu.memory_space<vmem>>
    %dma_wait3A_537 = tpu.memref_slice %arg7[%mul3A_2] : memref<16384xi32, #tpu.memory_space<hbm>> -> memref<512xi32, #tpu.memory_space<hbm>>
    %dma_wait3A_538 = arith.constant 0 : i32
    %dma_wait3A_539 = tpu.memref_slice %arg24[%dma_wait3A_533, %dma_wait3A_538] : memref<6x512xi32, #tpu.memory_space<vmem>> -> memref<1x512xi32, #tpu.memory_space<vmem>>
    %dma_wait3A_540 = tpu.memref_squeeze %dma_wait3A_539 : memref<1x512xi32, #tpu.memory_space<vmem>> -> memref<512xi32, #tpu.memory_space<vmem>>
    %dma_wait3A_541 = tpu.memref_slice %arg7[%mul3A_2] : memref<16384xi32, #tpu.memory_space<hbm>> -> memref<512xi32, #tpu.memory_space<hbm>>
    tpu.wait_dma2 semaphore(%arg29 : memref<!tpu.dma_semaphore, #tpu.memory_space<semaphore_mem>>) src(%dma_wait3A_541 : memref<512xi32, #tpu.memory_space<hbm>>) dst(%dma_wait3A_540 : memref<512xi32, #tpu.memory_space<vmem>>)
    %dma_start3A_542 = arith.constant 0 : i32
    %dma_start3A_543 = arith.constant 0 : i32
    %dma_start3A_544 = arith.constant 0 : i32
    %dma_start3A_545 = tpu.memref_slice %arg27[%dma_start3A_543, %dma_start3A_544] : memref<256x128xf32, #tpu.memory_space<vmem>> -> memref<128x128xf32, #tpu.memory_space<vmem>>
    %dma_start3A_546 = arith.constant 0 : i32
    %dma_start3A_547 = tpu.memref_slice %arg24[%dma_start3A_542, %dma_start3A_546] : memref<6x512xi32, #tpu.memory_space<vmem>> -> memref<1x128xi32, #tpu.memory_space<vmem>>
    %dma_start3A_548 = tpu.memref_squeeze %dma_start3A_547 : memref<1x128xi32, #tpu.memory_space<vmem>> -> memref<128xi32, #tpu.memory_space<vmem>>
    %dma_start3A_549 = arith.constant 0 : i32
    %dma_start3A_550 = arith.constant 0 : i32
    %dma_start3A_551 = tpu.memref_slice %arg8[%dma_start3A_549, %dma_start3A_550] : memref<1000000x128xf32, #tpu.memory_space<hbm>> -> memref<1000000x128xf32, #tpu.memory_space<hbm>>
    tpu.enqueue_indirect_dma source(%dma_start3A_551 : memref<1000000x128xf32, #tpu.memory_space<hbm>>) target(%dma_start3A_545 : memref<128x128xf32, #tpu.memory_space<vmem>>) offsets(%dma_start3A_548 : memref<128xi32, #tpu.memory_space<vmem>>) semaphore(%arg30 : memref<!tpu.dma_semaphore, #tpu.memory_space<semaphore_mem>>)
    %dma_start3A_552 = arith.constant 0 : i32
    %dma_start3A_553 = arith.constant 128 : i32
    %dma_start3A_554 = arith.constant 0 : i32
    %dma_start3A_555 = tpu.memref_slice %arg27[%dma_start3A_553, %dma_start3A_554] : memref<256x128xf32, #tpu.memory_space<vmem>> -> memref<128x128xf32, #tpu.memory_space<vmem>>
    %dma_start3A_556 = arith.constant 128 : i32
    %dma_start3A_557 = tpu.memref_slice %arg24[%dma_start3A_552, %dma_start3A_556] : memref<6x512xi32, #tpu.memory_space<vmem>> -> memref<1x128xi32, #tpu.memory_space<vmem>>
    %dma_start3A_558 = tpu.memref_squeeze %dma_start3A_557 : memref<1x128xi32, #tpu.memory_space<vmem>> -> memref<128xi32, #tpu.memory_space<vmem>>
    %dma_start3A_559 = arith.constant 0 : i32
    %dma_start3A_560 = arith.constant 0 : i32
    %dma_start3A_561 = tpu.memref_slice %arg8[%dma_start3A_559, %dma_start3A_560] : memref<1000000x128xf32, #tpu.memory_space<hbm>> -> memref<1000000x128xf32, #tpu.memory_space<hbm>>
    tpu.enqueue_indirect_dma source(%dma_start3A_561 : memref<1000000x128xf32, #tpu.memory_space<hbm>>) target(%dma_start3A_555 : memref<128x128xf32, #tpu.memory_space<vmem>>) offsets(%dma_start3A_558 : memref<128xi32, #tpu.memory_space<vmem>>) semaphore(%arg30 : memref<!tpu.dma_semaphore, #tpu.memory_space<semaphore_mem>>)
    %dma_wait3A_562 = arith.constant 0 : i32
    %dma_wait3A_563 = arith.constant 0 : i32
    %dma_wait3A_564 = arith.constant 0 : i32
    %dma_wait3A_565 = tpu.memref_slice %arg27[%dma_wait3A_563, %dma_wait3A_564] : memref<256x128xf32, #tpu.memory_space<vmem>> -> memref<128x128xf32, #tpu.memory_space<vmem>>
    %dma_wait3A_566 = arith.constant 0 : i32
    %dma_wait3A_567 = tpu.memref_slice %arg24[%dma_wait3A_562, %dma_wait3A_566] : memref<6x512xi32, #tpu.memory_space<vmem>> -> memref<1x128xi32, #tpu.memory_space<vmem>>
    %dma_wait3A_568 = tpu.memref_squeeze %dma_wait3A_567 : memref<1x128xi32, #tpu.memory_space<vmem>> -> memref<128xi32, #tpu.memory_space<vmem>>
    %dma_wait3A_569 = arith.constant 0 : i32
    %dma_wait3A_570 = arith.constant 0 : i32
    %dma_wait3A_571 = tpu.memref_slice %arg8[%dma_wait3A_569, %dma_wait3A_570] : memref<1000000x128xf32, #tpu.memory_space<hbm>> -> memref<1000000x128xf32, #tpu.memory_space<hbm>>
    tpu.wait_indirect_dma semaphore(%arg30 : memref<!tpu.dma_semaphore, #tpu.memory_space<semaphore_mem>>) src(%dma_wait3A_571 : memref<1000000x128xf32, #tpu.memory_space<hbm>>) dst(%dma_wait3A_565 : memref<128x128xf32, #tpu.memory_space<vmem>>)
    %dma_wait3A_572 = arith.constant 0 : i32
    %dma_wait3A_573 = arith.constant 128 : i32
    %dma_wait3A_574 = arith.constant 0 : i32
    %dma_wait3A_575 = tpu.memref_slice %arg27[%dma_wait3A_573, %dma_wait3A_574] : memref<256x128xf32, #tpu.memory_space<vmem>> -> memref<128x128xf32, #tpu.memory_space<vmem>>
    %dma_wait3A_576 = arith.constant 128 : i32
    %dma_wait3A_577 = tpu.memref_slice %arg24[%dma_wait3A_572, %dma_wait3A_576] : memref<6x512xi32, #tpu.memory_space<vmem>> -> memref<1x128xi32, #tpu.memory_space<vmem>>
    %dma_wait3A_578 = tpu.memref_squeeze %dma_wait3A_577 : memref<1x128xi32, #tpu.memory_space<vmem>> -> memref<128xi32, #tpu.memory_space<vmem>>
    %dma_wait3A_579 = arith.constant 0 : i32
    %dma_wait3A_580 = arith.constant 0 : i32
    %dma_wait3A_581 = tpu.memref_slice %arg8[%dma_wait3A_579, %dma_wait3A_580] : memref<1000000x128xf32, #tpu.memory_space<hbm>> -> memref<1000000x128xf32, #tpu.memory_space<hbm>>
    tpu.wait_indirect_dma semaphore(%arg30 : memref<!tpu.dma_semaphore, #tpu.memory_space<semaphore_mem>>) src(%dma_wait3A_581 : memref<1000000x128xf32, #tpu.memory_space<hbm>>) dst(%dma_wait3A_575 : memref<128x128xf32, #tpu.memory_space<vmem>>)
    %add3A_582 = arith.constant 0 : i32
    %add3A_583 = arith.addi %mul3A_2, %add3A_582 : i32
    %dma_start3A_584 = arith.constant 0 : i32
    %dma_start3A_585 = tpu.memref_slice %arg13[%add3A_583, %dma_start3A_584] : memref<16384x128xf32, #tpu.memory_space<hbm>> -> memref<256x128xf32, #tpu.memory_space<hbm>>
    %dma_start3A_586 = arith.constant 0 : i32
    %dma_start3A_587 = tpu.memref_slice %arg13[%add3A_583, %dma_start3A_586] : memref<16384x128xf32, #tpu.memory_space<hbm>> -> memref<256x128xf32, #tpu.memory_space<hbm>>
    tpu.enqueue_dma source(%arg27 : memref<256x128xf32, #tpu.memory_space<vmem>>) target(%dma_start3A_587 : memref<256x128xf32, #tpu.memory_space<hbm>>) target_semaphore(%arg31 : memref<!tpu.dma_semaphore, #tpu.memory_space<semaphore_mem>>)
    %dma_start3A_588 = arith.constant 0 : i32
    %dma_start3A_589 = arith.constant 0 : i32
    %dma_start3A_590 = arith.constant 0 : i32
    %dma_start3A_591 = tpu.memref_slice %arg28[%dma_start3A_589, %dma_start3A_590] : memref<256x128xf32, #tpu.memory_space<vmem>> -> memref<128x128xf32, #tpu.memory_space<vmem>>
    %dma_start3A_592 = arith.constant 256 : i32
    %dma_start3A_593 = tpu.memref_slice %arg24[%dma_start3A_588, %dma_start3A_592] : memref<6x512xi32, #tpu.memory_space<vmem>> -> memref<1x128xi32, #tpu.memory_space<vmem>>
    %dma_start3A_594 = tpu.memref_squeeze %dma_start3A_593 : memref<1x128xi32, #tpu.memory_space<vmem>> -> memref<128xi32, #tpu.memory_space<vmem>>
    %dma_start3A_595 = arith.constant 0 : i32
    %dma_start3A_596 = arith.constant 0 : i32
    %dma_start3A_597 = tpu.memref_slice %arg8[%dma_start3A_595, %dma_start3A_596] : memref<1000000x128xf32, #tpu.memory_space<hbm>> -> memref<1000000x128xf32, #tpu.memory_space<hbm>>
    tpu.enqueue_indirect_dma source(%dma_start3A_597 : memref<1000000x128xf32, #tpu.memory_space<hbm>>) target(%dma_start3A_591 : memref<128x128xf32, #tpu.memory_space<vmem>>) offsets(%dma_start3A_594 : memref<128xi32, #tpu.memory_space<vmem>>) semaphore(%arg30 : memref<!tpu.dma_semaphore, #tpu.memory_space<semaphore_mem>>)
    %dma_start3A_598 = arith.constant 0 : i32
    %dma_start3A_599 = arith.constant 128 : i32
    %dma_start3A_600 = arith.constant 0 : i32
    %dma_start3A_601 = tpu.memref_slice %arg28[%dma_start3A_599, %dma_start3A_600] : memref<256x128xf32, #tpu.memory_space<vmem>> -> memref<128x128xf32, #tpu.memory_space<vmem>>
    %dma_start3A_602 = arith.constant 384 : i32
    %dma_start3A_603 = tpu.memref_slice %arg24[%dma_start3A_598, %dma_start3A_602] : memref<6x512xi32, #tpu.memory_space<vmem>> -> memref<1x128xi32, #tpu.memory_space<vmem>>
    %dma_start3A_604 = tpu.memref_squeeze %dma_start3A_603 : memref<1x128xi32, #tpu.memory_space<vmem>> -> memref<128xi32, #tpu.memory_space<vmem>>
    %dma_start3A_605 = arith.constant 0 : i32
    %dma_start3A_606 = arith.constant 0 : i32
    %dma_start3A_607 = tpu.memref_slice %arg8[%dma_start3A_605, %dma_start3A_606] : memref<1000000x128xf32, #tpu.memory_space<hbm>> -> memref<1000000x128xf32, #tpu.memory_space<hbm>>
    tpu.enqueue_indirect_dma source(%dma_start3A_607 : memref<1000000x128xf32, #tpu.memory_space<hbm>>) target(%dma_start3A_601 : memref<128x128xf32, #tpu.memory_space<vmem>>) offsets(%dma_start3A_604 : memref<128xi32, #tpu.memory_space<vmem>>) semaphore(%arg30 : memref<!tpu.dma_semaphore, #tpu.memory_space<semaphore_mem>>)
    %dma_wait3A_608 = arith.constant 0 : i32
    %dma_wait3A_609 = arith.constant 0 : i32
    %dma_wait3A_610 = arith.constant 0 : i32
    %dma_wait3A_611 = tpu.memref_slice %arg28[%dma_wait3A_609, %dma_wait3A_610] : memref<256x128xf32, #tpu.memory_space<vmem>> -> memref<128x128xf32, #tpu.memory_space<vmem>>
    %dma_wait3A_612 = arith.constant 256 : i32
    %dma_wait3A_613 = tpu.memref_slice %arg24[%dma_wait3A_608, %dma_wait3A_612] : memref<6x512xi32, #tpu.memory_space<vmem>> -> memref<1x128xi32, #tpu.memory_space<vmem>>
    %dma_wait3A_614 = tpu.memref_squeeze %dma_wait3A_613 : memref<1x128xi32, #tpu.memory_space<vmem>> -> memref<128xi32, #tpu.memory_space<vmem>>
    %dma_wait3A_615 = arith.constant 0 : i32
    %dma_wait3A_616 = arith.constant 0 : i32
    %dma_wait3A_617 = tpu.memref_slice %arg8[%dma_wait3A_615, %dma_wait3A_616] : memref<1000000x128xf32, #tpu.memory_space<hbm>> -> memref<1000000x128xf32, #tpu.memory_space<hbm>>
    tpu.wait_indirect_dma semaphore(%arg30 : memref<!tpu.dma_semaphore, #tpu.memory_space<semaphore_mem>>) src(%dma_wait3A_617 : memref<1000000x128xf32, #tpu.memory_space<hbm>>) dst(%dma_wait3A_611 : memref<128x128xf32, #tpu.memory_space<vmem>>)
    %dma_wait3A_618 = arith.constant 0 : i32
    %dma_wait3A_619 = arith.constant 128 : i32
    %dma_wait3A_620 = arith.constant 0 : i32
    %dma_wait3A_621 = tpu.memref_slice %arg28[%dma_wait3A_619, %dma_wait3A_620] : memref<256x128xf32, #tpu.memory_space<vmem>> -> memref<128x128xf32, #tpu.memory_space<vmem>>
    %dma_wait3A_622 = arith.constant 384 : i32
    %dma_wait3A_623 = tpu.memref_slice %arg24[%dma_wait3A_618, %dma_wait3A_622] : memref<6x512xi32, #tpu.memory_space<vmem>> -> memref<1x128xi32, #tpu.memory_space<vmem>>
    %dma_wait3A_624 = tpu.memref_squeeze %dma_wait3A_623 : memref<1x128xi32, #tpu.memory_space<vmem>> -> memref<128xi32, #tpu.memory_space<vmem>>
    %dma_wait3A_625 = arith.constant 0 : i32
    %dma_wait3A_626 = arith.constant 0 : i32
    %dma_wait3A_627 = tpu.memref_slice %arg8[%dma_wait3A_625, %dma_wait3A_626] : memref<1000000x128xf32, #tpu.memory_space<hbm>> -> memref<1000000x128xf32, #tpu.memory_space<hbm>>
    tpu.wait_indirect_dma semaphore(%arg30 : memref<!tpu.dma_semaphore, #tpu.memory_space<semaphore_mem>>) src(%dma_wait3A_627 : memref<1000000x128xf32, #tpu.memory_space<hbm>>) dst(%dma_wait3A_621 : memref<128x128xf32, #tpu.memory_space<vmem>>)
    %add3A_628 = arith.constant 256 : i32
    %add3A_629 = arith.addi %mul3A_2, %add3A_628 : i32
    %dma_start3A_630 = arith.constant 0 : i32
    %dma_start3A_631 = tpu.memref_slice %arg13[%add3A_629, %dma_start3A_630] : memref<16384x128xf32, #tpu.memory_space<hbm>> -> memref<256x128xf32, #tpu.memory_space<hbm>>
    %dma_start3A_632 = arith.constant 0 : i32
    %dma_start3A_633 = tpu.memref_slice %arg13[%add3A_629, %dma_start3A_632] : memref<16384x128xf32, #tpu.memory_space<hbm>> -> memref<256x128xf32, #tpu.memory_space<hbm>>
    tpu.enqueue_dma source(%arg28 : memref<256x128xf32, #tpu.memory_space<vmem>>) target(%dma_start3A_633 : memref<256x128xf32, #tpu.memory_space<hbm>>) target_semaphore(%arg31 : memref<!tpu.dma_semaphore, #tpu.memory_space<semaphore_mem>>)
    %dma_wait3A_634 = arith.constant 0 : i32
    %dma_wait3A_635 = tpu.memref_slice %arg13[%add3A_583, %dma_wait3A_634] : memref<16384x128xf32, #tpu.memory_space<hbm>> -> memref<256x128xf32, #tpu.memory_space<hbm>>
    %dma_wait3A_636 = arith.constant 0 : i32
    %dma_wait3A_637 = tpu.memref_slice %arg13[%add3A_583, %dma_wait3A_636] : memref<16384x128xf32, #tpu.memory_space<hbm>> -> memref<256x128xf32, #tpu.memory_space<hbm>>
    tpu.wait_dma2 semaphore(%arg31 : memref<!tpu.dma_semaphore, #tpu.memory_space<semaphore_mem>>) src(%arg27 : memref<256x128xf32, #tpu.memory_space<vmem>>) dst(%dma_wait3A_637 : memref<256x128xf32, #tpu.memory_space<hbm>>)
    %dma_start3A_638 = arith.constant 1 : i32
    %dma_start3A_639 = arith.constant 0 : i32
    %dma_start3A_640 = arith.constant 0 : i32
    %dma_start3A_641 = tpu.memref_slice %arg27[%dma_start3A_639, %dma_start3A_640] : memref<256x128xf32, #tpu.memory_space<vmem>> -> memref<128x128xf32, #tpu.memory_space<vmem>>
    %dma_start3A_642 = arith.constant 0 : i32
    %dma_start3A_643 = tpu.memref_slice %arg24[%dma_start3A_638, %dma_start3A_642] : memref<6x512xi32, #tpu.memory_space<vmem>> -> memref<1x128xi32, #tpu.memory_space<vmem>>
    %dma_start3A_644 = tpu.memref_squeeze %dma_start3A_643 : memref<1x128xi32, #tpu.memory_space<vmem>> -> memref<128xi32, #tpu.memory_space<vmem>>
    %dma_start3A_645 = arith.constant 0 : i32
    %dma_start3A_646 = arith.constant 0 : i32
    %dma_start3A_647 = tpu.memref_slice %arg12[%dma_start3A_645, %dma_start3A_646] : memref<1000000x128xf32, #tpu.memory_space<hbm>> -> memref<1000000x128xf32, #tpu.memory_space<hbm>>
    tpu.enqueue_indirect_dma source(%dma_start3A_647 : memref<1000000x128xf32, #tpu.memory_space<hbm>>) target(%dma_start3A_641 : memref<128x128xf32, #tpu.memory_space<vmem>>) offsets(%dma_start3A_644 : memref<128xi32, #tpu.memory_space<vmem>>) semaphore(%arg30 : memref<!tpu.dma_semaphore, #tpu.memory_space<semaphore_mem>>)
    %dma_start3A_648 = arith.constant 1 : i32
    %dma_start3A_649 = arith.constant 128 : i32
    %dma_start3A_650 = arith.constant 0 : i32
    %dma_start3A_651 = tpu.memref_slice %arg27[%dma_start3A_649, %dma_start3A_650] : memref<256x128xf32, #tpu.memory_space<vmem>> -> memref<128x128xf32, #tpu.memory_space<vmem>>
    %dma_start3A_652 = arith.constant 128 : i32
    %dma_start3A_653 = tpu.memref_slice %arg24[%dma_start3A_648, %dma_start3A_652] : memref<6x512xi32, #tpu.memory_space<vmem>> -> memref<1x128xi32, #tpu.memory_space<vmem>>
    %dma_start3A_654 = tpu.memref_squeeze %dma_start3A_653 : memref<1x128xi32, #tpu.memory_space<vmem>> -> memref<128xi32, #tpu.memory_space<vmem>>
    %dma_start3A_655 = arith.constant 0 : i32
    %dma_start3A_656 = arith.constant 0 : i32
    %dma_start3A_657 = tpu.memref_slice %arg12[%dma_start3A_655, %dma_start3A_656] : memref<1000000x128xf32, #tpu.memory_space<hbm>> -> memref<1000000x128xf32, #tpu.memory_space<hbm>>
    tpu.enqueue_indirect_dma source(%dma_start3A_657 : memref<1000000x128xf32, #tpu.memory_space<hbm>>) target(%dma_start3A_651 : memref<128x128xf32, #tpu.memory_space<vmem>>) offsets(%dma_start3A_654 : memref<128xi32, #tpu.memory_space<vmem>>) semaphore(%arg30 : memref<!tpu.dma_semaphore, #tpu.memory_space<semaphore_mem>>)
    %dma_wait3A_658 = arith.constant 1 : i32
    %dma_wait3A_659 = arith.constant 0 : i32
    %dma_wait3A_660 = arith.constant 0 : i32
    %dma_wait3A_661 = tpu.memref_slice %arg27[%dma_wait3A_659, %dma_wait3A_660] : memref<256x128xf32, #tpu.memory_space<vmem>> -> memref<128x128xf32, #tpu.memory_space<vmem>>
    %dma_wait3A_662 = arith.constant 0 : i32
    %dma_wait3A_663 = tpu.memref_slice %arg24[%dma_wait3A_658, %dma_wait3A_662] : memref<6x512xi32, #tpu.memory_space<vmem>> -> memref<1x128xi32, #tpu.memory_space<vmem>>
    %dma_wait3A_664 = tpu.memref_squeeze %dma_wait3A_663 : memref<1x128xi32, #tpu.memory_space<vmem>> -> memref<128xi32, #tpu.memory_space<vmem>>
    %dma_wait3A_665 = arith.constant 0 : i32
    %dma_wait3A_666 = arith.constant 0 : i32
    %dma_wait3A_667 = tpu.memref_slice %arg12[%dma_wait3A_665, %dma_wait3A_666] : memref<1000000x128xf32, #tpu.memory_space<hbm>> -> memref<1000000x128xf32, #tpu.memory_space<hbm>>
    tpu.wait_indirect_dma semaphore(%arg30 : memref<!tpu.dma_semaphore, #tpu.memory_space<semaphore_mem>>) src(%dma_wait3A_667 : memref<1000000x128xf32, #tpu.memory_space<hbm>>) dst(%dma_wait3A_661 : memref<128x128xf32, #tpu.memory_space<vmem>>)
    %dma_wait3A_668 = arith.constant 1 : i32
    %dma_wait3A_669 = arith.constant 128 : i32
    %dma_wait3A_670 = arith.constant 0 : i32
    %dma_wait3A_671 = tpu.memref_slice %arg27[%dma_wait3A_669, %dma_wait3A_670] : memref<256x128xf32, #tpu.memory_space<vmem>> -> memref<128x128xf32, #tpu.memory_space<vmem>>
    %dma_wait3A_672 = arith.constant 128 : i32
    %dma_wait3A_673 = tpu.memref_slice %arg24[%dma_wait3A_668, %dma_wait3A_672] : memref<6x512xi32, #tpu.memory_space<vmem>> -> memref<1x128xi32, #tpu.memory_space<vmem>>
    %dma_wait3A_674 = tpu.memref_squeeze %dma_wait3A_673 : memref<1x128xi32, #tpu.memory_space<vmem>> -> memref<128xi32, #tpu.memory_space<vmem>>
    %dma_wait3A_675 = arith.constant 0 : i32
    %dma_wait3A_676 = arith.constant 0 : i32
    %dma_wait3A_677 = tpu.memref_slice %arg12[%dma_wait3A_675, %dma_wait3A_676] : memref<1000000x128xf32, #tpu.memory_space<hbm>> -> memref<1000000x128xf32, #tpu.memory_space<hbm>>
    tpu.wait_indirect_dma semaphore(%arg30 : memref<!tpu.dma_semaphore, #tpu.memory_space<semaphore_mem>>) src(%dma_wait3A_677 : memref<1000000x128xf32, #tpu.memory_space<hbm>>) dst(%dma_wait3A_671 : memref<128x128xf32, #tpu.memory_space<vmem>>)
    %add3A_678 = arith.constant 0 : i32
    %add3A_679 = arith.addi %mul3A_2, %add3A_678 : i32
    %dma_start3A_680 = arith.constant 0 : i32
    %dma_start3A_681 = tpu.memref_slice %arg14[%add3A_679, %dma_start3A_680] : memref<16384x128xf32, #tpu.memory_space<hbm>> -> memref<256x128xf32, #tpu.memory_space<hbm>>
    %dma_start3A_682 = arith.constant 0 : i32
    %dma_start3A_683 = tpu.memref_slice %arg14[%add3A_679, %dma_start3A_682] : memref<16384x128xf32, #tpu.memory_space<hbm>> -> memref<256x128xf32, #tpu.memory_space<hbm>>
    tpu.enqueue_dma source(%arg27 : memref<256x128xf32, #tpu.memory_space<vmem>>) target(%dma_start3A_683 : memref<256x128xf32, #tpu.memory_space<hbm>>) target_semaphore(%arg31 : memref<!tpu.dma_semaphore, #tpu.memory_space<semaphore_mem>>)
    %dma_wait3A_684 = arith.constant 0 : i32
    %dma_wait3A_685 = tpu.memref_slice %arg13[%add3A_629, %dma_wait3A_684] : memref<16384x128xf32, #tpu.memory_space<hbm>> -> memref<256x128xf32, #tpu.memory_space<hbm>>
    %dma_wait3A_686 = arith.constant 0 : i32
    %dma_wait3A_687 = tpu.memref_slice %arg13[%add3A_629, %dma_wait3A_686] : memref<16384x128xf32, #tpu.memory_space<hbm>> -> memref<256x128xf32, #tpu.memory_space<hbm>>
    tpu.wait_dma2 semaphore(%arg31 : memref<!tpu.dma_semaphore, #tpu.memory_space<semaphore_mem>>) src(%arg28 : memref<256x128xf32, #tpu.memory_space<vmem>>) dst(%dma_wait3A_687 : memref<256x128xf32, #tpu.memory_space<hbm>>)
    %dma_start3A_688 = arith.constant 1 : i32
    %dma_start3A_689 = arith.constant 0 : i32
    %dma_start3A_690 = arith.constant 0 : i32
    %dma_start3A_691 = tpu.memref_slice %arg28[%dma_start3A_689, %dma_start3A_690] : memref<256x128xf32, #tpu.memory_space<vmem>> -> memref<128x128xf32, #tpu.memory_space<vmem>>
    %dma_start3A_692 = arith.constant 256 : i32
    %dma_start3A_693 = tpu.memref_slice %arg24[%dma_start3A_688, %dma_start3A_692] : memref<6x512xi32, #tpu.memory_space<vmem>> -> memref<1x128xi32, #tpu.memory_space<vmem>>
    %dma_start3A_694 = tpu.memref_squeeze %dma_start3A_693 : memref<1x128xi32, #tpu.memory_space<vmem>> -> memref<128xi32, #tpu.memory_space<vmem>>
    %dma_start3A_695 = arith.constant 0 : i32
    %dma_start3A_696 = arith.constant 0 : i32
    %dma_start3A_697 = tpu.memref_slice %arg12[%dma_start3A_695, %dma_start3A_696] : memref<1000000x128xf32, #tpu.memory_space<hbm>> -> memref<1000000x128xf32, #tpu.memory_space<hbm>>
    tpu.enqueue_indirect_dma source(%dma_start3A_697 : memref<1000000x128xf32, #tpu.memory_space<hbm>>) target(%dma_start3A_691 : memref<128x128xf32, #tpu.memory_space<vmem>>) offsets(%dma_start3A_694 : memref<128xi32, #tpu.memory_space<vmem>>) semaphore(%arg30 : memref<!tpu.dma_semaphore, #tpu.memory_space<semaphore_mem>>)
    %dma_start3A_698 = arith.constant 1 : i32
    %dma_start3A_699 = arith.constant 128 : i32
    %dma_start3A_700 = arith.constant 0 : i32
    %dma_start3A_701 = tpu.memref_slice %arg28[%dma_start3A_699, %dma_start3A_700] : memref<256x128xf32, #tpu.memory_space<vmem>> -> memref<128x128xf32, #tpu.memory_space<vmem>>
    %dma_start3A_702 = arith.constant 384 : i32
    %dma_start3A_703 = tpu.memref_slice %arg24[%dma_start3A_698, %dma_start3A_702] : memref<6x512xi32, #tpu.memory_space<vmem>> -> memref<1x128xi32, #tpu.memory_space<vmem>>
    %dma_start3A_704 = tpu.memref_squeeze %dma_start3A_703 : memref<1x128xi32, #tpu.memory_space<vmem>> -> memref<128xi32, #tpu.memory_space<vmem>>
    %dma_start3A_705 = arith.constant 0 : i32
    %dma_start3A_706 = arith.constant 0 : i32
    %dma_start3A_707 = tpu.memref_slice %arg12[%dma_start3A_705, %dma_start3A_706] : memref<1000000x128xf32, #tpu.memory_space<hbm>> -> memref<1000000x128xf32, #tpu.memory_space<hbm>>
    tpu.enqueue_indirect_dma source(%dma_start3A_707 : memref<1000000x128xf32, #tpu.memory_space<hbm>>) target(%dma_start3A_701 : memref<128x128xf32, #tpu.memory_space<vmem>>) offsets(%dma_start3A_704 : memref<128xi32, #tpu.memory_space<vmem>>) semaphore(%arg30 : memref<!tpu.dma_semaphore, #tpu.memory_space<semaphore_mem>>)
    %dma_wait3A_708 = arith.constant 1 : i32
    %dma_wait3A_709 = arith.constant 0 : i32
    %dma_wait3A_710 = arith.constant 0 : i32
    %dma_wait3A_711 = tpu.memref_slice %arg28[%dma_wait3A_709, %dma_wait3A_710] : memref<256x128xf32, #tpu.memory_space<vmem>> -> memref<128x128xf32, #tpu.memory_space<vmem>>
    %dma_wait3A_712 = arith.constant 256 : i32
    %dma_wait3A_713 = tpu.memref_slice %arg24[%dma_wait3A_708, %dma_wait3A_712] : memref<6x512xi32, #tpu.memory_space<vmem>> -> memref<1x128xi32, #tpu.memory_space<vmem>>
    %dma_wait3A_714 = tpu.memref_squeeze %dma_wait3A_713 : memref<1x128xi32, #tpu.memory_space<vmem>> -> memref<128xi32, #tpu.memory_space<vmem>>
    %dma_wait3A_715 = arith.constant 0 : i32
    %dma_wait3A_716 = arith.constant 0 : i32
    %dma_wait3A_717 = tpu.memref_slice %arg12[%dma_wait3A_715, %dma_wait3A_716] : memref<1000000x128xf32, #tpu.memory_space<hbm>> -> memref<1000000x128xf32, #tpu.memory_space<hbm>>
    tpu.wait_indirect_dma semaphore(%arg30 : memref<!tpu.dma_semaphore, #tpu.memory_space<semaphore_mem>>) src(%dma_wait3A_717 : memref<1000000x128xf32, #tpu.memory_space<hbm>>) dst(%dma_wait3A_711 : memref<128x128xf32, #tpu.memory_space<vmem>>)
    %dma_wait3A_718 = arith.constant 1 : i32
    %dma_wait3A_719 = arith.constant 128 : i32
    %dma_wait3A_720 = arith.constant 0 : i32
    %dma_wait3A_721 = tpu.memref_slice %arg28[%dma_wait3A_719, %dma_wait3A_720] : memref<256x128xf32, #tpu.memory_space<vmem>> -> memref<128x128xf32, #tpu.memory_space<vmem>>
    %dma_wait3A_722 = arith.constant 384 : i32
    %dma_wait3A_723 = tpu.memref_slice %arg24[%dma_wait3A_718, %dma_wait3A_722] : memref<6x512xi32, #tpu.memory_space<vmem>> -> memref<1x128xi32, #tpu.memory_space<vmem>>
    %dma_wait3A_724 = tpu.memref_squeeze %dma_wait3A_723 : memref<1x128xi32, #tpu.memory_space<vmem>> -> memref<128xi32, #tpu.memory_space<vmem>>
    %dma_wait3A_725 = arith.constant 0 : i32
    %dma_wait3A_726 = arith.constant 0 : i32
    %dma_wait3A_727 = tpu.memref_slice %arg12[%dma_wait3A_725, %dma_wait3A_726] : memref<1000000x128xf32, #tpu.memory_space<hbm>> -> memref<1000000x128xf32, #tpu.memory_space<hbm>>
    tpu.wait_indirect_dma semaphore(%arg30 : memref<!tpu.dma_semaphore, #tpu.memory_space<semaphore_mem>>) src(%dma_wait3A_727 : memref<1000000x128xf32, #tpu.memory_space<hbm>>) dst(%dma_wait3A_721 : memref<128x128xf32, #tpu.memory_space<vmem>>)
    %add3A_728 = arith.constant 256 : i32
    %add3A_729 = arith.addi %mul3A_2, %add3A_728 : i32
    %dma_start3A_730 = arith.constant 0 : i32
    %dma_start3A_731 = tpu.memref_slice %arg14[%add3A_729, %dma_start3A_730] : memref<16384x128xf32, #tpu.memory_space<hbm>> -> memref<256x128xf32, #tpu.memory_space<hbm>>
    %dma_start3A_732 = arith.constant 0 : i32
    %dma_start3A_733 = tpu.memref_slice %arg14[%add3A_729, %dma_start3A_732] : memref<16384x128xf32, #tpu.memory_space<hbm>> -> memref<256x128xf32, #tpu.memory_space<hbm>>
    tpu.enqueue_dma source(%arg28 : memref<256x128xf32, #tpu.memory_space<vmem>>) target(%dma_start3A_733 : memref<256x128xf32, #tpu.memory_space<hbm>>) target_semaphore(%arg31 : memref<!tpu.dma_semaphore, #tpu.memory_space<semaphore_mem>>)
    %dma_wait3A_734 = arith.constant 0 : i32
    %dma_wait3A_735 = tpu.memref_slice %arg14[%add3A_679, %dma_wait3A_734] : memref<16384x128xf32, #tpu.memory_space<hbm>> -> memref<256x128xf32, #tpu.memory_space<hbm>>
    %dma_wait3A_736 = arith.constant 0 : i32
    %dma_wait3A_737 = tpu.memref_slice %arg14[%add3A_679, %dma_wait3A_736] : memref<16384x128xf32, #tpu.memory_space<hbm>> -> memref<256x128xf32, #tpu.memory_space<hbm>>
    tpu.wait_dma2 semaphore(%arg31 : memref<!tpu.dma_semaphore, #tpu.memory_space<semaphore_mem>>) src(%arg27 : memref<256x128xf32, #tpu.memory_space<vmem>>) dst(%dma_wait3A_737 : memref<256x128xf32, #tpu.memory_space<hbm>>)
    %dma_start3A_738 = arith.constant 2 : i32
    %dma_start3A_739 = arith.constant 0 : i32
    %dma_start3A_740 = arith.constant 0 : i32
    %dma_start3A_741 = tpu.memref_slice %arg27[%dma_start3A_739, %dma_start3A_740] : memref<256x128xf32, #tpu.memory_space<vmem>> -> memref<128x128xf32, #tpu.memory_space<vmem>>
    %dma_start3A_742 = arith.constant 0 : i32
    %dma_start3A_743 = tpu.memref_slice %arg24[%dma_start3A_738, %dma_start3A_742] : memref<6x512xi32, #tpu.memory_space<vmem>> -> memref<1x128xi32, #tpu.memory_space<vmem>>
    %dma_start3A_744 = tpu.memref_squeeze %dma_start3A_743 : memref<1x128xi32, #tpu.memory_space<vmem>> -> memref<128xi32, #tpu.memory_space<vmem>>
    %dma_start3A_745 = arith.constant 0 : i32
    %dma_start3A_746 = arith.constant 0 : i32
    %dma_start3A_747 = tpu.memref_slice %arg12[%dma_start3A_745, %dma_start3A_746] : memref<1000000x128xf32, #tpu.memory_space<hbm>> -> memref<1000000x128xf32, #tpu.memory_space<hbm>>
    tpu.enqueue_indirect_dma source(%dma_start3A_747 : memref<1000000x128xf32, #tpu.memory_space<hbm>>) target(%dma_start3A_741 : memref<128x128xf32, #tpu.memory_space<vmem>>) offsets(%dma_start3A_744 : memref<128xi32, #tpu.memory_space<vmem>>) semaphore(%arg30 : memref<!tpu.dma_semaphore, #tpu.memory_space<semaphore_mem>>)
    %dma_start3A_748 = arith.constant 2 : i32
    %dma_start3A_749 = arith.constant 128 : i32
    %dma_start3A_750 = arith.constant 0 : i32
    %dma_start3A_751 = tpu.memref_slice %arg27[%dma_start3A_749, %dma_start3A_750] : memref<256x128xf32, #tpu.memory_space<vmem>> -> memref<128x128xf32, #tpu.memory_space<vmem>>
    %dma_start3A_752 = arith.constant 128 : i32
    %dma_start3A_753 = tpu.memref_slice %arg24[%dma_start3A_748, %dma_start3A_752] : memref<6x512xi32, #tpu.memory_space<vmem>> -> memref<1x128xi32, #tpu.memory_space<vmem>>
    %dma_start3A_754 = tpu.memref_squeeze %dma_start3A_753 : memref<1x128xi32, #tpu.memory_space<vmem>> -> memref<128xi32, #tpu.memory_space<vmem>>
    %dma_start3A_755 = arith.constant 0 : i32
    %dma_start3A_756 = arith.constant 0 : i32
    %dma_start3A_757 = tpu.memref_slice %arg12[%dma_start3A_755, %dma_start3A_756] : memref<1000000x128xf32, #tpu.memory_space<hbm>> -> memref<1000000x128xf32, #tpu.memory_space<hbm>>
    tpu.enqueue_indirect_dma source(%dma_start3A_757 : memref<1000000x128xf32, #tpu.memory_space<hbm>>) target(%dma_start3A_751 : memref<128x128xf32, #tpu.memory_space<vmem>>) offsets(%dma_start3A_754 : memref<128xi32, #tpu.memory_space<vmem>>) semaphore(%arg30 : memref<!tpu.dma_semaphore, #tpu.memory_space<semaphore_mem>>)
    %dma_wait3A_758 = arith.constant 2 : i32
    %dma_wait3A_759 = arith.constant 0 : i32
    %dma_wait3A_760 = arith.constant 0 : i32
    %dma_wait3A_761 = tpu.memref_slice %arg27[%dma_wait3A_759, %dma_wait3A_760] : memref<256x128xf32, #tpu.memory_space<vmem>> -> memref<128x128xf32, #tpu.memory_space<vmem>>
    %dma_wait3A_762 = arith.constant 0 : i32
    %dma_wait3A_763 = tpu.memref_slice %arg24[%dma_wait3A_758, %dma_wait3A_762] : memref<6x512xi32, #tpu.memory_space<vmem>> -> memref<1x128xi32, #tpu.memory_space<vmem>>
    %dma_wait3A_764 = tpu.memref_squeeze %dma_wait3A_763 : memref<1x128xi32, #tpu.memory_space<vmem>> -> memref<128xi32, #tpu.memory_space<vmem>>
    %dma_wait3A_765 = arith.constant 0 : i32
    %dma_wait3A_766 = arith.constant 0 : i32
    %dma_wait3A_767 = tpu.memref_slice %arg12[%dma_wait3A_765, %dma_wait3A_766] : memref<1000000x128xf32, #tpu.memory_space<hbm>> -> memref<1000000x128xf32, #tpu.memory_space<hbm>>
    tpu.wait_indirect_dma semaphore(%arg30 : memref<!tpu.dma_semaphore, #tpu.memory_space<semaphore_mem>>) src(%dma_wait3A_767 : memref<1000000x128xf32, #tpu.memory_space<hbm>>) dst(%dma_wait3A_761 : memref<128x128xf32, #tpu.memory_space<vmem>>)
    %dma_wait3A_768 = arith.constant 2 : i32
    %dma_wait3A_769 = arith.constant 128 : i32
    %dma_wait3A_770 = arith.constant 0 : i32
    %dma_wait3A_771 = tpu.memref_slice %arg27[%dma_wait3A_769, %dma_wait3A_770] : memref<256x128xf32, #tpu.memory_space<vmem>> -> memref<128x128xf32, #tpu.memory_space<vmem>>
    %dma_wait3A_772 = arith.constant 128 : i32
    %dma_wait3A_773 = tpu.memref_slice %arg24[%dma_wait3A_768, %dma_wait3A_772] : memref<6x512xi32, #tpu.memory_space<vmem>> -> memref<1x128xi32, #tpu.memory_space<vmem>>
    %dma_wait3A_774 = tpu.memref_squeeze %dma_wait3A_773 : memref<1x128xi32, #tpu.memory_space<vmem>> -> memref<128xi32, #tpu.memory_space<vmem>>
    %dma_wait3A_775 = arith.constant 0 : i32
    %dma_wait3A_776 = arith.constant 0 : i32
    %dma_wait3A_777 = tpu.memref_slice %arg12[%dma_wait3A_775, %dma_wait3A_776] : memref<1000000x128xf32, #tpu.memory_space<hbm>> -> memref<1000000x128xf32, #tpu.memory_space<hbm>>
    tpu.wait_indirect_dma semaphore(%arg30 : memref<!tpu.dma_semaphore, #tpu.memory_space<semaphore_mem>>) src(%dma_wait3A_777 : memref<1000000x128xf32, #tpu.memory_space<hbm>>) dst(%dma_wait3A_771 : memref<128x128xf32, #tpu.memory_space<vmem>>)
    %add3A_778 = arith.constant 0 : i32
    %add3A_779 = arith.addi %mul3A_2, %add3A_778 : i32
    %dma_start3A_780 = arith.constant 0 : i32
    %dma_start3A_781 = tpu.memref_slice %arg15[%add3A_779, %dma_start3A_780] : memref<16384x128xf32, #tpu.memory_space<hbm>> -> memref<256x128xf32, #tpu.memory_space<hbm>>
    %dma_start3A_782 = arith.constant 0 : i32
    %dma_start3A_783 = tpu.memref_slice %arg15[%add3A_779, %dma_start3A_782] : memref<16384x128xf32, #tpu.memory_space<hbm>> -> memref<256x128xf32, #tpu.memory_space<hbm>>
    tpu.enqueue_dma source(%arg27 : memref<256x128xf32, #tpu.memory_space<vmem>>) target(%dma_start3A_783 : memref<256x128xf32, #tpu.memory_space<hbm>>) target_semaphore(%arg31 : memref<!tpu.dma_semaphore, #tpu.memory_space<semaphore_mem>>)
    %dma_wait3A_784 = arith.constant 0 : i32
    %dma_wait3A_785 = tpu.memref_slice %arg14[%add3A_729, %dma_wait3A_784] : memref<16384x128xf32, #tpu.memory_space<hbm>> -> memref<256x128xf32, #tpu.memory_space<hbm>>
    %dma_wait3A_786 = arith.constant 0 : i32
    %dma_wait3A_787 = tpu.memref_slice %arg14[%add3A_729, %dma_wait3A_786] : memref<16384x128xf32, #tpu.memory_space<hbm>> -> memref<256x128xf32, #tpu.memory_space<hbm>>
    tpu.wait_dma2 semaphore(%arg31 : memref<!tpu.dma_semaphore, #tpu.memory_space<semaphore_mem>>) src(%arg28 : memref<256x128xf32, #tpu.memory_space<vmem>>) dst(%dma_wait3A_787 : memref<256x128xf32, #tpu.memory_space<hbm>>)
    %dma_start3A_788 = arith.constant 2 : i32
    %dma_start3A_789 = arith.constant 0 : i32
    %dma_start3A_790 = arith.constant 0 : i32
    %dma_start3A_791 = tpu.memref_slice %arg28[%dma_start3A_789, %dma_start3A_790] : memref<256x128xf32, #tpu.memory_space<vmem>> -> memref<128x128xf32, #tpu.memory_space<vmem>>
    %dma_start3A_792 = arith.constant 256 : i32
    %dma_start3A_793 = tpu.memref_slice %arg24[%dma_start3A_788, %dma_start3A_792] : memref<6x512xi32, #tpu.memory_space<vmem>> -> memref<1x128xi32, #tpu.memory_space<vmem>>
    %dma_start3A_794 = tpu.memref_squeeze %dma_start3A_793 : memref<1x128xi32, #tpu.memory_space<vmem>> -> memref<128xi32, #tpu.memory_space<vmem>>
    %dma_start3A_795 = arith.constant 0 : i32
    %dma_start3A_796 = arith.constant 0 : i32
    %dma_start3A_797 = tpu.memref_slice %arg12[%dma_start3A_795, %dma_start3A_796] : memref<1000000x128xf32, #tpu.memory_space<hbm>> -> memref<1000000x128xf32, #tpu.memory_space<hbm>>
    tpu.enqueue_indirect_dma source(%dma_start3A_797 : memref<1000000x128xf32, #tpu.memory_space<hbm>>) target(%dma_start3A_791 : memref<128x128xf32, #tpu.memory_space<vmem>>) offsets(%dma_start3A_794 : memref<128xi32, #tpu.memory_space<vmem>>) semaphore(%arg30 : memref<!tpu.dma_semaphore, #tpu.memory_space<semaphore_mem>>)
    %dma_start3A_798 = arith.constant 2 : i32
    %dma_start3A_799 = arith.constant 128 : i32
    %dma_start3A_800 = arith.constant 0 : i32
    %dma_start3A_801 = tpu.memref_slice %arg28[%dma_start3A_799, %dma_start3A_800] : memref<256x128xf32, #tpu.memory_space<vmem>> -> memref<128x128xf32, #tpu.memory_space<vmem>>
    %dma_start3A_802 = arith.constant 384 : i32
    %dma_start3A_803 = tpu.memref_slice %arg24[%dma_start3A_798, %dma_start3A_802] : memref<6x512xi32, #tpu.memory_space<vmem>> -> memref<1x128xi32, #tpu.memory_space<vmem>>
    %dma_start3A_804 = tpu.memref_squeeze %dma_start3A_803 : memref<1x128xi32, #tpu.memory_space<vmem>> -> memref<128xi32, #tpu.memory_space<vmem>>
    %dma_start3A_805 = arith.constant 0 : i32
    %dma_start3A_806 = arith.constant 0 : i32
    %dma_start3A_807 = tpu.memref_slice %arg12[%dma_start3A_805, %dma_start3A_806] : memref<1000000x128xf32, #tpu.memory_space<hbm>> -> memref<1000000x128xf32, #tpu.memory_space<hbm>>
    tpu.enqueue_indirect_dma source(%dma_start3A_807 : memref<1000000x128xf32, #tpu.memory_space<hbm>>) target(%dma_start3A_801 : memref<128x128xf32, #tpu.memory_space<vmem>>) offsets(%dma_start3A_804 : memref<128xi32, #tpu.memory_space<vmem>>) semaphore(%arg30 : memref<!tpu.dma_semaphore, #tpu.memory_space<semaphore_mem>>)
    %dma_wait3A_808 = arith.constant 2 : i32
    %dma_wait3A_809 = arith.constant 0 : i32
    %dma_wait3A_810 = arith.constant 0 : i32
    %dma_wait3A_811 = tpu.memref_slice %arg28[%dma_wait3A_809, %dma_wait3A_810] : memref<256x128xf32, #tpu.memory_space<vmem>> -> memref<128x128xf32, #tpu.memory_space<vmem>>
    %dma_wait3A_812 = arith.constant 256 : i32
    %dma_wait3A_813 = tpu.memref_slice %arg24[%dma_wait3A_808, %dma_wait3A_812] : memref<6x512xi32, #tpu.memory_space<vmem>> -> memref<1x128xi32, #tpu.memory_space<vmem>>
    %dma_wait3A_814 = tpu.memref_squeeze %dma_wait3A_813 : memref<1x128xi32, #tpu.memory_space<vmem>> -> memref<128xi32, #tpu.memory_space<vmem>>
    %dma_wait3A_815 = arith.constant 0 : i32
    %dma_wait3A_816 = arith.constant 0 : i32
    %dma_wait3A_817 = tpu.memref_slice %arg12[%dma_wait3A_815, %dma_wait3A_816] : memref<1000000x128xf32, #tpu.memory_space<hbm>> -> memref<1000000x128xf32, #tpu.memory_space<hbm>>
    tpu.wait_indirect_dma semaphore(%arg30 : memref<!tpu.dma_semaphore, #tpu.memory_space<semaphore_mem>>) src(%dma_wait3A_817 : memref<1000000x128xf32, #tpu.memory_space<hbm>>) dst(%dma_wait3A_811 : memref<128x128xf32, #tpu.memory_space<vmem>>)
    %dma_wait3A_818 = arith.constant 2 : i32
    %dma_wait3A_819 = arith.constant 128 : i32
    %dma_wait3A_820 = arith.constant 0 : i32
    %dma_wait3A_821 = tpu.memref_slice %arg28[%dma_wait3A_819, %dma_wait3A_820] : memref<256x128xf32, #tpu.memory_space<vmem>> -> memref<128x128xf32, #tpu.memory_space<vmem>>
    %dma_wait3A_822 = arith.constant 384 : i32
    %dma_wait3A_823 = tpu.memref_slice %arg24[%dma_wait3A_818, %dma_wait3A_822] : memref<6x512xi32, #tpu.memory_space<vmem>> -> memref<1x128xi32, #tpu.memory_space<vmem>>
    %dma_wait3A_824 = tpu.memref_squeeze %dma_wait3A_823 : memref<1x128xi32, #tpu.memory_space<vmem>> -> memref<128xi32, #tpu.memory_space<vmem>>
    %dma_wait3A_825 = arith.constant 0 : i32
    %dma_wait3A_826 = arith.constant 0 : i32
    %dma_wait3A_827 = tpu.memref_slice %arg12[%dma_wait3A_825, %dma_wait3A_826] : memref<1000000x128xf32, #tpu.memory_space<hbm>> -> memref<1000000x128xf32, #tpu.memory_space<hbm>>
    tpu.wait_indirect_dma semaphore(%arg30 : memref<!tpu.dma_semaphore, #tpu.memory_space<semaphore_mem>>) src(%dma_wait3A_827 : memref<1000000x128xf32, #tpu.memory_space<hbm>>) dst(%dma_wait3A_821 : memref<128x128xf32, #tpu.memory_space<vmem>>)
    %add3A_828 = arith.constant 256 : i32
    %add3A_829 = arith.addi %mul3A_2, %add3A_828 : i32
    %dma_start3A_830 = arith.constant 0 : i32
    %dma_start3A_831 = tpu.memref_slice %arg15[%add3A_829, %dma_start3A_830] : memref<16384x128xf32, #tpu.memory_space<hbm>> -> memref<256x128xf32, #tpu.memory_space<hbm>>
    %dma_start3A_832 = arith.constant 0 : i32
    %dma_start3A_833 = tpu.memref_slice %arg15[%add3A_829, %dma_start3A_832] : memref<16384x128xf32, #tpu.memory_space<hbm>> -> memref<256x128xf32, #tpu.memory_space<hbm>>
    tpu.enqueue_dma source(%arg28 : memref<256x128xf32, #tpu.memory_space<vmem>>) target(%dma_start3A_833 : memref<256x128xf32, #tpu.memory_space<hbm>>) target_semaphore(%arg31 : memref<!tpu.dma_semaphore, #tpu.memory_space<semaphore_mem>>)
    %dma_wait3A_834 = arith.constant 0 : i32
    %dma_wait3A_835 = tpu.memref_slice %arg15[%add3A_779, %dma_wait3A_834] : memref<16384x128xf32, #tpu.memory_space<hbm>> -> memref<256x128xf32, #tpu.memory_space<hbm>>
    %dma_wait3A_836 = arith.constant 0 : i32
    %dma_wait3A_837 = tpu.memref_slice %arg15[%add3A_779, %dma_wait3A_836] : memref<16384x128xf32, #tpu.memory_space<hbm>> -> memref<256x128xf32, #tpu.memory_space<hbm>>
    tpu.wait_dma2 semaphore(%arg31 : memref<!tpu.dma_semaphore, #tpu.memory_space<semaphore_mem>>) src(%arg27 : memref<256x128xf32, #tpu.memory_space<vmem>>) dst(%dma_wait3A_837 : memref<256x128xf32, #tpu.memory_space<hbm>>)
    %dma_start3A_838 = arith.constant 3 : i32
    %dma_start3A_839 = arith.constant 0 : i32
    %dma_start3A_840 = arith.constant 0 : i32
    %dma_start3A_841 = tpu.memref_slice %arg27[%dma_start3A_839, %dma_start3A_840] : memref<256x128xf32, #tpu.memory_space<vmem>> -> memref<128x128xf32, #tpu.memory_space<vmem>>
    %dma_start3A_842 = arith.constant 0 : i32
    %dma_start3A_843 = tpu.memref_slice %arg24[%dma_start3A_838, %dma_start3A_842] : memref<6x512xi32, #tpu.memory_space<vmem>> -> memref<1x128xi32, #tpu.memory_space<vmem>>
    %dma_start3A_844 = tpu.memref_squeeze %dma_start3A_843 : memref<1x128xi32, #tpu.memory_space<vmem>> -> memref<128xi32, #tpu.memory_space<vmem>>
    %dma_start3A_845 = arith.constant 0 : i32
    %dma_start3A_846 = arith.constant 0 : i32
    %dma_start3A_847 = tpu.memref_slice %arg8[%dma_start3A_845, %dma_start3A_846] : memref<1000000x128xf32, #tpu.memory_space<hbm>> -> memref<1000000x128xf32, #tpu.memory_space<hbm>>
    tpu.enqueue_indirect_dma source(%dma_start3A_847 : memref<1000000x128xf32, #tpu.memory_space<hbm>>) target(%dma_start3A_841 : memref<128x128xf32, #tpu.memory_space<vmem>>) offsets(%dma_start3A_844 : memref<128xi32, #tpu.memory_space<vmem>>) semaphore(%arg30 : memref<!tpu.dma_semaphore, #tpu.memory_space<semaphore_mem>>)
    %dma_start3A_848 = arith.constant 3 : i32
    %dma_start3A_849 = arith.constant 128 : i32
    %dma_start3A_850 = arith.constant 0 : i32
    %dma_start3A_851 = tpu.memref_slice %arg27[%dma_start3A_849, %dma_start3A_850] : memref<256x128xf32, #tpu.memory_space<vmem>> -> memref<128x128xf32, #tpu.memory_space<vmem>>
    %dma_start3A_852 = arith.constant 128 : i32
    %dma_start3A_853 = tpu.memref_slice %arg24[%dma_start3A_848, %dma_start3A_852] : memref<6x512xi32, #tpu.memory_space<vmem>> -> memref<1x128xi32, #tpu.memory_space<vmem>>
    %dma_start3A_854 = tpu.memref_squeeze %dma_start3A_853 : memref<1x128xi32, #tpu.memory_space<vmem>> -> memref<128xi32, #tpu.memory_space<vmem>>
    %dma_start3A_855 = arith.constant 0 : i32
    %dma_start3A_856 = arith.constant 0 : i32
    %dma_start3A_857 = tpu.memref_slice %arg8[%dma_start3A_855, %dma_start3A_856] : memref<1000000x128xf32, #tpu.memory_space<hbm>> -> memref<1000000x128xf32, #tpu.memory_space<hbm>>
    tpu.enqueue_indirect_dma source(%dma_start3A_857 : memref<1000000x128xf32, #tpu.memory_space<hbm>>) target(%dma_start3A_851 : memref<128x128xf32, #tpu.memory_space<vmem>>) offsets(%dma_start3A_854 : memref<128xi32, #tpu.memory_space<vmem>>) semaphore(%arg30 : memref<!tpu.dma_semaphore, #tpu.memory_space<semaphore_mem>>)
    %dma_wait3A_858 = arith.constant 3 : i32
    %dma_wait3A_859 = arith.constant 0 : i32
    %dma_wait3A_860 = arith.constant 0 : i32
    %dma_wait3A_861 = tpu.memref_slice %arg27[%dma_wait3A_859, %dma_wait3A_860] : memref<256x128xf32, #tpu.memory_space<vmem>> -> memref<128x128xf32, #tpu.memory_space<vmem>>
    %dma_wait3A_862 = arith.constant 0 : i32
    %dma_wait3A_863 = tpu.memref_slice %arg24[%dma_wait3A_858, %dma_wait3A_862] : memref<6x512xi32, #tpu.memory_space<vmem>> -> memref<1x128xi32, #tpu.memory_space<vmem>>
    %dma_wait3A_864 = tpu.memref_squeeze %dma_wait3A_863 : memref<1x128xi32, #tpu.memory_space<vmem>> -> memref<128xi32, #tpu.memory_space<vmem>>
    %dma_wait3A_865 = arith.constant 0 : i32
    %dma_wait3A_866 = arith.constant 0 : i32
    %dma_wait3A_867 = tpu.memref_slice %arg8[%dma_wait3A_865, %dma_wait3A_866] : memref<1000000x128xf32, #tpu.memory_space<hbm>> -> memref<1000000x128xf32, #tpu.memory_space<hbm>>
    tpu.wait_indirect_dma semaphore(%arg30 : memref<!tpu.dma_semaphore, #tpu.memory_space<semaphore_mem>>) src(%dma_wait3A_867 : memref<1000000x128xf32, #tpu.memory_space<hbm>>) dst(%dma_wait3A_861 : memref<128x128xf32, #tpu.memory_space<vmem>>)
    %dma_wait3A_868 = arith.constant 3 : i32
    %dma_wait3A_869 = arith.constant 128 : i32
    %dma_wait3A_870 = arith.constant 0 : i32
    %dma_wait3A_871 = tpu.memref_slice %arg27[%dma_wait3A_869, %dma_wait3A_870] : memref<256x128xf32, #tpu.memory_space<vmem>> -> memref<128x128xf32, #tpu.memory_space<vmem>>
    %dma_wait3A_872 = arith.constant 128 : i32
    %dma_wait3A_873 = tpu.memref_slice %arg24[%dma_wait3A_868, %dma_wait3A_872] : memref<6x512xi32, #tpu.memory_space<vmem>> -> memref<1x128xi32, #tpu.memory_space<vmem>>
    %dma_wait3A_874 = tpu.memref_squeeze %dma_wait3A_873 : memref<1x128xi32, #tpu.memory_space<vmem>> -> memref<128xi32, #tpu.memory_space<vmem>>
    %dma_wait3A_875 = arith.constant 0 : i32
    %dma_wait3A_876 = arith.constant 0 : i32
    %dma_wait3A_877 = tpu.memref_slice %arg8[%dma_wait3A_875, %dma_wait3A_876] : memref<1000000x128xf32, #tpu.memory_space<hbm>> -> memref<1000000x128xf32, #tpu.memory_space<hbm>>
    tpu.wait_indirect_dma semaphore(%arg30 : memref<!tpu.dma_semaphore, #tpu.memory_space<semaphore_mem>>) src(%dma_wait3A_877 : memref<1000000x128xf32, #tpu.memory_space<hbm>>) dst(%dma_wait3A_871 : memref<128x128xf32, #tpu.memory_space<vmem>>)
    %add3A_878 = arith.constant 0 : i32
    %add3A_879 = arith.addi %mul3A_2, %add3A_878 : i32
    %dma_start3A_880 = arith.constant 0 : i32
    %dma_start3A_881 = tpu.memref_slice %arg16[%add3A_879, %dma_start3A_880] : memref<16384x128xf32, #tpu.memory_space<hbm>> -> memref<256x128xf32, #tpu.memory_space<hbm>>
    %dma_start3A_882 = arith.constant 0 : i32
    %dma_start3A_883 = tpu.memref_slice %arg16[%add3A_879, %dma_start3A_882] : memref<16384x128xf32, #tpu.memory_space<hbm>> -> memref<256x128xf32, #tpu.memory_space<hbm>>
    tpu.enqueue_dma source(%arg27 : memref<256x128xf32, #tpu.memory_space<vmem>>) target(%dma_start3A_883 : memref<256x128xf32, #tpu.memory_space<hbm>>) target_semaphore(%arg31 : memref<!tpu.dma_semaphore, #tpu.memory_space<semaphore_mem>>)
    %dma_wait3A_884 = arith.constant 0 : i32
    %dma_wait3A_885 = tpu.memref_slice %arg15[%add3A_829, %dma_wait3A_884] : memref<16384x128xf32, #tpu.memory_space<hbm>> -> memref<256x128xf32, #tpu.memory_space<hbm>>
    %dma_wait3A_886 = arith.constant 0 : i32
    %dma_wait3A_887 = tpu.memref_slice %arg15[%add3A_829, %dma_wait3A_886] : memref<16384x128xf32, #tpu.memory_space<hbm>> -> memref<256x128xf32, #tpu.memory_space<hbm>>
    tpu.wait_dma2 semaphore(%arg31 : memref<!tpu.dma_semaphore, #tpu.memory_space<semaphore_mem>>) src(%arg28 : memref<256x128xf32, #tpu.memory_space<vmem>>) dst(%dma_wait3A_887 : memref<256x128xf32, #tpu.memory_space<hbm>>)
    %dma_start3A_888 = arith.constant 3 : i32
    %dma_start3A_889 = arith.constant 0 : i32
    %dma_start3A_890 = arith.constant 0 : i32
    %dma_start3A_891 = tpu.memref_slice %arg28[%dma_start3A_889, %dma_start3A_890] : memref<256x128xf32, #tpu.memory_space<vmem>> -> memref<128x128xf32, #tpu.memory_space<vmem>>
    %dma_start3A_892 = arith.constant 256 : i32
    %dma_start3A_893 = tpu.memref_slice %arg24[%dma_start3A_888, %dma_start3A_892] : memref<6x512xi32, #tpu.memory_space<vmem>> -> memref<1x128xi32, #tpu.memory_space<vmem>>
    %dma_start3A_894 = tpu.memref_squeeze %dma_start3A_893 : memref<1x128xi32, #tpu.memory_space<vmem>> -> memref<128xi32, #tpu.memory_space<vmem>>
    %dma_start3A_895 = arith.constant 0 : i32
    %dma_start3A_896 = arith.constant 0 : i32
    %dma_start3A_897 = tpu.memref_slice %arg8[%dma_start3A_895, %dma_start3A_896] : memref<1000000x128xf32, #tpu.memory_space<hbm>> -> memref<1000000x128xf32, #tpu.memory_space<hbm>>
    tpu.enqueue_indirect_dma source(%dma_start3A_897 : memref<1000000x128xf32, #tpu.memory_space<hbm>>) target(%dma_start3A_891 : memref<128x128xf32, #tpu.memory_space<vmem>>) offsets(%dma_start3A_894 : memref<128xi32, #tpu.memory_space<vmem>>) semaphore(%arg30 : memref<!tpu.dma_semaphore, #tpu.memory_space<semaphore_mem>>)
    %dma_start3A_898 = arith.constant 3 : i32
    %dma_start3A_899 = arith.constant 128 : i32
    %dma_start3A_900 = arith.constant 0 : i32
    %dma_start3A_901 = tpu.memref_slice %arg28[%dma_start3A_899, %dma_start3A_900] : memref<256x128xf32, #tpu.memory_space<vmem>> -> memref<128x128xf32, #tpu.memory_space<vmem>>
    %dma_start3A_902 = arith.constant 384 : i32
    %dma_start3A_903 = tpu.memref_slice %arg24[%dma_start3A_898, %dma_start3A_902] : memref<6x512xi32, #tpu.memory_space<vmem>> -> memref<1x128xi32, #tpu.memory_space<vmem>>
    %dma_start3A_904 = tpu.memref_squeeze %dma_start3A_903 : memref<1x128xi32, #tpu.memory_space<vmem>> -> memref<128xi32, #tpu.memory_space<vmem>>
    %dma_start3A_905 = arith.constant 0 : i32
    %dma_start3A_906 = arith.constant 0 : i32
    %dma_start3A_907 = tpu.memref_slice %arg8[%dma_start3A_905, %dma_start3A_906] : memref<1000000x128xf32, #tpu.memory_space<hbm>> -> memref<1000000x128xf32, #tpu.memory_space<hbm>>
    tpu.enqueue_indirect_dma source(%dma_start3A_907 : memref<1000000x128xf32, #tpu.memory_space<hbm>>) target(%dma_start3A_901 : memref<128x128xf32, #tpu.memory_space<vmem>>) offsets(%dma_start3A_904 : memref<128xi32, #tpu.memory_space<vmem>>) semaphore(%arg30 : memref<!tpu.dma_semaphore, #tpu.memory_space<semaphore_mem>>)
    %dma_wait3A_908 = arith.constant 3 : i32
    %dma_wait3A_909 = arith.constant 0 : i32
    %dma_wait3A_910 = arith.constant 0 : i32
    %dma_wait3A_911 = tpu.memref_slice %arg28[%dma_wait3A_909, %dma_wait3A_910] : memref<256x128xf32, #tpu.memory_space<vmem>> -> memref<128x128xf32, #tpu.memory_space<vmem>>
    %dma_wait3A_912 = arith.constant 256 : i32
    %dma_wait3A_913 = tpu.memref_slice %arg24[%dma_wait3A_908, %dma_wait3A_912] : memref<6x512xi32, #tpu.memory_space<vmem>> -> memref<1x128xi32, #tpu.memory_space<vmem>>
    %dma_wait3A_914 = tpu.memref_squeeze %dma_wait3A_913 : memref<1x128xi32, #tpu.memory_space<vmem>> -> memref<128xi32, #tpu.memory_space<vmem>>
    %dma_wait3A_915 = arith.constant 0 : i32
    %dma_wait3A_916 = arith.constant 0 : i32
    %dma_wait3A_917 = tpu.memref_slice %arg8[%dma_wait3A_915, %dma_wait3A_916] : memref<1000000x128xf32, #tpu.memory_space<hbm>> -> memref<1000000x128xf32, #tpu.memory_space<hbm>>
    tpu.wait_indirect_dma semaphore(%arg30 : memref<!tpu.dma_semaphore, #tpu.memory_space<semaphore_mem>>) src(%dma_wait3A_917 : memref<1000000x128xf32, #tpu.memory_space<hbm>>) dst(%dma_wait3A_911 : memref<128x128xf32, #tpu.memory_space<vmem>>)
    %dma_wait3A_918 = arith.constant 3 : i32
    %dma_wait3A_919 = arith.constant 128 : i32
    %dma_wait3A_920 = arith.constant 0 : i32
    %dma_wait3A_921 = tpu.memref_slice %arg28[%dma_wait3A_919, %dma_wait3A_920] : memref<256x128xf32, #tpu.memory_space<vmem>> -> memref<128x128xf32, #tpu.memory_space<vmem>>
    %dma_wait3A_922 = arith.constant 384 : i32
    %dma_wait3A_923 = tpu.memref_slice %arg24[%dma_wait3A_918, %dma_wait3A_922] : memref<6x512xi32, #tpu.memory_space<vmem>> -> memref<1x128xi32, #tpu.memory_space<vmem>>
    %dma_wait3A_924 = tpu.memref_squeeze %dma_wait3A_923 : memref<1x128xi32, #tpu.memory_space<vmem>> -> memref<128xi32, #tpu.memory_space<vmem>>
    %dma_wait3A_925 = arith.constant 0 : i32
    %dma_wait3A_926 = arith.constant 0 : i32
    %dma_wait3A_927 = tpu.memref_slice %arg8[%dma_wait3A_925, %dma_wait3A_926] : memref<1000000x128xf32, #tpu.memory_space<hbm>> -> memref<1000000x128xf32, #tpu.memory_space<hbm>>
    tpu.wait_indirect_dma semaphore(%arg30 : memref<!tpu.dma_semaphore, #tpu.memory_space<semaphore_mem>>) src(%dma_wait3A_927 : memref<1000000x128xf32, #tpu.memory_space<hbm>>) dst(%dma_wait3A_921 : memref<128x128xf32, #tpu.memory_space<vmem>>)
    %add3A_928 = arith.constant 256 : i32
    %add3A_929 = arith.addi %mul3A_2, %add3A_928 : i32
    %dma_start3A_930 = arith.constant 0 : i32
    %dma_start3A_931 = tpu.memref_slice %arg16[%add3A_929, %dma_start3A_930] : memref<16384x128xf32, #tpu.memory_space<hbm>> -> memref<256x128xf32, #tpu.memory_space<hbm>>
    %dma_start3A_932 = arith.constant 0 : i32
    %dma_start3A_933 = tpu.memref_slice %arg16[%add3A_929, %dma_start3A_932] : memref<16384x128xf32, #tpu.memory_space<hbm>> -> memref<256x128xf32, #tpu.memory_space<hbm>>
    tpu.enqueue_dma source(%arg28 : memref<256x128xf32, #tpu.memory_space<vmem>>) target(%dma_start3A_933 : memref<256x128xf32, #tpu.memory_space<hbm>>) target_semaphore(%arg31 : memref<!tpu.dma_semaphore, #tpu.memory_space<semaphore_mem>>)
    %dma_wait3A_934 = arith.constant 0 : i32
    %dma_wait3A_935 = tpu.memref_slice %arg16[%add3A_879, %dma_wait3A_934] : memref<16384x128xf32, #tpu.memory_space<hbm>> -> memref<256x128xf32, #tpu.memory_space<hbm>>
    %dma_wait3A_936 = arith.constant 0 : i32
    %dma_wait3A_937 = tpu.memref_slice %arg16[%add3A_879, %dma_wait3A_936] : memref<16384x128xf32, #tpu.memory_space<hbm>> -> memref<256x128xf32, #tpu.memory_space<hbm>>
    tpu.wait_dma2 semaphore(%arg31 : memref<!tpu.dma_semaphore, #tpu.memory_space<semaphore_mem>>) src(%arg27 : memref<256x128xf32, #tpu.memory_space<vmem>>) dst(%dma_wait3A_937 : memref<256x128xf32, #tpu.memory_space<hbm>>)
    %dma_start3A_938 = arith.constant 4 : i32
    %dma_start3A_939 = arith.constant 0 : i32
    %dma_start3A_940 = arith.constant 0 : i32
    %dma_start3A_941 = tpu.memref_slice %arg27[%dma_start3A_939, %dma_start3A_940] : memref<256x128xf32, #tpu.memory_space<vmem>> -> memref<128x128xf32, #tpu.memory_space<vmem>>
    %dma_start3A_942 = arith.constant 0 : i32
    %dma_start3A_943 = tpu.memref_slice %arg24[%dma_start3A_938, %dma_start3A_942] : memref<6x512xi32, #tpu.memory_space<vmem>> -> memref<1x128xi32, #tpu.memory_space<vmem>>
    %dma_start3A_944 = tpu.memref_squeeze %dma_start3A_943 : memref<1x128xi32, #tpu.memory_space<vmem>> -> memref<128xi32, #tpu.memory_space<vmem>>
    %dma_start3A_945 = arith.constant 0 : i32
    %dma_start3A_946 = arith.constant 0 : i32
    %dma_start3A_947 = tpu.memref_slice %arg9[%dma_start3A_945, %dma_start3A_946] : memref<100000x128xf32, #tpu.memory_space<hbm>> -> memref<100000x128xf32, #tpu.memory_space<hbm>>
    tpu.enqueue_indirect_dma source(%dma_start3A_947 : memref<100000x128xf32, #tpu.memory_space<hbm>>) target(%dma_start3A_941 : memref<128x128xf32, #tpu.memory_space<vmem>>) offsets(%dma_start3A_944 : memref<128xi32, #tpu.memory_space<vmem>>) semaphore(%arg30 : memref<!tpu.dma_semaphore, #tpu.memory_space<semaphore_mem>>)
    %dma_start3A_948 = arith.constant 4 : i32
    %dma_start3A_949 = arith.constant 128 : i32
    %dma_start3A_950 = arith.constant 0 : i32
    %dma_start3A_951 = tpu.memref_slice %arg27[%dma_start3A_949, %dma_start3A_950] : memref<256x128xf32, #tpu.memory_space<vmem>> -> memref<128x128xf32, #tpu.memory_space<vmem>>
    %dma_start3A_952 = arith.constant 128 : i32
    %dma_start3A_953 = tpu.memref_slice %arg24[%dma_start3A_948, %dma_start3A_952] : memref<6x512xi32, #tpu.memory_space<vmem>> -> memref<1x128xi32, #tpu.memory_space<vmem>>
    %dma_start3A_954 = tpu.memref_squeeze %dma_start3A_953 : memref<1x128xi32, #tpu.memory_space<vmem>> -> memref<128xi32, #tpu.memory_space<vmem>>
    %dma_start3A_955 = arith.constant 0 : i32
    %dma_start3A_956 = arith.constant 0 : i32
    %dma_start3A_957 = tpu.memref_slice %arg9[%dma_start3A_955, %dma_start3A_956] : memref<100000x128xf32, #tpu.memory_space<hbm>> -> memref<100000x128xf32, #tpu.memory_space<hbm>>
    tpu.enqueue_indirect_dma source(%dma_start3A_957 : memref<100000x128xf32, #tpu.memory_space<hbm>>) target(%dma_start3A_951 : memref<128x128xf32, #tpu.memory_space<vmem>>) offsets(%dma_start3A_954 : memref<128xi32, #tpu.memory_space<vmem>>) semaphore(%arg30 : memref<!tpu.dma_semaphore, #tpu.memory_space<semaphore_mem>>)
    %dma_wait3A_958 = arith.constant 4 : i32
    %dma_wait3A_959 = arith.constant 0 : i32
    %dma_wait3A_960 = arith.constant 0 : i32
    %dma_wait3A_961 = tpu.memref_slice %arg27[%dma_wait3A_959, %dma_wait3A_960] : memref<256x128xf32, #tpu.memory_space<vmem>> -> memref<128x128xf32, #tpu.memory_space<vmem>>
    %dma_wait3A_962 = arith.constant 0 : i32
    %dma_wait3A_963 = tpu.memref_slice %arg24[%dma_wait3A_958, %dma_wait3A_962] : memref<6x512xi32, #tpu.memory_space<vmem>> -> memref<1x128xi32, #tpu.memory_space<vmem>>
    %dma_wait3A_964 = tpu.memref_squeeze %dma_wait3A_963 : memref<1x128xi32, #tpu.memory_space<vmem>> -> memref<128xi32, #tpu.memory_space<vmem>>
    %dma_wait3A_965 = arith.constant 0 : i32
    %dma_wait3A_966 = arith.constant 0 : i32
    %dma_wait3A_967 = tpu.memref_slice %arg9[%dma_wait3A_965, %dma_wait3A_966] : memref<100000x128xf32, #tpu.memory_space<hbm>> -> memref<100000x128xf32, #tpu.memory_space<hbm>>
    tpu.wait_indirect_dma semaphore(%arg30 : memref<!tpu.dma_semaphore, #tpu.memory_space<semaphore_mem>>) src(%dma_wait3A_967 : memref<100000x128xf32, #tpu.memory_space<hbm>>) dst(%dma_wait3A_961 : memref<128x128xf32, #tpu.memory_space<vmem>>)
    %dma_wait3A_968 = arith.constant 4 : i32
    %dma_wait3A_969 = arith.constant 128 : i32
    %dma_wait3A_970 = arith.constant 0 : i32
    %dma_wait3A_971 = tpu.memref_slice %arg27[%dma_wait3A_969, %dma_wait3A_970] : memref<256x128xf32, #tpu.memory_space<vmem>> -> memref<128x128xf32, #tpu.memory_space<vmem>>
    %dma_wait3A_972 = arith.constant 128 : i32
    %dma_wait3A_973 = tpu.memref_slice %arg24[%dma_wait3A_968, %dma_wait3A_972] : memref<6x512xi32, #tpu.memory_space<vmem>> -> memref<1x128xi32, #tpu.memory_space<vmem>>
    %dma_wait3A_974 = tpu.memref_squeeze %dma_wait3A_973 : memref<1x128xi32, #tpu.memory_space<vmem>> -> memref<128xi32, #tpu.memory_space<vmem>>
    %dma_wait3A_975 = arith.constant 0 : i32
    %dma_wait3A_976 = arith.constant 0 : i32
    %dma_wait3A_977 = tpu.memref_slice %arg9[%dma_wait3A_975, %dma_wait3A_976] : memref<100000x128xf32, #tpu.memory_space<hbm>> -> memref<100000x128xf32, #tpu.memory_space<hbm>>
    tpu.wait_indirect_dma semaphore(%arg30 : memref<!tpu.dma_semaphore, #tpu.memory_space<semaphore_mem>>) src(%dma_wait3A_977 : memref<100000x128xf32, #tpu.memory_space<hbm>>) dst(%dma_wait3A_971 : memref<128x128xf32, #tpu.memory_space<vmem>>)
    %add3A_978 = arith.constant 0 : i32
    %add3A_979 = arith.addi %mul3A_2, %add3A_978 : i32
    %dma_start3A_980 = arith.constant 0 : i32
    %dma_start3A_981 = tpu.memref_slice %arg17[%add3A_979, %dma_start3A_980] : memref<16384x128xf32, #tpu.memory_space<hbm>> -> memref<256x128xf32, #tpu.memory_space<hbm>>
    %dma_start3A_982 = arith.constant 0 : i32
    %dma_start3A_983 = tpu.memref_slice %arg17[%add3A_979, %dma_start3A_982] : memref<16384x128xf32, #tpu.memory_space<hbm>> -> memref<256x128xf32, #tpu.memory_space<hbm>>
    tpu.enqueue_dma source(%arg27 : memref<256x128xf32, #tpu.memory_space<vmem>>) target(%dma_start3A_983 : memref<256x128xf32, #tpu.memory_space<hbm>>) target_semaphore(%arg31 : memref<!tpu.dma_semaphore, #tpu.memory_space<semaphore_mem>>)
    %dma_wait3A_984 = arith.constant 0 : i32
    %dma_wait3A_985 = tpu.memref_slice %arg16[%add3A_929, %dma_wait3A_984] : memref<16384x128xf32, #tpu.memory_space<hbm>> -> memref<256x128xf32, #tpu.memory_space<hbm>>
    %dma_wait3A_986 = arith.constant 0 : i32
    %dma_wait3A_987 = tpu.memref_slice %arg16[%add3A_929, %dma_wait3A_986] : memref<16384x128xf32, #tpu.memory_space<hbm>> -> memref<256x128xf32, #tpu.memory_space<hbm>>
    tpu.wait_dma2 semaphore(%arg31 : memref<!tpu.dma_semaphore, #tpu.memory_space<semaphore_mem>>) src(%arg28 : memref<256x128xf32, #tpu.memory_space<vmem>>) dst(%dma_wait3A_987 : memref<256x128xf32, #tpu.memory_space<hbm>>)
    %dma_start3A_988 = arith.constant 4 : i32
    %dma_start3A_989 = arith.constant 0 : i32
    %dma_start3A_990 = arith.constant 0 : i32
    %dma_start3A_991 = tpu.memref_slice %arg28[%dma_start3A_989, %dma_start3A_990] : memref<256x128xf32, #tpu.memory_space<vmem>> -> memref<128x128xf32, #tpu.memory_space<vmem>>
    %dma_start3A_992 = arith.constant 256 : i32
    %dma_start3A_993 = tpu.memref_slice %arg24[%dma_start3A_988, %dma_start3A_992] : memref<6x512xi32, #tpu.memory_space<vmem>> -> memref<1x128xi32, #tpu.memory_space<vmem>>
    %dma_start3A_994 = tpu.memref_squeeze %dma_start3A_993 : memref<1x128xi32, #tpu.memory_space<vmem>> -> memref<128xi32, #tpu.memory_space<vmem>>
    %dma_start3A_995 = arith.constant 0 : i32
    %dma_start3A_996 = arith.constant 0 : i32
    %dma_start3A_997 = tpu.memref_slice %arg9[%dma_start3A_995, %dma_start3A_996] : memref<100000x128xf32, #tpu.memory_space<hbm>> -> memref<100000x128xf32, #tpu.memory_space<hbm>>
    tpu.enqueue_indirect_dma source(%dma_start3A_997 : memref<100000x128xf32, #tpu.memory_space<hbm>>) target(%dma_start3A_991 : memref<128x128xf32, #tpu.memory_space<vmem>>) offsets(%dma_start3A_994 : memref<128xi32, #tpu.memory_space<vmem>>) semaphore(%arg30 : memref<!tpu.dma_semaphore, #tpu.memory_space<semaphore_mem>>)
    %dma_start3A_998 = arith.constant 4 : i32
    %dma_start3A_999 = arith.constant 128 : i32
    %dma_start3A_1000 = arith.constant 0 : i32
    %dma_start3A_1001 = tpu.memref_slice %arg28[%dma_start3A_999, %dma_start3A_1000] : memref<256x128xf32, #tpu.memory_space<vmem>> -> memref<128x128xf32, #tpu.memory_space<vmem>>
    %dma_start3A_1002 = arith.constant 384 : i32
    %dma_start3A_1003 = tpu.memref_slice %arg24[%dma_start3A_998, %dma_start3A_1002] : memref<6x512xi32, #tpu.memory_space<vmem>> -> memref<1x128xi32, #tpu.memory_space<vmem>>
    %dma_start3A_1004 = tpu.memref_squeeze %dma_start3A_1003 : memref<1x128xi32, #tpu.memory_space<vmem>> -> memref<128xi32, #tpu.memory_space<vmem>>
    %dma_start3A_1005 = arith.constant 0 : i32
    %dma_start3A_1006 = arith.constant 0 : i32
    %dma_start3A_1007 = tpu.memref_slice %arg9[%dma_start3A_1005, %dma_start3A_1006] : memref<100000x128xf32, #tpu.memory_space<hbm>> -> memref<100000x128xf32, #tpu.memory_space<hbm>>
    tpu.enqueue_indirect_dma source(%dma_start3A_1007 : memref<100000x128xf32, #tpu.memory_space<hbm>>) target(%dma_start3A_1001 : memref<128x128xf32, #tpu.memory_space<vmem>>) offsets(%dma_start3A_1004 : memref<128xi32, #tpu.memory_space<vmem>>) semaphore(%arg30 : memref<!tpu.dma_semaphore, #tpu.memory_space<semaphore_mem>>)
    %dma_wait3A_1008 = arith.constant 4 : i32
    %dma_wait3A_1009 = arith.constant 0 : i32
    %dma_wait3A_1010 = arith.constant 0 : i32
    %dma_wait3A_1011 = tpu.memref_slice %arg28[%dma_wait3A_1009, %dma_wait3A_1010] : memref<256x128xf32, #tpu.memory_space<vmem>> -> memref<128x128xf32, #tpu.memory_space<vmem>>
    %dma_wait3A_1012 = arith.constant 256 : i32
    %dma_wait3A_1013 = tpu.memref_slice %arg24[%dma_wait3A_1008, %dma_wait3A_1012] : memref<6x512xi32, #tpu.memory_space<vmem>> -> memref<1x128xi32, #tpu.memory_space<vmem>>
    %dma_wait3A_1014 = tpu.memref_squeeze %dma_wait3A_1013 : memref<1x128xi32, #tpu.memory_space<vmem>> -> memref<128xi32, #tpu.memory_space<vmem>>
    %dma_wait3A_1015 = arith.constant 0 : i32
    %dma_wait3A_1016 = arith.constant 0 : i32
    %dma_wait3A_1017 = tpu.memref_slice %arg9[%dma_wait3A_1015, %dma_wait3A_1016] : memref<100000x128xf32, #tpu.memory_space<hbm>> -> memref<100000x128xf32, #tpu.memory_space<hbm>>
    tpu.wait_indirect_dma semaphore(%arg30 : memref<!tpu.dma_semaphore, #tpu.memory_space<semaphore_mem>>) src(%dma_wait3A_1017 : memref<100000x128xf32, #tpu.memory_space<hbm>>) dst(%dma_wait3A_1011 : memref<128x128xf32, #tpu.memory_space<vmem>>)
    %dma_wait3A_1018 = arith.constant 4 : i32
    %dma_wait3A_1019 = arith.constant 128 : i32
    %dma_wait3A_1020 = arith.constant 0 : i32
    %dma_wait3A_1021 = tpu.memref_slice %arg28[%dma_wait3A_1019, %dma_wait3A_1020] : memref<256x128xf32, #tpu.memory_space<vmem>> -> memref<128x128xf32, #tpu.memory_space<vmem>>
    %dma_wait3A_1022 = arith.constant 384 : i32
    %dma_wait3A_1023 = tpu.memref_slice %arg24[%dma_wait3A_1018, %dma_wait3A_1022] : memref<6x512xi32, #tpu.memory_space<vmem>> -> memref<1x128xi32, #tpu.memory_space<vmem>>
    %dma_wait3A_1024 = tpu.memref_squeeze %dma_wait3A_1023 : memref<1x128xi32, #tpu.memory_space<vmem>> -> memref<128xi32, #tpu.memory_space<vmem>>
    %dma_wait3A_1025 = arith.constant 0 : i32
    %dma_wait3A_1026 = arith.constant 0 : i32
    %dma_wait3A_1027 = tpu.memref_slice %arg9[%dma_wait3A_1025, %dma_wait3A_1026] : memref<100000x128xf32, #tpu.memory_space<hbm>> -> memref<100000x128xf32, #tpu.memory_space<hbm>>
    tpu.wait_indirect_dma semaphore(%arg30 : memref<!tpu.dma_semaphore, #tpu.memory_space<semaphore_mem>>) src(%dma_wait3A_1027 : memref<100000x128xf32, #tpu.memory_space<hbm>>) dst(%dma_wait3A_1021 : memref<128x128xf32, #tpu.memory_space<vmem>>)
    %add3A_1028 = arith.constant 256 : i32
    %add3A_1029 = arith.addi %mul3A_2, %add3A_1028 : i32
    %dma_start3A_1030 = arith.constant 0 : i32
    %dma_start3A_1031 = tpu.memref_slice %arg17[%add3A_1029, %dma_start3A_1030] : memref<16384x128xf32, #tpu.memory_space<hbm>> -> memref<256x128xf32, #tpu.memory_space<hbm>>
    %dma_start3A_1032 = arith.constant 0 : i32
    %dma_start3A_1033 = tpu.memref_slice %arg17[%add3A_1029, %dma_start3A_1032] : memref<16384x128xf32, #tpu.memory_space<hbm>> -> memref<256x128xf32, #tpu.memory_space<hbm>>
    tpu.enqueue_dma source(%arg28 : memref<256x128xf32, #tpu.memory_space<vmem>>) target(%dma_start3A_1033 : memref<256x128xf32, #tpu.memory_space<hbm>>) target_semaphore(%arg31 : memref<!tpu.dma_semaphore, #tpu.memory_space<semaphore_mem>>)
    %dma_wait3A_1034 = arith.constant 0 : i32
    %dma_wait3A_1035 = tpu.memref_slice %arg17[%add3A_979, %dma_wait3A_1034] : memref<16384x128xf32, #tpu.memory_space<hbm>> -> memref<256x128xf32, #tpu.memory_space<hbm>>
    %dma_wait3A_1036 = arith.constant 0 : i32
    %dma_wait3A_1037 = tpu.memref_slice %arg17[%add3A_979, %dma_wait3A_1036] : memref<16384x128xf32, #tpu.memory_space<hbm>> -> memref<256x128xf32, #tpu.memory_space<hbm>>
    tpu.wait_dma2 semaphore(%arg31 : memref<!tpu.dma_semaphore, #tpu.memory_space<semaphore_mem>>) src(%arg27 : memref<256x128xf32, #tpu.memory_space<vmem>>) dst(%dma_wait3A_1037 : memref<256x128xf32, #tpu.memory_space<hbm>>)
    %dma_start3A_1038 = arith.constant 5 : i32
    %dma_start3A_1039 = arith.constant 0 : i32
    %dma_start3A_1040 = arith.constant 0 : i32
    %dma_start3A_1041 = tpu.memref_slice %arg27[%dma_start3A_1039, %dma_start3A_1040] : memref<256x128xf32, #tpu.memory_space<vmem>> -> memref<128x128xf32, #tpu.memory_space<vmem>>
    %dma_start3A_1042 = arith.constant 0 : i32
    %dma_start3A_1043 = tpu.memref_slice %arg24[%dma_start3A_1038, %dma_start3A_1042] : memref<6x512xi32, #tpu.memory_space<vmem>> -> memref<1x128xi32, #tpu.memory_space<vmem>>
    %dma_start3A_1044 = tpu.memref_squeeze %dma_start3A_1043 : memref<1x128xi32, #tpu.memory_space<vmem>> -> memref<128xi32, #tpu.memory_space<vmem>>
    %dma_start3A_1045 = arith.constant 0 : i32
    %dma_start3A_1046 = arith.constant 0 : i32
    %dma_start3A_1047 = tpu.memref_slice %arg10[%dma_start3A_1045, %dma_start3A_1046] : memref<100000x128xf32, #tpu.memory_space<hbm>> -> memref<100000x128xf32, #tpu.memory_space<hbm>>
    tpu.enqueue_indirect_dma source(%dma_start3A_1047 : memref<100000x128xf32, #tpu.memory_space<hbm>>) target(%dma_start3A_1041 : memref<128x128xf32, #tpu.memory_space<vmem>>) offsets(%dma_start3A_1044 : memref<128xi32, #tpu.memory_space<vmem>>) semaphore(%arg30 : memref<!tpu.dma_semaphore, #tpu.memory_space<semaphore_mem>>)
    %dma_start3A_1048 = arith.constant 5 : i32
    %dma_start3A_1049 = arith.constant 128 : i32
    %dma_start3A_1050 = arith.constant 0 : i32
    %dma_start3A_1051 = tpu.memref_slice %arg27[%dma_start3A_1049, %dma_start3A_1050] : memref<256x128xf32, #tpu.memory_space<vmem>> -> memref<128x128xf32, #tpu.memory_space<vmem>>
    %dma_start3A_1052 = arith.constant 128 : i32
    %dma_start3A_1053 = tpu.memref_slice %arg24[%dma_start3A_1048, %dma_start3A_1052] : memref<6x512xi32, #tpu.memory_space<vmem>> -> memref<1x128xi32, #tpu.memory_space<vmem>>
    %dma_start3A_1054 = tpu.memref_squeeze %dma_start3A_1053 : memref<1x128xi32, #tpu.memory_space<vmem>> -> memref<128xi32, #tpu.memory_space<vmem>>
    %dma_start3A_1055 = arith.constant 0 : i32
    %dma_start3A_1056 = arith.constant 0 : i32
    %dma_start3A_1057 = tpu.memref_slice %arg10[%dma_start3A_1055, %dma_start3A_1056] : memref<100000x128xf32, #tpu.memory_space<hbm>> -> memref<100000x128xf32, #tpu.memory_space<hbm>>
    tpu.enqueue_indirect_dma source(%dma_start3A_1057 : memref<100000x128xf32, #tpu.memory_space<hbm>>) target(%dma_start3A_1051 : memref<128x128xf32, #tpu.memory_space<vmem>>) offsets(%dma_start3A_1054 : memref<128xi32, #tpu.memory_space<vmem>>) semaphore(%arg30 : memref<!tpu.dma_semaphore, #tpu.memory_space<semaphore_mem>>)
    %dma_wait3A_1058 = arith.constant 5 : i32
    %dma_wait3A_1059 = arith.constant 0 : i32
    %dma_wait3A_1060 = arith.constant 0 : i32
    %dma_wait3A_1061 = tpu.memref_slice %arg27[%dma_wait3A_1059, %dma_wait3A_1060] : memref<256x128xf32, #tpu.memory_space<vmem>> -> memref<128x128xf32, #tpu.memory_space<vmem>>
    %dma_wait3A_1062 = arith.constant 0 : i32
    %dma_wait3A_1063 = tpu.memref_slice %arg24[%dma_wait3A_1058, %dma_wait3A_1062] : memref<6x512xi32, #tpu.memory_space<vmem>> -> memref<1x128xi32, #tpu.memory_space<vmem>>
    %dma_wait3A_1064 = tpu.memref_squeeze %dma_wait3A_1063 : memref<1x128xi32, #tpu.memory_space<vmem>> -> memref<128xi32, #tpu.memory_space<vmem>>
    %dma_wait3A_1065 = arith.constant 0 : i32
    %dma_wait3A_1066 = arith.constant 0 : i32
    %dma_wait3A_1067 = tpu.memref_slice %arg10[%dma_wait3A_1065, %dma_wait3A_1066] : memref<100000x128xf32, #tpu.memory_space<hbm>> -> memref<100000x128xf32, #tpu.memory_space<hbm>>
    tpu.wait_indirect_dma semaphore(%arg30 : memref<!tpu.dma_semaphore, #tpu.memory_space<semaphore_mem>>) src(%dma_wait3A_1067 : memref<100000x128xf32, #tpu.memory_space<hbm>>) dst(%dma_wait3A_1061 : memref<128x128xf32, #tpu.memory_space<vmem>>)
    %dma_wait3A_1068 = arith.constant 5 : i32
    %dma_wait3A_1069 = arith.constant 128 : i32
    %dma_wait3A_1070 = arith.constant 0 : i32
    %dma_wait3A_1071 = tpu.memref_slice %arg27[%dma_wait3A_1069, %dma_wait3A_1070] : memref<256x128xf32, #tpu.memory_space<vmem>> -> memref<128x128xf32, #tpu.memory_space<vmem>>
    %dma_wait3A_1072 = arith.constant 128 : i32
    %dma_wait3A_1073 = tpu.memref_slice %arg24[%dma_wait3A_1068, %dma_wait3A_1072] : memref<6x512xi32, #tpu.memory_space<vmem>> -> memref<1x128xi32, #tpu.memory_space<vmem>>
    %dma_wait3A_1074 = tpu.memref_squeeze %dma_wait3A_1073 : memref<1x128xi32, #tpu.memory_space<vmem>> -> memref<128xi32, #tpu.memory_space<vmem>>
    %dma_wait3A_1075 = arith.constant 0 : i32
    %dma_wait3A_1076 = arith.constant 0 : i32
    %dma_wait3A_1077 = tpu.memref_slice %arg10[%dma_wait3A_1075, %dma_wait3A_1076] : memref<100000x128xf32, #tpu.memory_space<hbm>> -> memref<100000x128xf32, #tpu.memory_space<hbm>>
    tpu.wait_indirect_dma semaphore(%arg30 : memref<!tpu.dma_semaphore, #tpu.memory_space<semaphore_mem>>) src(%dma_wait3A_1077 : memref<100000x128xf32, #tpu.memory_space<hbm>>) dst(%dma_wait3A_1071 : memref<128x128xf32, #tpu.memory_space<vmem>>)
    %add3A_1078 = arith.constant 0 : i32
    %add3A_1079 = arith.addi %mul3A_2, %add3A_1078 : i32
    %dma_start3A_1080 = arith.constant 0 : i32
    %dma_start3A_1081 = tpu.memref_slice %arg18[%add3A_1079, %dma_start3A_1080] : memref<16384x128xf32, #tpu.memory_space<hbm>> -> memref<256x128xf32, #tpu.memory_space<hbm>>
    %dma_start3A_1082 = arith.constant 0 : i32
    %dma_start3A_1083 = tpu.memref_slice %arg18[%add3A_1079, %dma_start3A_1082] : memref<16384x128xf32, #tpu.memory_space<hbm>> -> memref<256x128xf32, #tpu.memory_space<hbm>>
    tpu.enqueue_dma source(%arg27 : memref<256x128xf32, #tpu.memory_space<vmem>>) target(%dma_start3A_1083 : memref<256x128xf32, #tpu.memory_space<hbm>>) target_semaphore(%arg31 : memref<!tpu.dma_semaphore, #tpu.memory_space<semaphore_mem>>)
    %dma_wait3A_1084 = arith.constant 0 : i32
    %dma_wait3A_1085 = tpu.memref_slice %arg17[%add3A_1029, %dma_wait3A_1084] : memref<16384x128xf32, #tpu.memory_space<hbm>> -> memref<256x128xf32, #tpu.memory_space<hbm>>
    %dma_wait3A_1086 = arith.constant 0 : i32
    %dma_wait3A_1087 = tpu.memref_slice %arg17[%add3A_1029, %dma_wait3A_1086] : memref<16384x128xf32, #tpu.memory_space<hbm>> -> memref<256x128xf32, #tpu.memory_space<hbm>>
    tpu.wait_dma2 semaphore(%arg31 : memref<!tpu.dma_semaphore, #tpu.memory_space<semaphore_mem>>) src(%arg28 : memref<256x128xf32, #tpu.memory_space<vmem>>) dst(%dma_wait3A_1087 : memref<256x128xf32, #tpu.memory_space<hbm>>)
    %dma_start3A_1088 = arith.constant 5 : i32
    %dma_start3A_1089 = arith.constant 0 : i32
    %dma_start3A_1090 = arith.constant 0 : i32
    %dma_start3A_1091 = tpu.memref_slice %arg28[%dma_start3A_1089, %dma_start3A_1090] : memref<256x128xf32, #tpu.memory_space<vmem>> -> memref<128x128xf32, #tpu.memory_space<vmem>>
    %dma_start3A_1092 = arith.constant 256 : i32
    %dma_start3A_1093 = tpu.memref_slice %arg24[%dma_start3A_1088, %dma_start3A_1092] : memref<6x512xi32, #tpu.memory_space<vmem>> -> memref<1x128xi32, #tpu.memory_space<vmem>>
    %dma_start3A_1094 = tpu.memref_squeeze %dma_start3A_1093 : memref<1x128xi32, #tpu.memory_space<vmem>> -> memref<128xi32, #tpu.memory_space<vmem>>
    %dma_start3A_1095 = arith.constant 0 : i32
    %dma_start3A_1096 = arith.constant 0 : i32
    %dma_start3A_1097 = tpu.memref_slice %arg10[%dma_start3A_1095, %dma_start3A_1096] : memref<100000x128xf32, #tpu.memory_space<hbm>> -> memref<100000x128xf32, #tpu.memory_space<hbm>>
    tpu.enqueue_indirect_dma source(%dma_start3A_1097 : memref<100000x128xf32, #tpu.memory_space<hbm>>) target(%dma_start3A_1091 : memref<128x128xf32, #tpu.memory_space<vmem>>) offsets(%dma_start3A_1094 : memref<128xi32, #tpu.memory_space<vmem>>) semaphore(%arg30 : memref<!tpu.dma_semaphore, #tpu.memory_space<semaphore_mem>>)
    %dma_start3A_1098 = arith.constant 5 : i32
    %dma_start3A_1099 = arith.constant 128 : i32
    %dma_start3A_1100 = arith.constant 0 : i32
    %dma_start3A_1101 = tpu.memref_slice %arg28[%dma_start3A_1099, %dma_start3A_1100] : memref<256x128xf32, #tpu.memory_space<vmem>> -> memref<128x128xf32, #tpu.memory_space<vmem>>
    %dma_start3A_1102 = arith.constant 384 : i32
    %dma_start3A_1103 = tpu.memref_slice %arg24[%dma_start3A_1098, %dma_start3A_1102] : memref<6x512xi32, #tpu.memory_space<vmem>> -> memref<1x128xi32, #tpu.memory_space<vmem>>
    %dma_start3A_1104 = tpu.memref_squeeze %dma_start3A_1103 : memref<1x128xi32, #tpu.memory_space<vmem>> -> memref<128xi32, #tpu.memory_space<vmem>>
    %dma_start3A_1105 = arith.constant 0 : i32
    %dma_start3A_1106 = arith.constant 0 : i32
    %dma_start3A_1107 = tpu.memref_slice %arg10[%dma_start3A_1105, %dma_start3A_1106] : memref<100000x128xf32, #tpu.memory_space<hbm>> -> memref<100000x128xf32, #tpu.memory_space<hbm>>
    tpu.enqueue_indirect_dma source(%dma_start3A_1107 : memref<100000x128xf32, #tpu.memory_space<hbm>>) target(%dma_start3A_1101 : memref<128x128xf32, #tpu.memory_space<vmem>>) offsets(%dma_start3A_1104 : memref<128xi32, #tpu.memory_space<vmem>>) semaphore(%arg30 : memref<!tpu.dma_semaphore, #tpu.memory_space<semaphore_mem>>)
    %dma_wait3A_1108 = arith.constant 5 : i32
    %dma_wait3A_1109 = arith.constant 0 : i32
    %dma_wait3A_1110 = arith.constant 0 : i32
    %dma_wait3A_1111 = tpu.memref_slice %arg28[%dma_wait3A_1109, %dma_wait3A_1110] : memref<256x128xf32, #tpu.memory_space<vmem>> -> memref<128x128xf32, #tpu.memory_space<vmem>>
    %dma_wait3A_1112 = arith.constant 256 : i32
    %dma_wait3A_1113 = tpu.memref_slice %arg24[%dma_wait3A_1108, %dma_wait3A_1112] : memref<6x512xi32, #tpu.memory_space<vmem>> -> memref<1x128xi32, #tpu.memory_space<vmem>>
    %dma_wait3A_1114 = tpu.memref_squeeze %dma_wait3A_1113 : memref<1x128xi32, #tpu.memory_space<vmem>> -> memref<128xi32, #tpu.memory_space<vmem>>
    %dma_wait3A_1115 = arith.constant 0 : i32
    %dma_wait3A_1116 = arith.constant 0 : i32
    %dma_wait3A_1117 = tpu.memref_slice %arg10[%dma_wait3A_1115, %dma_wait3A_1116] : memref<100000x128xf32, #tpu.memory_space<hbm>> -> memref<100000x128xf32, #tpu.memory_space<hbm>>
    tpu.wait_indirect_dma semaphore(%arg30 : memref<!tpu.dma_semaphore, #tpu.memory_space<semaphore_mem>>) src(%dma_wait3A_1117 : memref<100000x128xf32, #tpu.memory_space<hbm>>) dst(%dma_wait3A_1111 : memref<128x128xf32, #tpu.memory_space<vmem>>)
    %dma_wait3A_1118 = arith.constant 5 : i32
    %dma_wait3A_1119 = arith.constant 128 : i32
    %dma_wait3A_1120 = arith.constant 0 : i32
    %dma_wait3A_1121 = tpu.memref_slice %arg28[%dma_wait3A_1119, %dma_wait3A_1120] : memref<256x128xf32, #tpu.memory_space<vmem>> -> memref<128x128xf32, #tpu.memory_space<vmem>>
    %dma_wait3A_1122 = arith.constant 384 : i32
    %dma_wait3A_1123 = tpu.memref_slice %arg24[%dma_wait3A_1118, %dma_wait3A_1122] : memref<6x512xi32, #tpu.memory_space<vmem>> -> memref<1x128xi32, #tpu.memory_space<vmem>>
    %dma_wait3A_1124 = tpu.memref_squeeze %dma_wait3A_1123 : memref<1x128xi32, #tpu.memory_space<vmem>> -> memref<128xi32, #tpu.memory_space<vmem>>
    %dma_wait3A_1125 = arith.constant 0 : i32
    %dma_wait3A_1126 = arith.constant 0 : i32
    %dma_wait3A_1127 = tpu.memref_slice %arg10[%dma_wait3A_1125, %dma_wait3A_1126] : memref<100000x128xf32, #tpu.memory_space<hbm>> -> memref<100000x128xf32, #tpu.memory_space<hbm>>
    tpu.wait_indirect_dma semaphore(%arg30 : memref<!tpu.dma_semaphore, #tpu.memory_space<semaphore_mem>>) src(%dma_wait3A_1127 : memref<100000x128xf32, #tpu.memory_space<hbm>>) dst(%dma_wait3A_1121 : memref<128x128xf32, #tpu.memory_space<vmem>>)
    %add3A_1128 = arith.constant 256 : i32
    %add3A_1129 = arith.addi %mul3A_2, %add3A_1128 : i32
    %dma_start3A_1130 = arith.constant 0 : i32
    %dma_start3A_1131 = tpu.memref_slice %arg18[%add3A_1129, %dma_start3A_1130] : memref<16384x128xf32, #tpu.memory_space<hbm>> -> memref<256x128xf32, #tpu.memory_space<hbm>>
    %dma_start3A_1132 = arith.constant 0 : i32
    %dma_start3A_1133 = tpu.memref_slice %arg18[%add3A_1129, %dma_start3A_1132] : memref<16384x128xf32, #tpu.memory_space<hbm>> -> memref<256x128xf32, #tpu.memory_space<hbm>>
    tpu.enqueue_dma source(%arg28 : memref<256x128xf32, #tpu.memory_space<vmem>>) target(%dma_start3A_1133 : memref<256x128xf32, #tpu.memory_space<hbm>>) target_semaphore(%arg31 : memref<!tpu.dma_semaphore, #tpu.memory_space<semaphore_mem>>)
    %dma_wait3A_1134 = arith.constant 0 : i32
    %dma_wait3A_1135 = tpu.memref_slice %arg18[%add3A_1079, %dma_wait3A_1134] : memref<16384x128xf32, #tpu.memory_space<hbm>> -> memref<256x128xf32, #tpu.memory_space<hbm>>
    %dma_wait3A_1136 = arith.constant 0 : i32
    %dma_wait3A_1137 = tpu.memref_slice %arg18[%add3A_1079, %dma_wait3A_1136] : memref<16384x128xf32, #tpu.memory_space<hbm>> -> memref<256x128xf32, #tpu.memory_space<hbm>>
    tpu.wait_dma2 semaphore(%arg31 : memref<!tpu.dma_semaphore, #tpu.memory_space<semaphore_mem>>) src(%arg27 : memref<256x128xf32, #tpu.memory_space<vmem>>) dst(%dma_wait3A_1137 : memref<256x128xf32, #tpu.memory_space<hbm>>)
    %dma_wait3A_1138 = arith.constant 0 : i32
    %dma_wait3A_1139 = tpu.memref_slice %arg18[%add3A_1129, %dma_wait3A_1138] : memref<16384x128xf32, #tpu.memory_space<hbm>> -> memref<256x128xf32, #tpu.memory_space<hbm>>
    %dma_wait3A_1140 = arith.constant 0 : i32
    %dma_wait3A_1141 = tpu.memref_slice %arg18[%add3A_1129, %dma_wait3A_1140] : memref<16384x128xf32, #tpu.memory_space<hbm>> -> memref<256x128xf32, #tpu.memory_space<hbm>>
    tpu.wait_dma2 semaphore(%arg31 : memref<!tpu.dma_semaphore, #tpu.memory_space<semaphore_mem>>) src(%arg28 : memref<256x128xf32, #tpu.memory_space<vmem>>) dst(%dma_wait3A_1141 : memref<256x128xf32, #tpu.memory_space<hbm>>)
    return
  }
}

</mosaic_0001>

<sc_bundles>
// kernel: _run.3.cloned.1.call-start
scs
__scs_entry_jumppad:
0x0: {  	(pc) =	sbr.rel $0x88, $3  }
0x1: {  	(tag) =	ssettag $0x0;
	lr =	simm.s32 $0x1  }
0x2: {  	[smem:$0x3F96] =	sst lr;
	_ =	strace $0xD0000000  }
0x3: {  	_ = 	snop  }
0x4: {  	_ = 	snop  }
0x5: {  	_ = 	snop  }
0x6: {  	_ = 	snop  }
0x7: {  	_ = 	snop  }
__scs_overlays_trampoline_lowered:
0x8: {  	[smem:$0x3FA5] =	sst s0  }
0x9: {  	[smem:$0x3FA6] =	sst s1  }
0xa: {  	[smem:$0x3FA7] =	sst s2  }
0xb: {  	[smem:$0x3FA8] =	sst s3  }
0xc: {  	[smem:$0x3FA9] =	sst s4  }
0xd: {  	[smem:$0x3FAA] =	sst s5  }
0xe: {  	[smem:$0x3FAB] =	sst s6  }
0xf: {  	[smem:$0x3FAC] =	sst s7  }
0x10: {  	[smem:$0x3FAD] =	sst s8  }
0x11: {  	[smem:$0x3FAE] =	sst s9;
	s0 =	simm.s32 @!p0 $0x0  }
0x12: {  	s1 =	sld [smem:$0x3F94];
	s0 =	simm.s32 @p0 $0x1  }
0x13: {  	[smem:$0x3FAF] =	sst s0;
	s0 =	simm.s32 @!p1 $0x0  }
0x14: {  	s2 =	sld [smem:$0x3F93];
	s0 =	simm.s32 @p1 $0x1  }
0x15: {  	[smem:$0x3FB0] =	sst s0;
	s0 =	simm.s32 @!p2 $0x0  }
0x16: {  	s3 =	sld [smem:$0x3FDB];
	s0 =	simm.s32 @p2 $0x1  }
0x17: {  	s4 =	simm.s32 $0x1BF5;
	[smem:$0x3FB2] =	sst s0  }
0x18: {  	s0 =	sld [smem:$0x3F95];
	_ =	swait.ge [sflag:s4], $0x0  }
0x19: {  	s7 =	sld [smem:$0x3F96]  }
0x1a: {  	s8 =	sadd.s32 $0xFFFFE003, lr  }
0x1b: {  	s9 =	sadd.s32 $0xFFFFFEF7, lr;
	s5 =	simm.s32 $0xFFFFFFFF;
	p2 =	slt.u32 s8, $0xFFFFF086  }
0x1c: {  	p1 =	slt.u32 s9, $0xF7A;
	s5 =	simm.s32 @!p2 $0x0  }
0x1d: {  	s5 =	simm.s32 @p1 $0x1;
	p0 =	seq.s32 s7, s2  }
0x1e: {  	s7 =	smul.u32 @!p0 $0xF7A, s2;
	p2 =	seq.s32 @!p0 s5, $0x0  }
0x1f: {  	s9 =	smul.u32 $0xF7A, s1;
	s8 =	simm.s32 @!p0 $0x1BF5;
	p2 =	por !p2, p0  }
0x20: {  	[sflag:s8] =	ssyncset.s32 @!p0 $0xFFFFF086;
	s6 =	sadd.s32 @!p0 s3, s7;
	s7 =	simm.s32 @!p0 $0x108  }
0x21: {  	s3 =	sadd.s32 s3, s9;
	s6 =	sadd.s32 @!p0 $0x88, s6;
	s7 =	simm.s32 @p2 $0x1082  }
0x22: {  	[simem:s7], [sflag:s8] =	dma.local @!p0 [hbm:s6], $0xF7A  }
0x23: {  	s9 =	sor.u32 $0xD0000000, s2;
	s6 =	simm.s32 $0x108;
	_ =	swait.ge @!p0 [sflag:s8], $0x0  }
0x24: {  	s3 =	sadd.s32 $0x88, s3;
	s6 =	simm.s32 @!p1 $0x1082;
	[sflag:s4] =	ssyncset.s32 $0xFFFFF086  }
0x25: {  	[simem:s6], [sflag:s4] =	dma.local [hbm:s3], $0xF7A  }
0x26: {  	[smem:$0x3F96] =	sst s1;
	(tag) =	ssettag s2;
	_ =	strace s9  }
0x27: {  	s1 =	sld [smem:$0x3FA6]  }
0x28: {  	s2 =	sld [smem:$0x3FA7]  }
0x29: {  	s4 =	sld [smem:$0x3FA9]  }
0x2a: {  	p0 =	seq.s32 s5, $0x0;
	s5 =	sld [smem:$0x3FAA]  }
0x2b: {  	s6 =	sld [smem:$0x3FAB]  }
0x2c: {  	s7 =	sld [smem:$0x3FAC]  }
0x2d: {  	s3 =	simm.s32 $0x108;
	s8 =	sld [smem:$0x3FAD]  }
0x2e: {  	s3 =	simm.s32 @!p0 $0x1082;
	s9 =	sld [smem:$0x3FAE]  }
0x2f: {  	lr =	sadd.s32 s0, s3;
	s0 =	sld [smem:$0x3FA5]  }
0x30: {  	s3 =	sld [smem:$0x3FA8]  }
0x31: {  	[smem:$0x3FB1] =	sst s10  }
0x32: {  	s10 =	sld [smem:$0x3FAF];
	_ =	sdelay $0x3  }
0x33: {  	p0 =	seq.s32 s10, $0x1;
	s10 =	sld [smem:$0x3FB1];
	_ =	sdelay $0x3  }
0x34: {  	[smem:$0x3FB1] =	sst s10  }
0x35: {  	s10 =	sld [smem:$0x3FB0];
	_ =	sdelay $0x3  }
0x36: {  	p1 =	seq.s32 s10, $0x1;
	s10 =	sld [smem:$0x3FB1];
	_ =	sdelay $0x3  }
0x37: {  	[smem:$0x3FB1] =	sst s10  }
0x38: {  	s10 =	sld [smem:$0x3FB2]  }
0x39: {  	_ = 	snop;
	(pc) =	sbr.ind lr, $3  }
0x3a: {  	_ = 	snop  }
0x3b: {  	_ = 	snop  }
0x3c: {  	p2 =	seq.s32 s10, $0x1;
	s10 =	sld [smem:$0x3FB1]  }
0x3d: {  	_ =	shalt  }
0x3e: {  	_ =	shalt  }
0x3f: {  	_ =	shalt  }
0x40: {  	_ =	shalt  }
0x41: {  	_ =	shalt  }
0x42: {  	_ =	shalt  }
0x43: {  	_ =	shalt  }
0x44: {  	_ =	shalt  }
0x45: {  	_ =	shalt  }
0x46: {  	_ =	shalt  }
0x47: {  	_ =	shalt  }
0x48: {  	_ =	shalt  }
0x49: {  	_ =	shalt  }
0x4a: {  	_ =	shalt  }
0x4b: {  	_ =	shalt  }
0x4c: {  	_ =	shalt  }
0x4d: {  	_ =	shalt  }
0x4e: {  	_ =	shalt  }
0x4f: {  	_ =	shalt  }
0x50: {  	_ =	shalt  }
0x51: {  	_ =	shalt  }
0x52: {  	_ =	shalt  }
0x53: {  	_ =	shalt  }
0x54: {  	_ =	shalt  }
0x55: {  	_ =	shalt  }
0x56: {  	_ =	shalt  }
0x57: {  	_ =	shalt  }
0x58: {  	_ =	shalt  }
0x59: {  	_ =	shalt  }
0x5a: {  	_ =	shalt  }
0x5b: {  	_ =	shalt  }
0x5c: {  	_ =	shalt  }
0x5d: {  	_ =	shalt  }
0x5e: {  	_ =	shalt  }
0x5f: {  	_ =	shalt  }
0x60: {  	_ =	shalt  }
0x61: {  	_ =	shalt  }
0x62: {  	_ =	shalt  }
0x63: {  	_ =	shalt  }
0x64: {  	_ =	shalt  }
0x65: {  	_ =	shalt  }
0x66: {  	_ =	shalt  }
0x67: {  	_ =	shalt  }
0x68: {  	_ =	shalt  }
0x69: {  	_ =	shalt  }
0x6a: {  	_ =	shalt  }
0x6b: {  	_ =	shalt  }
0x6c: {  	_ =	shalt  }
0x6d: {  	_ =	shalt  }
0x6e: {  	_ =	shalt  }
0x6f: {  	_ =	shalt  }
0x70: {  	_ =	shalt  }
0x71: {  	_ =	shalt  }
0x72: {  	_ =	shalt  }
0x73: {  	_ =	shalt  }
0x74: {  	_ =	shalt  }
0x75: {  	_ =	shalt  }
0x76: {  	_ =	shalt  }
0x77: {  	_ =	shalt  }
0x78: {  	_ =	shalt  }
0x79: {  	_ =	shalt  }
0x7a: {  	_ =	shalt  }
0x7b: {  	_ =	shalt  }
0x7c: {  	_ =	shalt  }
0x7d: {  	_ =	shalt  }
0x7e: {  	_ =	shalt  }
0x7f: {  	_ =	shalt  }
0x80: {  	_ =	shalt  }
0x81: {  	_ =	shalt  }
0x82: {  	_ =	shalt  }
0x83: {  	_ =	shalt  }
0x84: {  	_ =	shalt  }
0x85: {  	_ =	shalt  }
0x86: {  	_ =	shalt  }
0x87: {  	_ =	shalt  }
.Lfunc_end0:
.L_simem_size_0:
called_computation_lowered:
.L_overlay_start_0:
0x88: {  	s2 =	sld [smem:$0x3FD9]  }
0x89: {  	s3 =	sld [smem:$0x3FFE];
	_ =	sdelay $0x1  }
0x8a: {  	s1 =	srdreg.scid  }
0x8b: {  	s0 =	sand.u32 $0x1, s1  }
0x8c: {  	s17 =	sshll.u32 s0, $0xA;
	s2 =	sadd.s32 s3, s2  }
0x8d: {  	s2 =	sadd.s32 s2, s17  }
0x8e: {  	[smem:$0x3FBD] =	sst s2  }
0x8f: {  	_ = 	snop  }
0x90: {  	s2 =	sld [smem:$0x3FC9]  }
0x91: {  	s18 =	sld [smem:$0x3FC8]  }
0x92: {  	s4 =	sld [smem:$0x3FC7]  }
0x93: {  	s5 =	sld [smem:$0x3FC6]  }
0x94: {  	s6 =	sld [smem:$0x3FC5]  }
0x95: {  	s7 =	sld [smem:$0x3FC4]  }
0x96: {  	s8 =	sld [smem:$0x3FC3]  }
0x97: {  	s9 =	sld [smem:$0x3FC2]  }
0x98: {  	s10 =	sld [smem:$0x3FC1]  }
0x99: {  	s11 =	sld [smem:$0x3FC0]  }
0x9a: {  	s12 =	sld [smem:$0x3FBF];
	(tm) =	ssettm $0x1  }
0x9b: {  	s13 =	sld [smem:$0x3FFB];
	_ =	sdelay $0x3  }
0x9c: {  	_ =	strace s13  }
0x9d: {  	s13 =	sld [smem:$0x3FFC];
	_ =	sdelay $0x3  }
0x9e: {  	_ =	strace s13  }
0x9f: {  	s13 =	sld [smem:$0x3FFD];
	_ =	sdelay $0x3  }
0xa0: {  	_ =	strace s13  }
0xa1: {  	_ =	strace $0x8FFFFFFF  }
0xa2: {  	s19 =	sld [smem:$0x3FDB];
	_ =	sdelay $0x1  }
0xa3: {  	s14 =	simm.s32 $_scs_section_size  }
0xa4: {  	s15 =	simm.s32 $_size__tile_overlayer_lowered;
	s16 =	simm.s32 $_tile_overlayer_lowered  }
0xa5: {  	s22 =	simm.s32 $0x1BFF;
	s21 =	sshll.u32 s16, $0x1;
	s13 =	sadd.s32 s14, s19  }
0xa6: {  	s20 =	sshll.u32 s15, $0x1;
	s17 =	simm.s32 $0x0;
	s15 =	sadd.s32 s21, s13  }
0xa7: {  	[timem:s17], [sflag:s22] =	dma.local [hbm:s15], s20  }
0xa8: {  	_ =	swait.ge [sflag:s22], s20  }
0xa9: {  	s14 =	ssub.s32 $0x0, s20;
	[sflag:s22] =	ssyncset.done $0x0  }
0xaa: {  	[sflag:s22] =	ssyncadd.s32 s14;
	_ =	sdelay $0x1  }
0xab: {  	s23 =	simm.s32 $0x1B8B  }
0xac: {  	_ =	swait.ge [sflag:s23], $0x1  }
0xad: {  	[sflag:s23] =	ssyncset.done $0x0  }
0xae: {  	s25 =	simm.s32 $0x1B8E;
	s24 =	sld [smem:$0x3FFE];
	[sflag:s23] =	ssyncadd.s32 $0xFFFFFFFF  }
0xaf: {  	s26 =	simm.s32 $execute0_lowered;
	[smem:$0x3FD2] =	sst s25  }
0xb0: {  	s15 =	sshll.u32 s26, $0x1;
	_ =	strace $0x80000046;
	[dreg:$0x1] =	wrdreg $0xFFFFFFFF  }
0xb1: {  	s28 =	simm.s32 $_size_execute0_lowered;
	s13 =	sadd.s32 s13, s15;
	[dreg:$0x0] =	wrdreg $0x0  }
0xb2: {  	s15 =	sshll.u32 s28, $0x1;
	[dreg:$0x2] =	wrdreg s13  }
0xb3: {  	[dreg:$0x3] =	wrdreg s15  }
0xb4: {  	[dreg:$0x4] =	wrdreg $0xC0  }
0xb5: {  	_ =	task [dreg:s17], $0x5FFFF  }
0xb6: {  	[dreg:$0x1] =	wrdreg $0xFFFFFFFF  }
0xb7: {  	[dreg:$0x0] =	wrdreg $0x60  }
0xb8: {  	[dreg:$0x2] =	wrdreg s2  }
0xb9: {  	[dreg:$0x3] =	wrdreg s18  }
0xba: {  	[dreg:$0x4] =	wrdreg s4  }
0xbb: {  	[dreg:$0x5] =	wrdreg s5  }
0xbc: {  	[dreg:$0x6] =	wrdreg s6  }
0xbd: {  	[dreg:$0x7] =	wrdreg s7  }
0xbe: {  	[dreg:$0x8] =	wrdreg s8  }
0xbf: {  	[dreg:$0x9] =	wrdreg s9  }
0xc0: {  	[dreg:$0xa] =	wrdreg s10  }
0xc1: {  	[dreg:$0xb] =	wrdreg s11  }
0xc2: {  	[dreg:$0xc] =	wrdreg s12  }
0xc3: {  	[dreg:$0xd] =	wrdreg s24  }
0xc4: {  	[dreg:$0xe] =	wrdreg $0x9  }
0xc5: {  	_ =	task.clear_ibuf [dreg:s17], $0xFFFFF;
	_ =	strace $0x90000046  }
0xc6: {  	s29 =	simm.s32 $0x9;
	_ =	strace $0x80000048  }
0xc7: {  	_ =	swait.ge [sflag:s29], $0x1  }
0xc8: {  	[sflag:s29] =	ssyncadd.s32 $0xFFFFFFFF  }
0xc9: {  	_ =	strace $0x90000048  }
0xca: {  	_ =	sfence  }
0xcb: {  	s30 =	sld [smem:$0x0];
	_ =	sdelay $0x2  }
0xcc: {  	s31 =	sshll.u32 s1, $0xD;
	s1 =	sshrl.u32 s1, $0x2  }
0xcd: {  	s3 =	sand.u32 $0x4000, s31;
	s1 =	sadd.s32 s1, s30  }
0xce: {  	s0 =	sor.u32 s3, s0;
	s1 =	sshll.u32 s1, $0x11  }
0xcf: {  	s0 =	sor.u32 s1, s0  }
0xd0: {  	s0 =	sadd.s32 $0x8F2B, s0  }
0xd1: {  	[sflag:s0] =	ssyncadd.remote.s32 $0x1  }
0xd2: {  	_ =	sfence.sel $0xFFFF  }
0xd3: {  	[dreg:$0x0] =	wrdreg $0xFFFFFFFF;
	(pc) =	sbr.abs _section_cstart, $3  }
0xd4: {  	[dreg:$0x1] =	wrdreg $0xFFFFFFFF  }
0xd5: {  	_ =	task.clear_ibuf [dreg:s17], $0x2FFFF;
	_ =	strace $0x9FFFFFFF  }
0xd6: {  	(tm) =	ssettm $0x7FFFFFFF  }
0xd7: {  	_ =	shalt  }
tec
execute0_lowered:
.L_overlay_start_1:
0x0: {  	(tag) =	ssettag $0x1  }
0x1: {  	s1 =	rddreg [dreg:$0x0]  }
0x2: {  	s3 =	rddreg [dreg:$0x1]  }
0x3: {  	s4 =	rddreg [dreg:$0x2]  }
0x4: {  	s5 =	rddreg [dreg:$0x3]  }
0x5: {  	s6 =	rddreg [dreg:$0x4]  }
0x6: {  	s7 =	rddreg [dreg:$0x5]  }
0x7: {  	s8 =	rddreg [dreg:$0xb];
	s14 =	srdreg.scid  }
0x8: {  	s0 =	simm.s32 $0x0;
	s17 =	stileid.u32;
	s14 =	sand.u32 $0x1, s14  }
0x9: {  	[smem:$0x7FF] =	sst s0;
	s17 =	sshll.u32 s17, $0xA;
	s18 =	sshll.u32 s14, $0x9  }
0xa: {  	s15 =	sadd.s32 $0x185200, s8;
	s14 =	ssub.s32 $0x2, s14;
	s17 =	sor.u32 s18, s17  }
0xb: {  	s16 =	sadd.s32 $0x1C5200, s8;
	s20 =	sshrl.u32 s14, $0x1;
	s21 =	sshrl.u32 s17, $0x3  }
0xc: {  	s14 =	ssub.s32 s14, s20;
	s20 =	sadd.s32 s1, s21;
	s22 =	sadd.s32 s3, s21  }
0xd: {  	s23 =	sadd.s32 s4, s21;
	s24 =	sadd.s32 s5, s21;
	s3 =	sshll.u32 s17, $0x4  }
0xe: {  	s6 =	sadd.s32 s6, s21;
	s7 =	sadd.s32 s7, s21;
	s25 =	sadd.s32 s15, s3  }
0xf: {  	s1 =	sor.u32 $0x800, s3;
	s21 =	sadd.s32 s16, s3;
	[dreg:$0x12] =	wrdreg s25  }
0x10: {  	s4 =	sor.u32 $0x1000, s3;
	s26 =	sadd.s32 s15, s1;
	[dreg:$0x16] =	wrdreg s21  }
0x11: {  	s5 =	sor.u32 $0x1800, s3;
	s17 =	sadd.s32 s15, s4;
	[dreg:$0x13] =	wrdreg s26  }
0x12: {  	s15 =	sadd.s32 s15, s5;
	[dreg:$0x14] =	wrdreg s17  }
0x13: {  	s19 =	sadd.s32 $0x205200, s8;
	s25 =	sadd.s32 s16, s1;
	[dreg:$0x15] =	wrdreg s15  }
0x14: {  	s21 =	sadd.s32 s19, s1;
	[dreg:$0x17] =	wrdreg s25  }
0x15: {  	s26 =	sadd.s32 s16, s4;
	[dreg:$0x1b] =	wrdreg s21  }
0x16: {  	s16 =	sadd.s32 s16, s5;
	[dreg:$0x18] =	wrdreg s26  }
0x17: {  	s9 =	sadd.s32 $0x5200, s8;
	s17 =	sadd.s32 s19, s3;
	[dreg:$0x19] =	wrdreg s16  }
0x18: {  	s18 =	sadd.s32 $0x245200, s8;
	s25 =	sadd.s32 s19, s4;
	[dreg:$0x1a] =	wrdreg s17  }
0x19: {  	s10 =	sadd.s32 $0x45200, s8;
	s21 =	sadd.s32 s18, s5;
	[dreg:$0x1c] =	wrdreg s25  }
0x1a: {  	s11 =	sadd.s32 $0x85200, s8;
	s15 =	sadd.s32 s9, s4;
	[smem:$0x7D9] =	sst s21  }
0x1b: {  	s12 =	sadd.s32 $0xC5200, s8;
	s26 =	sadd.s32 s19, s5;
	[smem:$0x7DF] =	sst s15  }
0x1c: {  	s13 =	sadd.s32 $0x105200, s8;
	s16 =	sadd.s32 s18, s3;
	[dreg:$0x1d] =	wrdreg s26  }
0x1d: {  	s2 =	sadd.s32 $0x145200, s8;
	s17 =	sadd.s32 s18, s1;
	[dreg:$0x1e] =	wrdreg s16  }
0x1e: {  	s8 =	sadd.s32 $0x285200, s8;
	s19 =	sadd.s32 s18, s4;
	[dreg:$0x1f] =	wrdreg s17  }
0x1f: {  	s1 =	sadd.s32 s8, s1;
	[smem:$0x7D8] =	sst s19  }
0x20: {  	s25 =	sadd.s32 s8, s5;
	[smem:$0x7DA] =	sst s1  }
0x21: {  	s5 =	sadd.s32 s8, s4;
	[smem:$0x7DB] =	sst s25  }
0x22: {  	s18 =	sadd.s32 s11, s3;
	[smem:$0x7DD] =	sst s5  }
0x23: {  	s21 =	sadd.s32 s12, s3;
	[smem:$0x7E2] =	sst s18  }
0x24: {  	s26 =	sadd.s32 s8, s3;
	[smem:$0x7E4] =	sst s21  }
0x25: {  	s8 =	sadd.s32 s9, s3;
	[smem:$0x7DC] =	sst s26  }
0x26: {  	s16 =	sadd.s32 s10, s3;
	[smem:$0x7DE] =	sst s8  }
0x27: {  	s17 =	sadd.s32 s10, s4;
	[smem:$0x7E0] =	sst s16  }
0x28: {  	s19 =	sadd.s32 s11, s4;
	[smem:$0x7E1] =	sst s17  }
0x29: {  	s25 =	sadd.s32 s12, s4;
	[smem:$0x7E3] =	sst s19  }
0x2a: {  	s1 =	sadd.s32 s13, s4;
	[smem:$0x7E5] =	sst s25  }
0x2b: {  	s26 =	sadd.s32 s13, s3;
	[smem:$0x7E7] =	sst s1  }
0x2c: {  	s3 =	sadd.s32 s2, s3;
	[smem:$0x7E6] =	sst s26  }
0x2d: {  	s2 =	sadd.s32 s2, s4;
	[smem:$0x7E8] =	sst s3  }
0x2e: {  	s8 =	smax.u32 s14, $0x1;
	[smem:$0x7E9] =	sst s2  }
0x2f: {  	s9 =	sadd.s32 $0x10, s20;
	_ =	strace $0x80000047;
	[smem:$0x7EA] =	sst s8  }
0x30: {  	s10 =	sadd.s32 $0x20, s20;
	[smem:$0x7EB] =	sst s9  }
0x31: {  	[smem:$0x7EC] =	sst s10  }
0x32: {  	s11 =	sadd.s32 $0x30, s20;
	[dreg:$0xd] =	wrdreg s20  }
0x33: {  	s12 =	sadd.s32 $0x10, s22;
	[smem:$0x7ED] =	sst s11  }
0x34: {  	s13 =	sadd.s32 $0x20, s22;
	[smem:$0x7EE] =	sst s12  }
0x35: {  	[smem:$0x7EF] =	sst s13  }
0x36: {  	s14 =	sadd.s32 $0x30, s22;
	[dreg:$0xe] =	wrdreg s22  }
0x37: {  	s15 =	sadd.s32 $0x10, s23;
	[smem:$0x7F0] =	sst s14  }
0x38: {  	s16 =	sadd.s32 $0x20, s23;
	[smem:$0x7F1] =	sst s15  }
0x39: {  	[smem:$0x7F2] =	sst s16  }
0x3a: {  	s17 =	sadd.s32 $0x30, s23;
	[dreg:$0xf] =	wrdreg s23  }
0x3b: {  	s28 =	simm.s32 $0x880;
	s18 =	sadd.s32 $0x10, s24;
	[smem:$0x7F3] =	sst s17  }
0x3c: {  	s30 =	simm.s32 $0xC80;
	s19 =	sadd.s32 $0x20, s24;
	[smem:$0x7F4] =	sst s18  }
0x3d: {  	s31 =	simm.s32 $0x100;
	s29 =	simm.s32 $0x280;
	[smem:$0x7F5] =	sst s19  }
0x3e: {  	s21 =	sadd.s32 $0x10, s6;
	s25 =	sadd.s32 $0x20, s7;
	[dreg:$0x10] =	wrdreg s24  }
0x3f: {  	s1 =	simm.s32 $0x200;
	s4 =	simm.s32 $0xE00;
	[smem:$0x7F7] =	sst s21  }
0x40: {  	s26 =	sadd.s32 $0x30, s7;
	s2 =	simm.s32 $0x80;
	[dreg:$0x11] =	wrdreg s6  }
0x41: {  	s3 =	simm.s32 $0xA80;
	s20 =	sadd.s32 $0x30, s24;
	[smem:$0x7FB] =	sst s25  }
0x42: {  	s22 =	sadd.s32 $0x20, s6;
	s23 =	sadd.s32 $0x30, s6;
	[smem:$0x7FC] =	sst s7  }
0x43: {  	s24 =	sadd.s32 $0x10, s7;
	[smem:$0x7FD] =	sst s26;
	s25 =	simm.s32 $0x400  }
0x44: {  	s26 =	simm.s32 $0x800;
	s6 =	simm.s32 $0xC00;
	s7 =	simm.s32 $0x480  }
0x45: {  	s8 =	simm.s32 $0x500;
	s19 =	simm.s32 $0x900;
	s9 =	simm.s32 $0xD00  }
0x46: {  	s11 =	simm.s32 $0x580;
	s21 =	simm.s32 $0x980;
	s12 =	simm.s32 $0xD80  }
0x47: {  	s10 =	simm.s32 $0x600;
	s16 =	simm.s32 $0xA00;
	[smem:$0x7F6] =	sst s20  }
0x48: {  	s15 =	simm.s32 $0x680;
	s17 =	simm.s32 $0xE80;
	[smem:$0x7F8] =	sst s22  }
0x49: {  	s13 =	simm.s32 $0x1400;
	s18 =	simm.s32 $0x3;
	[smem:$0x7F9] =	sst s23  }
0x4a: {  	s14 =	simm.s32 $0x0;
	[smem:$0x7FA] =	sst s24;
	s20 =	simm.s32 $0x180  }
0x4b: {  	s22 =	simm.s32 $0x4;
	s23 =	simm.s32 $0x2;
	s24 =	simm.s32 $0xD400  }
.LBB2_1:
0x4c: {  	s5 =	rddreg [dreg:$0xd]  }
0x4d: {  	[tilespmem:s0], [sflag:$0x1] =	stream.linear.gather [hbm4b:s5+s0], $0x80, $0x38;
	[tilespmem:$0x15400] =	vst v63  }
0x4e: {  	s5 =	sld [smem:$0x7EB];
	_ =	sdelay $0x2  }
0x4f: {  	[tilespmem:s25], [sflag:$0x1] =	stream.linear.gather [hbm4b:s5+s0], $0x80, $0x38;
	[tilespmem:$0x15400] =	vst v63  }
0x50: {  	s25 =	sld [smem:$0x7EC];
	_ =	sdelay $0x2  }
0x51: {  	[tilespmem:s26], [sflag:$0x1] =	stream.linear.gather [hbm4b:s25+s0], $0x80, $0x38;
	[tilespmem:$0x15400] =	vst v63  }
0x52: {  	s25 =	sld [smem:$0x7ED];
	_ =	sdelay $0x1  }
0x53: {  	s26 =	rddreg [dreg:$0xe]  }
0x54: {  	[tilespmem:s6], [sflag:$0x1] =	stream.linear.gather [hbm4b:s25+s0], $0x80, $0x38;
	[tilespmem:$0x15400] =	vst v63  }
0x55: {  	s6 =	sld [smem:$0x7EE]  }
0x56: {  	[tilespmem:s2], [sflag:$0x1] =	stream.linear.gather [hbm4b:s26+s0], $0x80, $0x38;
	[tilespmem:$0x15400] =	vst v63  }
0x57: {  	_ = 	snop  }
0x58: {  	[tilespmem:s7], [sflag:$0x1] =	stream.linear.gather [hbm4b:s6+s0], $0x80, $0x38;
	[tilespmem:$0x15400] =	vst v63  }
0x59: {  	s7 =	sld [smem:$0x7EF];
	_ =	sdelay $0x1  }
0x5a: {  	s25 =	sld [smem:$0x7F0]  }
0x5b: {  	[tilespmem:s28], [sflag:$0x1] =	stream.linear.gather [hbm4b:s7+s0], $0x80, $0x38;
	[tilespmem:$0x15400] =	vst v63  }
0x5c: {  	s26 =	rddreg [dreg:$0xf]  }
0x5d: {  	[tilespmem:s30], [sflag:$0x1] =	stream.linear.gather [hbm4b:s25+s0], $0x80, $0x38;
	[tilespmem:$0x15400] =	vst v63  }
0x5e: {  	s28 =	sld [smem:$0x7F1]  }
0x5f: {  	[tilespmem:s31], [sflag:$0x1] =	stream.linear.gather [hbm4b:s26+s0], $0x80, $0x38;
	[tilespmem:$0x15400] =	vst v63  }
0x60: {  	s30 =	sld [smem:$0x7F2]  }
0x61: {  	[tilespmem:s8], [sflag:$0x1] =	stream.linear.gather [hbm4b:s28+s0], $0x80, $0x38;
	[tilespmem:$0x15400] =	vst v63  }
0x62: {  	s31 =	sld [smem:$0x7F3]  }
0x63: {  	[tilespmem:s19], [sflag:$0x1] =	stream.linear.gather [hbm4b:s30+s0], $0x80, $0x38;
	[tilespmem:$0x15400] =	vst v63  }
0x64: {  	s6 =	rddreg [dreg:$0x10]  }
0x65: {  	[tilespmem:s9], [sflag:$0x1] =	stream.linear.gather [hbm4b:s31+s0], $0x80, $0x38;
	[tilespmem:$0x15400] =	vst v63  }
0x66: {  	s7 =	sld [smem:$0x7F4]  }
0x67: {  	[tilespmem:s20], [sflag:$0x1] =	stream.linear.gather [hbm4b:s6+s0], $0x80, $0x38;
	[tilespmem:$0x15400] =	vst v63  }
0x68: {  	s8 =	sld [smem:$0x7F5]  }
0x69: {  	[tilespmem:s11], [sflag:$0x1] =	stream.linear.gather [hbm4b:s7+s0], $0x80, $0x38;
	[tilespmem:$0x15400] =	vst v63  }
0x6a: {  	s9 =	sld [smem:$0x7F6]  }
0x6b: {  	[tilespmem:s21], [sflag:$0x1] =	stream.linear.gather [hbm4b:s8+s0], $0x80, $0x38;
	[tilespmem:$0x15400] =	vst v63  }
0x6c: {  	s11 =	rddreg [dreg:$0x11]  }
0x6d: {  	[tilespmem:s12], [sflag:$0x1] =	stream.linear.gather [hbm4b:s9+s0], $0x80, $0x38;
	[tilespmem:$0x15400] =	vst v63  }
0x6e: {  	s12 =	sld [smem:$0x7F7]  }
0x6f: {  	[tilespmem:s1], [sflag:$0x1] =	stream.linear.gather [hbm4b:s11+s0], $0x80, $0x38;
	[tilespmem:$0x15400] =	vst v63  }
0x70: {  	s19 =	sld [smem:$0x7F8]  }
0x71: {  	[tilespmem:s10], [sflag:$0x1] =	stream.linear.gather [hbm4b:s12+s0], $0x80, $0x38;
	[tilespmem:$0x15400] =	vst v63  }
0x72: {  	s20 =	sld [smem:$0x7F9]  }
0x73: {  	[tilespmem:s16], [sflag:$0x1] =	stream.linear.gather [hbm4b:s19+s0], $0x80, $0x38;
	[tilespmem:$0x15400] =	vst v63  }
0x74: {  	s21 =	sld [smem:$0x7FC]  }
0x75: {  	[tilespmem:s4], [sflag:$0x1] =	stream.linear.gather [hbm4b:s20+s0], $0x80, $0x38;
	[tilespmem:$0x15400] =	vst v63  }
0x76: {  	s25 =	sld [smem:$0x7FA]  }
0x77: {  	[tilespmem:s29], [sflag:$0x1] =	stream.linear.gather [hbm4b:s21+s0], $0x80, $0x38;
	[tilespmem:$0x15400] =	vst v63  }
0x78: {  	s26 =	sld [smem:$0x7FB]  }
0x79: {  	[tilespmem:s15], [sflag:$0x1] =	stream.linear.gather [hbm4b:s25+s0], $0x80, $0x38;
	[tilespmem:$0x15400] =	vst v63  }
0x7a: {  	s28 =	sld [smem:$0x7FD]  }
0x7b: {  	[tilespmem:s3], [sflag:$0x1] =	stream.linear.gather [hbm4b:s26+s0], $0x80, $0x38;
	[tilespmem:$0x15400] =	vst v63  }
0x7c: {  	_ = 	snop  }
0x7d: {  	[tilespmem:s17], [sflag:$0x1] =	stream.linear.gather [hbm4b:s28+s0], $0x80, $0x38;
	[tilespmem:$0x15400] =	vst v63  }
0x7e: {  	s30 =	simm.s32 $0x1000;
	s31 =	simm.s32 $0x5;
	s29 =	rddreg [dreg:$0x9]  }
0x7f: {  	[tilespmem:s30], [sflag:$0x5] =	stream.linear.gather [hbm4b:s29+s0], $0x280, $0x38;
	[tilespmem:$0x15400] =	vst v63  }
0x80: {  	_ =	swait.ge [sflag:s31], $0x280  }
0x81: {  	[sflag:s31] =	ssyncset.done $0x0  }
0x82: {  	[sflag:s31] =	ssyncadd.s32 $0xFFFFFD80  }
0x83: {  	v0 =	vld [tilespmem:$0x1000]  }
0x84: {  	v1 =	vld [tilespmem:$0x1010]  }
0x85: {  	v2 =	vld [tilespmem:$0x1020]  }
0x86: {  	v7 =	vld [tilespmem:$0x1070]  }
0x87: {  	v3 =	vld [tilespmem:$0x1030]  }
0x88: {  	v4 =	vld [tilespmem:$0x1040]  }
0x89: {  	v5 =	vld [tilespmem:$0x1050]  }
0x8a: {  	s5 =	simm.s32 $0x0;
	s25 =	simm.s32 $0x200;
	v6 =	vld [tilespmem:$0x1060]  }
.LBB2_2:
0x8b: {  	p0 =	sne.s32 s25, $0xFE00;
	[tilespmem:s5+$0x1470] =	vst v7  }
0x8c: {  	[tilespmem:s5+$0x1400] =	vst v0  }
0x8d: {  	[tilespmem:s5+$0x1410] =	vst v1  }
.Ltmp0:
0x8e: {  	[tilespmem:s5+$0x1420] =	vst v2;
	(pc) =	sbr.rel @p0 .LBB2_2-.Ltmp0, $4  }
0x8f: {  	[tilespmem:s5+$0x1430] =	vst v3  }
0x90: {  	[tilespmem:s5+$0x1440] =	vst v4  }
0x91: {  	[tilespmem:s5+$0x1450] =	vst v5  }
0x92: {  	[tilespmem:s5+$0x1460] =	vst v6;
	s5 =	sshra.s32 s25, $0x2;
	s25 =	sadd.s32 $0x200, s25  }
0x93: {  	[tilespmem:s5+$0x1470] =	vst v7  }
0x94: {  	[tilespmem:s5+$0x1400] =	vst v0  }
0x95: {  	[tilespmem:s5+$0x1410] =	vst v1  }
0x96: {  	[tilespmem:s5+$0x1420] =	vst v2  }
0x97: {  	[tilespmem:s5+$0x1430] =	vst v3  }
0x98: {  	[tilespmem:s5+$0x1440] =	vst v4  }
0x99: {  	[tilespmem:s5+$0x1450] =	vst v5  }
0x9a: {  	[tilespmem:s5+$0x1460] =	vst v6;
	s28 =	simm.s32 $0x0;
	s25 =	rddreg [dreg:$0x12]  }
0x9b: {  	[hbm4b:s25+s28] =	stream.linear.scatter [tilespmem:s13], [sflag:$0x4], $0x4000, $0x38;
	[tilespmem:$0x15400] =	vst v63  }
0x9c: {  	s29 =	rddreg [dreg:$0x13]  }
0x9d: {  	[hbm4b:s29+s28] =	stream.linear.scatter [tilespmem:s13], [sflag:$0x4], $0x4000, $0x38;
	[tilespmem:$0x15400] =	vst v63  }
0x9e: {  	s30 =	rddreg [dreg:$0x14]  }
0x9f: {  	[hbm4b:s30+s28] =	stream.linear.scatter [tilespmem:s13], [sflag:$0x4], $0x4000, $0x38;
	[tilespmem:$0x15400] =	vst v63  }
0xa0: {  	s31 =	rddreg [dreg:$0x15]  }
0xa1: {  	[hbm4b:s31+s28] =	stream.linear.scatter [tilespmem:s13], [sflag:$0x4], $0x4000, $0x38;
	[tilespmem:$0x15400] =	vst v63  }
0xa2: {  	_ =	swait.ge [sflag:s22], $0x4000  }
0xa3: {  	[sflag:s22] =	ssyncset.done $0x0  }
0xa4: {  	[sflag:s22] =	ssyncadd.s32 $0xFFFFC000  }
0xa5: {  	_ =	swait.ge [sflag:s22], $0x4000  }
0xa6: {  	[sflag:s22] =	ssyncset.done $0x0  }
0xa7: {  	[sflag:s22] =	ssyncadd.s32 $0xFFFFC000  }
0xa8: {  	_ =	swait.ge [sflag:s22], $0x4000  }
0xa9: {  	[sflag:s22] =	ssyncset.done $0x0  }
0xaa: {  	[sflag:s22] =	ssyncadd.s32 $0xFFFFC000  }
0xab: {  	_ =	swait.ge [sflag:s22], $0x4000  }
0xac: {  	[sflag:s22] =	ssyncset.done $0x0  }
0xad: {  	[sflag:s22] =	ssyncadd.s32 $0xFFFFC000  }
0xae: {  	v0 =	vld [tilespmem:$0x1080]  }
0xaf: {  	v1 =	vld [tilespmem:$0x1090]  }
0xb0: {  	v2 =	vld [tilespmem:$0x10A0]  }
0xb1: {  	v7 =	vld [tilespmem:$0x10F0]  }
0xb2: {  	v3 =	vld [tilespmem:$0x10B0]  }
0xb3: {  	v4 =	vld [tilespmem:$0x10C0]  }
0xb4: {  	v5 =	vld [tilespmem:$0x10D0]  }
0xb5: {  	s5 =	simm.s32 $0x0;
	s25 =	simm.s32 $0x200;
	v6 =	vld [tilespmem:$0x10E0]  }
.LBB2_4:
0xb6: {  	p0 =	sne.s32 s25, $0xFE00;
	[tilespmem:s5+$0x1470] =	vst v7  }
0xb7: {  	[tilespmem:s5+$0x1400] =	vst v0  }
0xb8: {  	[tilespmem:s5+$0x1410] =	vst v1  }
.Ltmp1:
0xb9: {  	[tilespmem:s5+$0x1420] =	vst v2;
	(pc) =	sbr.rel @p0 .LBB2_4-.Ltmp1, $4  }
0xba: {  	[tilespmem:s5+$0x1430] =	vst v3  }
0xbb: {  	[tilespmem:s5+$0x1440] =	vst v4  }
0xbc: {  	[tilespmem:s5+$0x1450] =	vst v5  }
0xbd: {  	[tilespmem:s5+$0x1460] =	vst v6;
	s5 =	sshra.s32 s25, $0x2;
	s25 =	sadd.s32 $0x200, s25  }
0xbe: {  	[tilespmem:s5+$0x1470] =	vst v7  }
0xbf: {  	[tilespmem:s5+$0x1400] =	vst v0  }
0xc0: {  	[tilespmem:s5+$0x1410] =	vst v1  }
0xc1: {  	[tilespmem:s5+$0x1420] =	vst v2  }
0xc2: {  	[tilespmem:s5+$0x1430] =	vst v3  }
0xc3: {  	[tilespmem:s5+$0x1440] =	vst v4  }
0xc4: {  	[tilespmem:s5+$0x1450] =	vst v5  }
0xc5: {  	[tilespmem:s5+$0x1460] =	vst v6;
	s28 =	simm.s32 $0x0;
	s25 =	rddreg [dreg:$0x16]  }
0xc6: {  	[hbm4b:s25+s28] =	stream.linear.scatter [tilespmem:s13], [sflag:$0x4], $0x4000, $0x38;
	[tilespmem:$0x15400] =	vst v63  }
0xc7: {  	s29 =	rddreg [dreg:$0x17]  }
0xc8: {  	[hbm4b:s29+s28] =	stream.linear.scatter [tilespmem:s13], [sflag:$0x4], $0x4000, $0x38;
	[tilespmem:$0x15400] =	vst v63  }
0xc9: {  	s30 =	rddreg [dreg:$0x18]  }
0xca: {  	[hbm4b:s30+s28] =	stream.linear.scatter [tilespmem:s13], [sflag:$0x4], $0x4000, $0x38;
	[tilespmem:$0x15400] =	vst v63  }
0xcb: {  	s31 =	rddreg [dreg:$0x19]  }
0xcc: {  	[hbm4b:s31+s28] =	stream.linear.scatter [tilespmem:s13], [sflag:$0x4], $0x4000, $0x38;
	[tilespmem:$0x15400] =	vst v63  }
0xcd: {  	_ =	swait.ge [sflag:s22], $0x4000  }
0xce: {  	[sflag:s22] =	ssyncset.done $0x0  }
0xcf: {  	[sflag:s22] =	ssyncadd.s32 $0xFFFFC000  }
0xd0: {  	_ =	swait.ge [sflag:s22], $0x4000  }
0xd1: {  	[sflag:s22] =	ssyncset.done $0x0  }
0xd2: {  	[sflag:s22] =	ssyncadd.s32 $0xFFFFC000  }
0xd3: {  	_ =	swait.ge [sflag:s22], $0x4000  }
0xd4: {  	[sflag:s22] =	ssyncset.done $0x0  }
0xd5: {  	[sflag:s22] =	ssyncadd.s32 $0xFFFFC000  }
0xd6: {  	_ =	swait.ge [sflag:s22], $0x4000  }
0xd7: {  	[sflag:s22] =	ssyncset.done $0x0  }
0xd8: {  	[sflag:s22] =	ssyncadd.s32 $0xFFFFC000  }
0xd9: {  	v0 =	vld [tilespmem:$0x1100]  }
0xda: {  	v1 =	vld [tilespmem:$0x1110]  }
0xdb: {  	v2 =	vld [tilespmem:$0x1120]  }
0xdc: {  	v7 =	vld [tilespmem:$0x1170]  }
0xdd: {  	v3 =	vld [tilespmem:$0x1130]  }
0xde: {  	v4 =	vld [tilespmem:$0x1140]  }
0xdf: {  	v5 =	vld [tilespmem:$0x1150]  }
0xe0: {  	s5 =	simm.s32 $0x0;
	s25 =	simm.s32 $0x200;
	v6 =	vld [tilespmem:$0x1160]  }
.LBB2_6:
0xe1: {  	p0 =	sne.s32 s25, $0xFE00;
	[tilespmem:s5+$0x1470] =	vst v7  }
0xe2: {  	[tilespmem:s5+$0x1400] =	vst v0  }
0xe3: {  	[tilespmem:s5+$0x1410] =	vst v1  }
.Ltmp2:
0xe4: {  	[tilespmem:s5+$0x1420] =	vst v2;
	(pc) =	sbr.rel @p0 .LBB2_6-.Ltmp2, $4  }
0xe5: {  	[tilespmem:s5+$0x1430] =	vst v3  }
0xe6: {  	[tilespmem:s5+$0x1440] =	vst v4  }
0xe7: {  	[tilespmem:s5+$0x1450] =	vst v5  }
0xe8: {  	[tilespmem:s5+$0x1460] =	vst v6;
	s5 =	sshra.s32 s25, $0x2;
	s25 =	sadd.s32 $0x200, s25  }
0xe9: {  	[tilespmem:s5+$0x1470] =	vst v7  }
0xea: {  	[tilespmem:s5+$0x1400] =	vst v0  }
0xeb: {  	[tilespmem:s5+$0x1410] =	vst v1  }
0xec: {  	[tilespmem:s5+$0x1420] =	vst v2  }
0xed: {  	[tilespmem:s5+$0x1430] =	vst v3  }
0xee: {  	[tilespmem:s5+$0x1440] =	vst v4  }
0xef: {  	[tilespmem:s5+$0x1450] =	vst v5  }
0xf0: {  	[tilespmem:s5+$0x1460] =	vst v6;
	s28 =	simm.s32 $0x0;
	s25 =	rddreg [dreg:$0x1a]  }
0xf1: {  	[hbm4b:s25+s28] =	stream.linear.scatter [tilespmem:s13], [sflag:$0x4], $0x4000, $0x38;
	[tilespmem:$0x15400] =	vst v63  }
0xf2: {  	s29 =	rddreg [dreg:$0x1b]  }
0xf3: {  	[hbm4b:s29+s28] =	stream.linear.scatter [tilespmem:s13], [sflag:$0x4], $0x4000, $0x38;
	[tilespmem:$0x15400] =	vst v63  }
0xf4: {  	s30 =	rddreg [dreg:$0x1c]  }
0xf5: {  	[hbm4b:s30+s28] =	stream.linear.scatter [tilespmem:s13], [sflag:$0x4], $0x4000, $0x38;
	[tilespmem:$0x15400] =	vst v63  }
0xf6: {  	s31 =	rddreg [dreg:$0x1d]  }
0xf7: {  	[hbm4b:s31+s28] =	stream.linear.scatter [tilespmem:s13], [sflag:$0x4], $0x4000, $0x38;
	[tilespmem:$0x15400] =	vst v63  }
0xf8: {  	_ =	swait.ge [sflag:s22], $0x4000  }
0xf9: {  	[sflag:s22] =	ssyncset.done $0x0  }
0xfa: {  	[sflag:s22] =	ssyncadd.s32 $0xFFFFC000  }
0xfb: {  	_ =	swait.ge [sflag:s22], $0x4000  }
0xfc: {  	[sflag:s22] =	ssyncset.done $0x0  }
0xfd: {  	[sflag:s22] =	ssyncadd.s32 $0xFFFFC000  }
0xfe: {  	_ =	swait.ge [sflag:s22], $0x4000  }
0xff: {  	[sflag:s22] =	ssyncset.done $0x0  }
0x100: {  	[sflag:s22] =	ssyncadd.s32 $0xFFFFC000  }
0x101: {  	_ =	swait.ge [sflag:s22], $0x4000  }
0x102: {  	[sflag:s22] =	ssyncset.done $0x0  }
0x103: {  	[sflag:s22] =	ssyncadd.s32 $0xFFFFC000  }
0x104: {  	v0 =	vld [tilespmem:$0x1180]  }
0x105: {  	v1 =	vld [tilespmem:$0x1190]  }
0x106: {  	v2 =	vld [tilespmem:$0x11A0]  }
0x107: {  	v7 =	vld [tilespmem:$0x11F0]  }
0x108: {  	v3 =	vld [tilespmem:$0x11B0]  }
0x109: {  	v4 =	vld [tilespmem:$0x11C0]  }
0x10a: {  	v5 =	vld [tilespmem:$0x11D0]  }
0x10b: {  	s5 =	simm.s32 $0x0;
	s25 =	simm.s32 $0x200;
	v6 =	vld [tilespmem:$0x11E0]  }
.LBB2_8:
0x10c: {  	p0 =	sne.s32 s25, $0xFE00;
	[tilespmem:s5+$0x1470] =	vst v7  }
0x10d: {  	[tilespmem:s5+$0x1400] =	vst v0  }
0x10e: {  	[tilespmem:s5+$0x1410] =	vst v1  }
.Ltmp3:
0x10f: {  	[tilespmem:s5+$0x1420] =	vst v2;
	(pc) =	sbr.rel @p0 .LBB2_8-.Ltmp3, $4  }
0x110: {  	[tilespmem:s5+$0x1430] =	vst v3  }
0x111: {  	[tilespmem:s5+$0x1440] =	vst v4  }
0x112: {  	[tilespmem:s5+$0x1450] =	vst v5  }
0x113: {  	[tilespmem:s5+$0x1460] =	vst v6;
	s5 =	sshra.s32 s25, $0x2;
	s25 =	sadd.s32 $0x200, s25  }
0x114: {  	[tilespmem:s5+$0x1470] =	vst v7  }
0x115: {  	[tilespmem:s5+$0x1400] =	vst v0  }
0x116: {  	[tilespmem:s5+$0x1410] =	vst v1  }
0x117: {  	[tilespmem:s5+$0x1420] =	vst v2  }
0x118: {  	[tilespmem:s5+$0x1430] =	vst v3  }
0x119: {  	[tilespmem:s5+$0x1440] =	vst v4  }
0x11a: {  	[tilespmem:s5+$0x1450] =	vst v5;
	s25 =	rddreg [dreg:$0x1e]  }
0x11b: {  	[tilespmem:s5+$0x1460] =	vst v6;
	s28 =	simm.s32 $0x0;
	s29 =	rddreg [dreg:$0x1f]  }
0x11c: {  	[hbm4b:s25+s28] =	stream.linear.scatter [tilespmem:s13], [sflag:$0x4], $0x4000, $0x38;
	[tilespmem:$0x15400] =	vst v63  }
0x11d: {  	s30 =	sld [smem:$0x7D8]  }
0x11e: {  	[hbm4b:s29+s28] =	stream.linear.scatter [tilespmem:s13], [sflag:$0x4], $0x4000, $0x38;
	[tilespmem:$0x15400] =	vst v63  }
0x11f: {  	s31 =	sld [smem:$0x7D9]  }
0x120: {  	[hbm4b:s30+s28] =	stream.linear.scatter [tilespmem:s13], [sflag:$0x4], $0x4000, $0x38;
	[tilespmem:$0x15400] =	vst v63  }
0x121: {  	[smem:$0x7D7] =	sst s14  }
0x122: {  	[hbm4b:s31+s28] =	stream.linear.scatter [tilespmem:s13], [sflag:$0x4], $0x4000, $0x38;
	[tilespmem:$0x15400] =	vst v63  }
0x123: {  	_ =	swait.ge [sflag:s22], $0x4000  }
0x124: {  	[sflag:s22] =	ssyncset.done $0x0  }
0x125: {  	[sflag:s22] =	ssyncadd.s32 $0xFFFFC000  }
0x126: {  	_ =	swait.ge [sflag:s22], $0x4000  }
0x127: {  	[sflag:s22] =	ssyncset.done $0x0  }
0x128: {  	[sflag:s22] =	ssyncadd.s32 $0xFFFFC000  }
0x129: {  	_ =	swait.ge [sflag:s22], $0x4000  }
0x12a: {  	[sflag:s22] =	ssyncset.done $0x0  }
0x12b: {  	[sflag:s22] =	ssyncadd.s32 $0xFFFFC000  }
0x12c: {  	_ =	swait.ge [sflag:s22], $0x4000  }
0x12d: {  	[sflag:s22] =	ssyncset.done $0x0  }
0x12e: {  	[sflag:s22] =	ssyncadd.s32 $0xFFFFC000  }
0x12f: {  	v0 =	vld [tilespmem:$0x1200]  }
0x130: {  	v1 =	vld [tilespmem:$0x1210]  }
0x131: {  	v2 =	vld [tilespmem:$0x1220]  }
0x132: {  	v7 =	vld [tilespmem:$0x1270]  }
0x133: {  	v3 =	vld [tilespmem:$0x1230]  }
0x134: {  	v4 =	vld [tilespmem:$0x1240]  }
0x135: {  	v5 =	vld [tilespmem:$0x1250]  }
0x136: {  	s5 =	simm.s32 $0x0;
	s25 =	simm.s32 $0x200;
	v6 =	vld [tilespmem:$0x1260]  }
.LBB2_10:
0x137: {  	p0 =	sne.s32 s25, $0xFE00;
	[tilespmem:s5+$0x1470] =	vst v7  }
0x138: {  	[tilespmem:s5+$0x1400] =	vst v0  }
0x139: {  	[tilespmem:s5+$0x1410] =	vst v1  }
.Ltmp4:
0x13a: {  	[tilespmem:s5+$0x1420] =	vst v2;
	(pc) =	sbr.rel @p0 .LBB2_10-.Ltmp4, $4  }
0x13b: {  	[tilespmem:s5+$0x1430] =	vst v3  }
0x13c: {  	[tilespmem:s5+$0x1440] =	vst v4  }
0x13d: {  	[tilespmem:s5+$0x1450] =	vst v5  }
0x13e: {  	[tilespmem:s5+$0x1460] =	vst v6;
	s5 =	sshra.s32 s25, $0x2;
	s25 =	sadd.s32 $0x200, s25  }
0x13f: {  	[tilespmem:s5+$0x1470] =	vst v7  }
0x140: {  	[tilespmem:s5+$0x1400] =	vst v0  }
0x141: {  	[tilespmem:s5+$0x1410] =	vst v1  }
0x142: {  	[tilespmem:s5+$0x1420] =	vst v2  }
0x143: {  	[tilespmem:s5+$0x1430] =	vst v3  }
0x144: {  	[tilespmem:s5+$0x1440] =	vst v4;
	s26 =	sld [smem:$0x7DC]  }
0x145: {  	[tilespmem:s5+$0x1450] =	vst v5  }
0x146: {  	[tilespmem:s5+$0x1460] =	vst v6;
	s1 =	sld [smem:$0x7DA]  }
0x147: {  	[hbm4b:s26+s0] =	stream.linear.scatter [tilespmem:s13], [sflag:$0x4], $0x4000, $0x38;
	[tilespmem:$0x15400] =	vst v63  }
0x148: {  	s3 =	sld [smem:$0x7DD]  }
0x149: {  	[hbm4b:s1+s0] =	stream.linear.scatter [tilespmem:s13], [sflag:$0x4], $0x4000, $0x38;
	[tilespmem:$0x15400] =	vst v63  }
0x14a: {  	s4 =	sld [smem:$0x7DB]  }
0x14b: {  	[hbm4b:s3+s0] =	stream.linear.scatter [tilespmem:s13], [sflag:$0x4], $0x4000, $0x38;
	[tilespmem:$0x15400] =	vst v63  }
0x14c: {  	_ = 	snop  }
0x14d: {  	[hbm4b:s4+s0] =	stream.linear.scatter [tilespmem:s13], [sflag:$0x4], $0x4000, $0x38;
	[tilespmem:$0x15400] =	vst v63  }
0x14e: {  	_ =	swait.ge [sflag:s22], $0x4000  }
0x14f: {  	[sflag:s22] =	ssyncset.done $0x0  }
0x150: {  	[sflag:s22] =	ssyncadd.s32 $0xFFFFC000  }
0x151: {  	_ =	swait.ge [sflag:s22], $0x4000  }
0x152: {  	[sflag:s22] =	ssyncset.done $0x0  }
0x153: {  	[sflag:s22] =	ssyncadd.s32 $0xFFFFC000  }
0x154: {  	_ =	swait.ge [sflag:s22], $0x4000  }
0x155: {  	[sflag:s22] =	ssyncset.done $0x0  }
0x156: {  	[sflag:s22] =	ssyncadd.s32 $0xFFFFC000  }
0x157: {  	_ =	swait.ge [sflag:s22], $0x4000  }
0x158: {  	[sflag:s22] =	ssyncset.done $0x0  }
0x159: {  	s1 =	simm.s32 $0x1;
	[sflag:s22] =	ssyncadd.s32 $0xFFFFC000  }
0x15a: {  	_ =	swait.ge [sflag:s1], $0x200  }
0x15b: {  	[sflag:s1] =	ssyncset.done $0x0  }
0x15c: {  	[sflag:s1] =	ssyncadd.s32 $0xFFFFFE00  }
0x15d: {  	_ =	swait.ge [sflag:s1], $0x200  }
0x15e: {  	[sflag:s1] =	ssyncset.done $0x0  }
0x15f: {  	[sflag:s1] =	ssyncadd.s32 $0xFFFFFE00  }
0x160: {  	_ =	swait.ge [sflag:s1], $0x200  }
0x161: {  	[sflag:s1] =	ssyncset.done $0x0  }
0x162: {  	[sflag:s1] =	ssyncadd.s32 $0xFFFFFE00  }
0x163: {  	_ =	swait.ge [sflag:s1], $0x200  }
0x164: {  	[sflag:s1] =	ssyncset.done $0x0  }
0x165: {  	[sflag:s1] =	ssyncadd.s32 $0xFFFFFE00  }
0x166: {  	_ =	swait.ge [sflag:s1], $0x200  }
0x167: {  	[sflag:s1] =	ssyncset.done $0x0  }
0x168: {  	[sflag:s1] =	ssyncadd.s32 $0xFFFFFE00  }
0x169: {  	_ =	swait.ge [sflag:s1], $0x200  }
0x16a: {  	[sflag:s1] =	ssyncset.done $0x0  }
0x16b: {  	[sflag:s1] =	ssyncadd.s32 $0xFFFFFE00  }
0x16c: {  	s3 =	simm.s32 $0x5400;
	s1 =	rddreg [dreg:$0x6]  }
0x16d: {  	[tilespmem:s3], [sflag:$0x2] =	stream.indirect.gather [hbm4b:s1+s2], $0x80, s0, s2, $0xb8;
	[tilespmem:$0x15400] =	vst v63  }
0x16e: {  	s25 =	simm.s32 $0x400;
	s17 =	simm.s32 $0x9400  }
0x16f: {  	[tilespmem:s17], [sflag:$0x2] =	stream.indirect.gather [hbm4b:s1+s2], $0x80, s25, s2, $0xb8;
	[tilespmem:$0x15400] =	vst v63  }
0x170: {  	_ =	swait.ge [sflag:s23], $0x4000  }
0x171: {  	[sflag:s23] =	ssyncset.done $0x0  }
0x172: {  	[sflag:s23] =	ssyncadd.s32 $0xFFFFC000  }
0x173: {  	_ =	swait.ge [sflag:s23], $0x4000  }
0x174: {  	s6 =	sld [smem:$0x7DE]  }
0x175: {  	[sflag:s23] =	ssyncset.done $0x0  }
0x176: {  	[sflag:s23] =	ssyncadd.s32 $0xFFFFC000  }
0x177: {  	[hbm4b:s6+s0] =	stream.linear.scatter [tilespmem:s3], [sflag:$0x3], $0x8000, $0x38;
	[tilespmem:$0x15400] =	vst v63  }
0x178: {  	s26 =	simm.s32 $0x800  }
0x179: {  	[tilespmem:s24], [sflag:$0x2] =	stream.indirect.gather [hbm4b:s1+s2], $0x80, s26, s2, $0xb8;
	[tilespmem:$0x15400] =	vst v63  }
0x17a: {  	s14 =	simm.s32 $0x11400;
	s6 =	simm.s32 $0xC00  }
0x17b: {  	[tilespmem:s14], [sflag:$0x2] =	stream.indirect.gather [hbm4b:s1+s2], $0x80, s6, s2, $0xb8;
	[tilespmem:$0x15400] =	vst v63  }
0x17c: {  	_ =	swait.ge [sflag:s23], $0x4000  }
0x17d: {  	[sflag:s23] =	ssyncset.done $0x0  }
0x17e: {  	[sflag:s23] =	ssyncadd.s32 $0xFFFFC000  }
0x17f: {  	_ =	swait.ge [sflag:s23], $0x4000  }
0x180: {  	s7 =	sld [smem:$0x7DF]  }
0x181: {  	[sflag:s23] =	ssyncset.done $0x0  }
0x182: {  	[sflag:s23] =	ssyncadd.s32 $0xFFFFC000  }
0x183: {  	[hbm4b:s7+s0] =	stream.linear.scatter [tilespmem:s24], [sflag:$0x3], $0x8000, $0x38;
	[tilespmem:$0x15400] =	vst v63  }
0x184: {  	_ =	swait.ge [sflag:s18], $0x8000  }
0x185: {  	[sflag:s18] =	ssyncset.done $0x0  }
0x186: {  	[sflag:s18] =	ssyncadd.s32 $0xFFFF8000  }
0x187: {  	s4 =	rddreg [dreg:$0xa]  }
0x188: {  	[tilespmem:s3], [sflag:$0x2] =	stream.indirect.gather [hbm4b:s4+s2], $0x80, s2, s2, $0xb8;
	[tilespmem:$0x15400] =	vst v63  }
0x189: {  	s7 =	simm.s32 $0x480  }
0x18a: {  	[tilespmem:s17], [sflag:$0x2] =	stream.indirect.gather [hbm4b:s4+s2], $0x80, s7, s2, $0xb8;
	[tilespmem:$0x15400] =	vst v63  }
0x18b: {  	_ =	swait.ge [sflag:s23], $0x4000  }
0x18c: {  	[sflag:s23] =	ssyncset.done $0x0  }
0x18d: {  	[sflag:s23] =	ssyncadd.s32 $0xFFFFC000  }
0x18e: {  	_ =	swait.ge [sflag:s23], $0x4000  }
0x18f: {  	s8 =	sld [smem:$0x7E0]  }
0x190: {  	[sflag:s23] =	ssyncset.done $0x0  }
0x191: {  	[sflag:s23] =	ssyncadd.s32 $0xFFFFC000  }
0x192: {  	[hbm4b:s8+s0] =	stream.linear.scatter [tilespmem:s3], [sflag:$0x3], $0x8000, $0x38;
	[tilespmem:$0x15400] =	vst v63  }
0x193: {  	_ =	swait.ge [sflag:s18], $0x8000  }
0x194: {  	[sflag:s18] =	ssyncset.done $0x0  }
0x195: {  	s28 =	simm.s32 $0x880;
	[sflag:s18] =	ssyncadd.s32 $0xFFFF8000  }
0x196: {  	[tilespmem:s24], [sflag:$0x2] =	stream.indirect.gather [hbm4b:s4+s2], $0x80, s28, s2, $0xb8;
	[tilespmem:$0x15400] =	vst v63  }
0x197: {  	s30 =	simm.s32 $0xC80  }
0x198: {  	[tilespmem:s14], [sflag:$0x2] =	stream.indirect.gather [hbm4b:s4+s2], $0x80, s30, s2, $0xb8;
	[tilespmem:$0x15400] =	vst v63  }
0x199: {  	_ =	swait.ge [sflag:s23], $0x4000  }
0x19a: {  	[sflag:s23] =	ssyncset.done $0x0  }
0x19b: {  	[sflag:s23] =	ssyncadd.s32 $0xFFFFC000  }
0x19c: {  	_ =	swait.ge [sflag:s23], $0x4000  }
0x19d: {  	s9 =	sld [smem:$0x7E1]  }
0x19e: {  	[sflag:s23] =	ssyncset.done $0x0  }
0x19f: {  	[sflag:s23] =	ssyncadd.s32 $0xFFFFC000  }
0x1a0: {  	[hbm4b:s9+s0] =	stream.linear.scatter [tilespmem:s24], [sflag:$0x3], $0x8000, $0x38;
	[tilespmem:$0x15400] =	vst v63  }
0x1a1: {  	_ =	swait.ge [sflag:s18], $0x8000  }
0x1a2: {  	[sflag:s18] =	ssyncset.done $0x0  }
0x1a3: {  	s31 =	simm.s32 $0x100;
	[sflag:s18] =	ssyncadd.s32 $0xFFFF8000  }
0x1a4: {  	[tilespmem:s3], [sflag:$0x2] =	stream.indirect.gather [hbm4b:s4+s2], $0x80, s31, s2, $0xb8;
	[tilespmem:$0x15400] =	vst v63  }
0x1a5: {  	s8 =	simm.s32 $0x500  }
0x1a6: {  	[tilespmem:s17], [sflag:$0x2] =	stream.indirect.gather [hbm4b:s4+s2], $0x80, s8, s2, $0xb8;
	[tilespmem:$0x15400] =	vst v63  }
0x1a7: {  	_ =	swait.ge [sflag:s23], $0x4000  }
0x1a8: {  	[sflag:s23] =	ssyncset.done $0x0  }
0x1a9: {  	[sflag:s23] =	ssyncadd.s32 $0xFFFFC000  }
0x1aa: {  	_ =	swait.ge [sflag:s23], $0x4000  }
0x1ab: {  	s10 =	sld [smem:$0x7E2]  }
0x1ac: {  	[sflag:s23] =	ssyncset.done $0x0  }
0x1ad: {  	[sflag:s23] =	ssyncadd.s32 $0xFFFFC000  }
0x1ae: {  	[hbm4b:s10+s0] =	stream.linear.scatter [tilespmem:s3], [sflag:$0x3], $0x8000, $0x38;
	[tilespmem:$0x15400] =	vst v63  }
0x1af: {  	_ =	swait.ge [sflag:s18], $0x8000  }
0x1b0: {  	[sflag:s18] =	ssyncset.done $0x0  }
0x1b1: {  	s19 =	simm.s32 $0x900;
	[sflag:s18] =	ssyncadd.s32 $0xFFFF8000  }
0x1b2: {  	[tilespmem:s24], [sflag:$0x2] =	stream.indirect.gather [hbm4b:s4+s2], $0x80, s19, s2, $0xb8;
	[tilespmem:$0x15400] =	vst v63  }
0x1b3: {  	s9 =	simm.s32 $0xD00  }
0x1b4: {  	[tilespmem:s14], [sflag:$0x2] =	stream.indirect.gather [hbm4b:s4+s2], $0x80, s9, s2, $0xb8;
	[tilespmem:$0x15400] =	vst v63  }
0x1b5: {  	_ =	swait.ge [sflag:s23], $0x4000  }
0x1b6: {  	[sflag:s23] =	ssyncset.done $0x0  }
0x1b7: {  	[sflag:s23] =	ssyncadd.s32 $0xFFFFC000  }
0x1b8: {  	_ =	swait.ge [sflag:s23], $0x4000  }
0x1b9: {  	s11 =	sld [smem:$0x7E3]  }
0x1ba: {  	[sflag:s23] =	ssyncset.done $0x0  }
0x1bb: {  	[sflag:s23] =	ssyncadd.s32 $0xFFFFC000  }
0x1bc: {  	[hbm4b:s11+s0] =	stream.linear.scatter [tilespmem:s24], [sflag:$0x3], $0x8000, $0x38;
	[tilespmem:$0x15400] =	vst v63  }
0x1bd: {  	_ =	swait.ge [sflag:s18], $0x8000  }
0x1be: {  	[sflag:s18] =	ssyncset.done $0x0  }
0x1bf: {  	s20 =	simm.s32 $0x180;
	[sflag:s18] =	ssyncadd.s32 $0xFFFF8000  }
0x1c0: {  	[tilespmem:s3], [sflag:$0x2] =	stream.indirect.gather [hbm4b:s1+s2], $0x80, s20, s2, $0xb8;
	[tilespmem:$0x15400] =	vst v63  }
0x1c1: {  	s11 =	simm.s32 $0x580  }
0x1c2: {  	[tilespmem:s17], [sflag:$0x2] =	stream.indirect.gather [hbm4b:s1+s2], $0x80, s11, s2, $0xb8;
	[tilespmem:$0x15400] =	vst v63  }
0x1c3: {  	_ =	swait.ge [sflag:s23], $0x4000  }
0x1c4: {  	[sflag:s23] =	ssyncset.done $0x0  }
0x1c5: {  	[sflag:s23] =	ssyncadd.s32 $0xFFFFC000  }
0x1c6: {  	_ =	swait.ge [sflag:s23], $0x4000  }
0x1c7: {  	s12 =	sld [smem:$0x7E4]  }
0x1c8: {  	[sflag:s23] =	ssyncset.done $0x0  }
0x1c9: {  	[sflag:s23] =	ssyncadd.s32 $0xFFFFC000  }
0x1ca: {  	[hbm4b:s12+s0] =	stream.linear.scatter [tilespmem:s3], [sflag:$0x3], $0x8000, $0x38;
	[tilespmem:$0x15400] =	vst v63  }
0x1cb: {  	_ =	swait.ge [sflag:s18], $0x8000  }
0x1cc: {  	[sflag:s18] =	ssyncset.done $0x0  }
0x1cd: {  	s21 =	simm.s32 $0x980;
	[sflag:s18] =	ssyncadd.s32 $0xFFFF8000  }
0x1ce: {  	[tilespmem:s24], [sflag:$0x2] =	stream.indirect.gather [hbm4b:s1+s2], $0x80, s21, s2, $0xb8;
	[tilespmem:$0x15400] =	vst v63  }
0x1cf: {  	s12 =	simm.s32 $0xD80  }
0x1d0: {  	[tilespmem:s14], [sflag:$0x2] =	stream.indirect.gather [hbm4b:s1+s2], $0x80, s12, s2, $0xb8;
	[tilespmem:$0x15400] =	vst v63  }
0x1d1: {  	_ =	swait.ge [sflag:s23], $0x4000  }
0x1d2: {  	[sflag:s23] =	ssyncset.done $0x0  }
0x1d3: {  	[sflag:s23] =	ssyncadd.s32 $0xFFFFC000  }
0x1d4: {  	_ =	swait.ge [sflag:s23], $0x4000  }
0x1d5: {  	s15 =	sld [smem:$0x7E5]  }
0x1d6: {  	[sflag:s23] =	ssyncset.done $0x0  }
0x1d7: {  	[sflag:s23] =	ssyncadd.s32 $0xFFFFC000  }
0x1d8: {  	[hbm4b:s15+s0] =	stream.linear.scatter [tilespmem:s24], [sflag:$0x3], $0x8000, $0x38;
	[tilespmem:$0x15400] =	vst v63  }
0x1d9: {  	_ =	swait.ge [sflag:s18], $0x8000  }
0x1da: {  	[sflag:s18] =	ssyncset.done $0x0  }
0x1db: {  	[sflag:s18] =	ssyncadd.s32 $0xFFFF8000  }
0x1dc: {  	s1 =	simm.s32 $0x200;
	s10 =	rddreg [dreg:$0x7]  }
0x1dd: {  	[tilespmem:s3], [sflag:$0x2] =	stream.indirect.gather [hbm4b:s10+s2], $0x80, s1, s2, $0xb8;
	[tilespmem:$0x15400] =	vst v63  }
0x1de: {  	s16 =	simm.s32 $0x600  }
0x1df: {  	[tilespmem:s17], [sflag:$0x2] =	stream.indirect.gather [hbm4b:s10+s2], $0x80, s16, s2, $0xb8;
	[tilespmem:$0x15400] =	vst v63  }
0x1e0: {  	_ =	swait.ge [sflag:s23], $0x4000  }
0x1e1: {  	[sflag:s23] =	ssyncset.done $0x0  }
0x1e2: {  	[sflag:s23] =	ssyncadd.s32 $0xFFFFC000  }
0x1e3: {  	_ =	swait.ge [sflag:s23], $0x4000  }
0x1e4: {  	s4 =	sld [smem:$0x7E6]  }
0x1e5: {  	[sflag:s23] =	ssyncset.done $0x0  }
0x1e6: {  	[sflag:s23] =	ssyncadd.s32 $0xFFFFC000  }
0x1e7: {  	[hbm4b:s4+s0] =	stream.linear.scatter [tilespmem:s3], [sflag:$0x3], $0x8000, $0x38;
	[tilespmem:$0x15400] =	vst v63  }
0x1e8: {  	_ =	swait.ge [sflag:s18], $0x8000  }
0x1e9: {  	[sflag:s18] =	ssyncset.done $0x0  }
0x1ea: {  	s16 =	simm.s32 $0xA00;
	[sflag:s18] =	ssyncadd.s32 $0xFFFF8000  }
0x1eb: {  	[tilespmem:s24], [sflag:$0x2] =	stream.indirect.gather [hbm4b:s10+s2], $0x80, s16, s2, $0xb8;
	[tilespmem:$0x15400] =	vst v63  }
0x1ec: {  	s4 =	simm.s32 $0xE00  }
0x1ed: {  	[tilespmem:s14], [sflag:$0x2] =	stream.indirect.gather [hbm4b:s10+s2], $0x80, s4, s2, $0xb8;
	[tilespmem:$0x15400] =	vst v63  }
0x1ee: {  	_ =	swait.ge [sflag:s23], $0x4000  }
0x1ef: {  	[sflag:s23] =	ssyncset.done $0x0  }
0x1f0: {  	[sflag:s23] =	ssyncadd.s32 $0xFFFFC000  }
0x1f1: {  	_ =	swait.ge [sflag:s23], $0x4000  }
0x1f2: {  	s15 =	sld [smem:$0x7E7]  }
0x1f3: {  	[sflag:s23] =	ssyncset.done $0x0  }
0x1f4: {  	[sflag:s23] =	ssyncadd.s32 $0xFFFFC000  }
0x1f5: {  	[hbm4b:s15+s0] =	stream.linear.scatter [tilespmem:s24], [sflag:$0x3], $0x8000, $0x38;
	[tilespmem:$0x15400] =	vst v63  }
0x1f6: {  	_ =	swait.ge [sflag:s18], $0x8000  }
0x1f7: {  	[sflag:s18] =	ssyncset.done $0x0  }
0x1f8: {  	[sflag:s18] =	ssyncadd.s32 $0xFFFF8000  }
0x1f9: {  	s29 =	simm.s32 $0x280;
	s10 =	rddreg [dreg:$0x8]  }
0x1fa: {  	[tilespmem:s3], [sflag:$0x2] =	stream.indirect.gather [hbm4b:s10+s2], $0x80, s29, s2, $0xb8;
	[tilespmem:$0x15400] =	vst v63  }
0x1fb: {  	s15 =	simm.s32 $0x680  }
0x1fc: {  	[tilespmem:s17], [sflag:$0x2] =	stream.indirect.gather [hbm4b:s10+s2], $0x80, s15, s2, $0xb8;
	[tilespmem:$0x15400] =	vst v63  }
0x1fd: {  	_ =	swait.ge [sflag:s23], $0x4000  }
0x1fe: {  	[sflag:s23] =	ssyncset.done $0x0  }
0x1ff: {  	[sflag:s23] =	ssyncadd.s32 $0xFFFFC000  }
0x200: {  	_ =	swait.ge [sflag:s23], $0x4000  }
0x201: {  	s17 =	sld [smem:$0x7E8]  }
0x202: {  	[sflag:s23] =	ssyncset.done $0x0  }
0x203: {  	[sflag:s23] =	ssyncadd.s32 $0xFFFFC000  }
0x204: {  	[hbm4b:s17+s0] =	stream.linear.scatter [tilespmem:s3], [sflag:$0x3], $0x8000, $0x38;
	[tilespmem:$0x15400] =	vst v63  }
0x205: {  	_ =	swait.ge [sflag:s18], $0x8000  }
0x206: {  	[sflag:s18] =	ssyncset.done $0x0  }
0x207: {  	s3 =	simm.s32 $0xA80;
	[sflag:s18] =	ssyncadd.s32 $0xFFFF8000  }
0x208: {  	[tilespmem:s24], [sflag:$0x2] =	stream.indirect.gather [hbm4b:s10+s2], $0x80, s3, s2, $0xb8;
	[tilespmem:$0x15400] =	vst v63  }
0x209: {  	s17 =	simm.s32 $0xE80  }
0x20a: {  	[tilespmem:s14], [sflag:$0x2] =	stream.indirect.gather [hbm4b:s10+s2], $0x80, s17, s2, $0xb8;
	[tilespmem:$0x15400] =	vst v63  }
0x20b: {  	_ =	swait.ge [sflag:s23], $0x4000  }
0x20c: {  	[sflag:s23] =	ssyncset.done $0x0  }
0x20d: {  	[sflag:s23] =	ssyncadd.s32 $0xFFFFC000  }
0x20e: {  	_ =	swait.ge [sflag:s23], $0x4000  }
0x20f: {  	s14 =	sld [smem:$0x7E9]  }
0x210: {  	[sflag:s23] =	ssyncset.done $0x0  }
0x211: {  	[sflag:s23] =	ssyncadd.s32 $0xFFFFC000  }
0x212: {  	[hbm4b:s14+s0] =	stream.linear.scatter [tilespmem:s24], [sflag:$0x3], $0x8000, $0x38;
	[tilespmem:$0x15400] =	vst v63  }
0x213: {  	_ =	swait.ge [sflag:s18], $0x8000  }
0x214: {  	[sflag:s18] =	ssyncset.done $0x0  }
0x215: {  	[sflag:s18] =	ssyncadd.s32 $0xFFFF8000  }
0x216: {  	_ =	swait.ge [sflag:s18], $0x8000  }
0x217: {  	s5 =	sld [smem:$0x7D7];
	_ =	sdelay $0x2  }
0x218: {  	s14 =	sadd.s32 $0x1, s5;
	s5 =	sld [smem:$0x7EA];
	_ =	sdelay $0x2  }
0x219: {  	p0 =	sne.s32 s14, s5  }
.Ltmp5:
0x21a: {  	_ = 	snop;
	(pc) =	sbr.rel @p0 .LBB2_1-.Ltmp5, $3  }
0x21b: {  	_ =	sdelay $0x1  }
0x21c: {  	[sflag:s18] =	ssyncset.done $0x0  }
0x21d: {  	s10 =	simm.s32 $0x600;
	[sflag:s18] =	ssyncadd.s32 $0xFFFF8000  }
0x21e: {  	_ =	sfence.sel $0x180000  }
0x21f: {  	[bflag:$0x0] =	sbarrier.arrive $0xFFFF  }
0x220: {  	_ =	strace $0x90000047  }
0x221: {  	s0 =	stileid.u32;
	[bflag:$0x2] =	sbarrier.arrive $0xFFFF  }
0x222: {  	p0 =	sne.s32 s0, $0x0;
	s0 =	rddreg [dreg:$0xc]  }
0x223: {  	s0 =	sadd.s32 @!p0 $0x100000, s0  }
0x224: {  	[sflag:s0] =	ssyncadd.tile.s32 @!p0 $0x1;
	_ =	shalt  }
.Lfunc_end2:
_tile_overlayer_lowered:
.L_overlay_start_2:
0x225: {  	(tag) =	ssettag $0x2  }
0x226: {  	s0 =	rddreg [dreg:$0x0];
	s2 =	stileid.u32  }
0x227: {  	s1 =	rddreg [dreg:$0x1];
	p0 =	sne.s32 s2, $0x0  }
0x228: {  	s3 =	rddreg [dreg:$0x2];
	[bflag:$0x3] =	sbarrier.arrive $0xFFFF;
	s2 =	simm.s32 @!p0 $0x1C05  }
0x229: {  	[timem:s3], [sflag:s2] =	dma.local @!p0 [hbm:s0], s1  }
0x22a: {  	s0 =	simm.s32 @!p0 $0x5  }
0x22b: {  	_ =	swait.ge @!p0 [sflag:s0], s1  }
0x22c: {  	s1 =	ssub.s32 @!p0 $0x0, s1;
	[sflag:s0] =	ssyncset.done @!p0 $0x0  }
0x22d: {  	[sflag:s0] =	ssyncadd.s32 @!p0 s1  }
0x22e: {  	[bflag:$0x3] =	sbarrier.arrive $0xFFFF  }
0x22f: {  	_ =	shalt  }

</sc_bundles>
